<compile_context>
chip_gen: v7x
topology: tpu7x:2x2x1
jax: 0.10.2.dev20260603
libtpu: 0.0.44.dev20260713+nightly
codegen_flags: <defaults>
</compile_context>

<pallas_src>
import functools

import jax
import jax.numpy as jnp
from jax import lax
from jax.experimental import pallas as pl
from jax.experimental.pallas import tpu as pltpu
from jax.experimental.pallas import tpu_sc as plsc

B = 1024
L_POS = 20
L_SESS = 50
NUM_CLASSES = 100000
NEG_CAND = 256

_NTILES = 32
_COLS_PER_TILE = B // _NTILES
_ROWS_PER_TILE = B // _NTILES
_PPT = _ROWS_PER_TILE * L_POS
_NEG_ROWS = _COLS_PER_TILE * 8
_POS_CHUNKS = _PPT // 128


def _cand_pool():
    return jax.vmap(lambda k: jax.random.randint(k, (NEG_CAND,), 0, NUM_CLASSES))(
        jax.random.split(jax.random.key(42), B)
    )


def _neg_select_body(lab_ref, ses_ref, cand_ref, neg_ref):
    lab = lab_ref[...]
    ses = ses_ref[...]
    cnd = cand_ref[...]
    bad = jnp.zeros(cnd.shape, jnp.bool_)
    for t in range(L_POS):
        bad = bad | (cnd == lab[:, t][:, None])
    for t in range(L_SESS):
        bad = bad | (cnd == ses[:, t][:, None])
    ii = lax.broadcasted_iota(jnp.int32, cnd.shape, 1)
    score = jnp.where(bad, jnp.int32(1 << 20), ii)
    first = jnp.min(score, axis=1, keepdims=True)
    sel = jnp.where(first >= NEG_CAND, 0, first)
    neg_ref[...] = jnp.sum(jnp.where(ii == sel, cnd, 0), axis=1, keepdims=True)


def _neg_select(labels, sessions, cand):
    blk = 128
    return pl.pallas_call(
        _neg_select_body,
        grid=(B // blk,),
        in_specs=[
            pl.BlockSpec((blk, L_POS), lambda i: (i, 0)),
            pl.BlockSpec((blk, L_SESS), lambda i: (i, 0)),
            pl.BlockSpec((blk, NEG_CAND), lambda i: (i, 0)),
        ],
        out_specs=pl.BlockSpec((blk, 1), lambda i: (i, 0)),
        out_shape=jax.ShapeDtypeStruct((B, 1), jnp.int32),
    )(labels, sessions, cand)


def _sc_neg_body(view, neg_hbm, gneg_hbm, negw_v, idx_v, dat_v, sem):
    wid = lax.axis_index("s") * 2 + lax.axis_index("c")

    pltpu.sync_copy(neg_hbm.at[pl.ds(wid * _COLS_PER_TILE, _COLS_PER_TILE)],
                    negw_v.at[pl.ds(0, _COLS_PER_TILE)])

    three = jnp.full((16,), 3, jnp.int32)
    six = jnp.full((16,), 6, jnp.int32)
    seven = jnp.full((16,), 7, jnp.int32)

    for jc in range(_COLS_PER_TILE // 16):
        c = negw_v[pl.ds(jc * 16, 16)]
        base = lax.shift_left(lax.shift_right_logical(c, three), six) + (c & seven)
        for it in range(8):
            p0 = it * _COLS_PER_TILE + jc * 16
            idx_v[p0 // 128, pl.ds(p0 % 128, 16)] = (
                base + jnp.full((16,), it * 8, jnp.int32))

    cps = [pltpu.async_copy(view.at[idx_v.at[q]], dat_v.at[q], sem)
           for q in range(_NEG_ROWS // 128)]
    for cp in cps:
        cp.wait()
    pltpu.sync_copy(dat_v, gneg_hbm.at[wid])


def _sc_pos_body(view16, labflat, gpos_hbm, lab_v, pidx_v, pdat_v, sem):
    wid = lax.axis_index("s") * 2 + lax.axis_index("c")

    pltpu.sync_copy(labflat.at[pl.ds(wid * _PPT, _PPT)], lab_v)

    three = jnp.full((16,), 3, jnp.int32)
    four = jnp.full((16,), 4, jnp.int32)
    six = jnp.full((16,), 6, jnp.int32)
    seven = jnp.full((16,), 7, jnp.int32)
    m127 = jnp.full((16,), 127, jnp.int32)
    lane = lax.iota(jnp.int32, 16)

    for c40 in range(_PPT // 16):
        k0 = c40 * 16
        r0 = k0 // L_POS
        bound = (r0 + 1) * L_POS
        inc = jnp.where(lane >= jnp.full((16,), bound - k0, jnp.int32),
                        jnp.full((16,), 1, jnp.int32),
                        jnp.full((16,), 0, jnp.int32))
        ivec = jnp.full((16,), wid * _ROWS_PER_TILE + r0, jnp.int32) + inc
        cvec = lab_v[pl.ds(k0, 16)]
        rvec = (lax.shift_left(lax.shift_right_logical(cvec, three), six)
                + lax.shift_left(lax.shift_right_logical(ivec, seven), three)
                + (cvec & seven))
        gvec = (lax.shift_left(rvec, three)
                + lax.shift_right_logical(ivec & m127, four))
        pidx_v[c40 // 8, pl.ds((c40 % 8) * 16, 16)] = gvec

    cps = [pltpu.async_copy(view16.at[pidx_v.at[q]], pdat_v.at[q], sem)
           for q in range(_POS_CHUNKS)]
    for cp in cps:
        cp.wait()
    pltpu.sync_copy(pdat_v, gpos_hbm.at[wid])


@functools.cache
def _make_sc_neg():
    return pl.kernel(
        _sc_neg_body,
        mesh=plsc.VectorSubcoreMesh(core_axis_name="c", subcore_axis_name="s"),
        out_type=[
            jax.ShapeDtypeStruct((_NTILES, _NEG_ROWS // 128, 128, 128),
                                 jnp.float32),
        ],
        scratch_types=[
            pltpu.VMEM((128,), jnp.int32),
            pltpu.VMEM((_NEG_ROWS // 128, 128), jnp.int32),
            pltpu.VMEM((_NEG_ROWS // 128, 128, 128), jnp.float32),
            pltpu.SemaphoreType.DMA,
        ],
    )


@functools.cache
def _make_sc_pos():
    return pl.kernel(
        _sc_pos_body,
        mesh=plsc.VectorSubcoreMesh(core_axis_name="c", subcore_axis_name="s"),
        out_type=[
            jax.ShapeDtypeStruct((_NTILES, _POS_CHUNKS, 128, 16),
                                 jnp.float32),
        ],
        scratch_types=[
            pltpu.VMEM((_PPT,), jnp.int32),
            pltpu.VMEM((_POS_CHUNKS, 128), jnp.int32),
            pltpu.VMEM((_POS_CHUNKS, 128, 16), jnp.float32),
            pltpu.SemaphoreType.DMA,
        ],
        compiler_params=pltpu.CompilerParams(use_tc_tiling_on_sc=False),
    )


_GRID = 8
_NB = B * B // 128 // _GRID
_PB = B * L_POS * 16 // 128 // _GRID


def _loss_body(gn_ref, gp_ref, out_ref, acc_ref):
    step = pl.program_id(0)

    xn = gn_ref[...]
    sn = jax.nn.sigmoid(xn)
    neg_sum = jnp.sum(-jnp.log(1.0 - sn + 1e-10))

    praw = gp_ref[...]
    rr = lax.broadcasted_iota(jnp.int32, praw.shape, 0) + step * _PB
    ll = lax.broadcasted_iota(jnp.int32, praw.shape, 1)
    e = rr * 8 + ll // 16
    tgt = (e // L_POS) & 15
    mask = (ll & 15) == tgt
    gp = -jnp.log(jax.nn.sigmoid(praw) + 1e-10)
    pos_sum = jnp.sum(jnp.where(mask, gp, 0.0))

    part = neg_sum / B + pos_sum / (L_POS * B)

    @pl.when(step == 0)
    def _():
        acc_ref[0] = 0.0

    acc_ref[0] += part

    @pl.when(step == _GRID - 1)
    def _():
        out_ref[...] = jnp.reshape(acc_ref[0], (1, 1))


def _loss_reduce(gneg, gpos):
    return pl.pallas_call(
        _loss_body,
        grid=(_GRID,),
        in_specs=[
            pl.BlockSpec((_NB, 128), lambda i: (i, 0)),
            pl.BlockSpec((_PB, 128), lambda i: (i, 0)),
        ],
        out_specs=pl.BlockSpec((1, 1), lambda i: (0, 0)),
        out_shape=jax.ShapeDtypeStruct((1, 1), jnp.float32),
        scratch_shapes=[pltpu.SMEM((1,), jnp.float32)],
    )(gneg, gpos)


def kernel(outputs, labels, sessions):
    cand = _cand_pool()
    neg = _neg_select(labels, sessions, cand).reshape(B)
    view = (jnp.transpose(outputs)
            .reshape(NUM_CLASSES // 8, 8, 8, 128)
            .transpose(0, 2, 1, 3)
            .reshape(NUM_CLASSES * 8, 128))
    view16 = view.reshape(NUM_CLASSES * 64, 16)
    (gneg,) = _make_sc_neg()(view, neg)
    (gpos,) = _make_sc_pos()(view16, labels.reshape(-1))
    loss = _loss_reduce(gneg.reshape(B * B // 128, 128),
                        gpos.reshape(B * L_POS * 16 // 128, 128))
    return loss[0, 0]

# --- scband reference (transcript-rebuilt; emitter-appended) ---
"""Pipeline reference for scband-bce-loss-mt-31164282700295 (READ-ONLY COPY).

The authoritative reference and input builder live on the scoring server;
editing this copy changes nothing except your own understanding.
"""

import jax, jax.numpy as jnp
import numpy as np

B = 1024
L_POS = 20
L_SESS = 50
NUM_CLASSES = 100000
NEG_CAND = 256

def setup_inputs(seed: int = 0) -> dict:
    key = jax.random.key(seed)
    k1, k2, k3 = jax.random.split(key, 3)
    outputs = jax.random.normal(k1, (B, NUM_CLASSES), dtype=jnp.float32)
    labels = jax.random.randint(k2, (B, L_POS), 0, NUM_CLASSES)
    sessions = jax.random.randint(k3, (B, L_SESS), 0, NUM_CLASSES)
    return {"outputs": outputs, "labels": labels, "sessions": sessions}

def _row_unique(x):
    L = x.shape[0]
    s = jnp.sort(x)
    is_new = jnp.concatenate([jnp.array([True]), s[1:] != s[:-1]])
    gid = jnp.cumsum(is_new) - 1
    uniq = jnp.full((L,), -1, dtype=s.dtype).at[gid].set(s)
    counts = jnp.zeros((L,), dtype=jnp.float32).at[gid].add(1.0)
    return uniq, counts

def _neg_sample(key, uniq, sess, num_classes):
    cand = jax.random.randint(key, (NEG_CAND,), 0, num_classes)
    bad = jnp.isin(cand, uniq) | jnp.isin(cand, sess)
    idx = jnp.argmax(~bad)
    return cand[idx]

def reference(outputs, labels, sessions):
    batch_size = labels.shape[0]
    num_classes = outputs.shape[1]
    # per-row unique positive labels with counts, padded with -1 / 0
    unique_pos_batch, counts_batch = jax.vmap(_row_unique)(labels)
    valid_pos_mask = (unique_pos_batch != -1).astype(jnp.float32)
    # negative sampling: first random class not in positives or session
    nkey = jax.random.key(42)
    nkeys = jax.random.split(nkey, batch_size)
    neg_samples = jax.vmap(lambda k, u, s: _neg_sample(k, u, s, num_classes))(nkeys, unique_pos_batch, sessions)
    # positive term
    pos_scores = jnp.take_along_axis(outputs, jnp.clip(unique_pos_batch, 0, None), axis=1) * valid_pos_mask
    pos_prob = jax.nn.sigmoid(pos_scores)
    pos_entropy = -jnp.log(pos_prob + 1e-10)
    pos_entropy = pos_entropy * counts_batch / jnp.sum(counts_batch, axis=1, keepdims=True)
    pos_entropy = pos_entropy * valid_pos_mask
    pos_entropy = jnp.sum(pos_entropy) / batch_size
    # negative term (outputs[:, neg_samples] -> [B, B], faithful to torch)
    neg_scores = jnp.take(outputs, neg_samples, axis=1)
    neg_prob = jax.nn.sigmoid(neg_scores)
    neg_entropy = -jnp.log(1.0 - neg_prob + 1e-10)
    neg_entropy = jnp.sum(neg_entropy) / batch_size
    return pos_entropy + neg_entropy

if __name__ == "__main__":
    import jax
    _d = setup_inputs()
    print(jax.jit(kernel)(*tuple(_d.values())))

</pallas_src>

<mosaic_0001>
#map = affine_map<(d0, d1) -> (0, 0)>
#map1 = affine_map<(d0, d1) -> (0)>
#map2 = affine_map<(d0, d1) -> (0, 0, 0, 0)>
module attributes {stable_mosaic.version = 14 : i64} {
  func.func @_sc_pos_body(%arg0: i32, %arg1: i32, %arg2: memref<6400000x16xf32, #tpu.memory_space<hbm>>, %arg3: memref<20480xi32, #tpu.memory_space<hbm>>, %arg4: memref<32x5x128x16xf32, #tpu.memory_space<hbm>>, %arg5: memref<640xi32, #tpu.memory_space<vmem>>, %arg6: memref<5x128xi32, #tpu.memory_space<vmem>>, %arg7: memref<5x128x16xf32, #tpu.memory_space<vmem>>, %arg8: memref<!tpu.dma_semaphore, #tpu.memory_space<semaphore_mem>>) attributes {dimension_semantics = [#tpu.dimension_semantics<core_parallel>, #tpu.dimension_semantics<subcore_parallel>], iteration_bounds = array<i64: 2, 16>, scalar_prefetch = 0 : i64, scratch_operands = 4 : i64, tpu.core_type = #tpu.core_type<sc_vector_subcore>, window_params = [{transform_indices = #map}, {transform_indices = #map1}, {transform_indices = #map2}]} {
    %mul3A = arith.constant 2 : i32
    %mul3A_0 = arith.muli %arg1, %mul3A : i32
    %add3A = arith.addi %mul3A_0, %arg0 : i32
    %mul3A_1 = arith.constant 640 : i32
    %mul3A_2 = arith.muli %add3A, %mul3A_1 : i32
    "tpu.region"() ({
      %run_scoped3A = tpu.sem_alloc : memref<!tpu.dma_semaphore, #tpu.memory_space<semaphore_mem>>
      %dma_start3A_1483 = tpu.memref_slice %arg3[%mul3A_2] : memref<20480xi32, #tpu.memory_space<hbm>> -> memref<640xi32, #tpu.memory_space<hbm>>
      %dma_start3A_1484 = tpu.memref_slice %arg3[%mul3A_2] : memref<20480xi32, #tpu.memory_space<hbm>> -> memref<640xi32, #tpu.memory_space<hbm>>
      tpu.enqueue_dma source(%dma_start3A_1484 : memref<640xi32, #tpu.memory_space<hbm>>) target(%arg5 : memref<640xi32, #tpu.memory_space<vmem>>) target_semaphore(%run_scoped3A : memref<!tpu.dma_semaphore, #tpu.memory_space<semaphore_mem>>)
      %dma_wait3A_1485 = tpu.memref_slice %arg3[%mul3A_2] : memref<20480xi32, #tpu.memory_space<hbm>> -> memref<640xi32, #tpu.memory_space<hbm>>
      %dma_wait3A_1486 = tpu.memref_slice %arg3[%mul3A_2] : memref<20480xi32, #tpu.memory_space<hbm>> -> memref<640xi32, #tpu.memory_space<hbm>>
      tpu.wait_dma2 semaphore(%run_scoped3A : memref<!tpu.dma_semaphore, #tpu.memory_space<semaphore_mem>>) src(%dma_wait3A_1486 : memref<640xi32, #tpu.memory_space<hbm>>) dst(%arg5 : memref<640xi32, #tpu.memory_space<vmem>>)
      tpu.yield
    }) : () -> ()
    %broadcast_in_dim3A = arith.constant 3 : i32
    %broadcast_in_dim3A_3 = vector.broadcast %broadcast_in_dim3A : i32 to vector<16xi32>
    %broadcast_in_dim3A_4 = arith.constant 4 : i32
    %broadcast_in_dim3A_5 = vector.broadcast %broadcast_in_dim3A_4 : i32 to vector<16xi32>
    %broadcast_in_dim3A_6 = arith.constant 6 : i32
    %broadcast_in_dim3A_7 = vector.broadcast %broadcast_in_dim3A_6 : i32 to vector<16xi32>
    %broadcast_in_dim3A_8 = arith.constant 7 : i32
    %broadcast_in_dim3A_9 = vector.broadcast %broadcast_in_dim3A_8 : i32 to vector<16xi32>
    %broadcast_in_dim3A_10 = arith.constant 127 : i32
    %broadcast_in_dim3A_11 = vector.broadcast %broadcast_in_dim3A_10 : i32 to vector<16xi32>
    %iota3A = tpu.iota {dimensions = array<i32: 0>} : vector<16xi32>
    %broadcast_in_dim3A_12 = arith.constant 20 : i32
    %broadcast_in_dim3A_13 = vector.broadcast %broadcast_in_dim3A_12 : i32 to vector<16xi32>
    %ge3A = arith.cmpi sge, %iota3A, %broadcast_in_dim3A_13 : vector<16xi32>
    %broadcast_in_dim3A_14 = arith.constant 1 : i32
    %broadcast_in_dim3A_15 = vector.broadcast %broadcast_in_dim3A_14 : i32 to vector<16xi32>
    %broadcast_in_dim3A_16 = arith.constant 0 : i32
    %broadcast_in_dim3A_17 = vector.broadcast %broadcast_in_dim3A_16 : i32 to vector<16xi32>
    %select_n3A = arith.select %ge3A, %broadcast_in_dim3A_15, %broadcast_in_dim3A_17 : vector<16xi1>, vector<16xi32>
    %mul3A_18 = arith.constant 32 : i32
    %mul3A_19 = arith.muli %add3A, %mul3A_18 : i32
    %add3A_20 = arith.constant 0 : i32
    %add3A_21 = arith.addi %mul3A_19, %add3A_20 : i32
    %broadcast_in_dim3A_22 = vector.broadcast %add3A_21 : i32 to vector<16xi32>
    %add3A_23 = arith.addi %broadcast_in_dim3A_22, %select_n3A : vector<16xi32>
    %get3A = arith.constant 0 : index
    %get3A_24 = tpu.vector_load %arg5[%get3A] {strides = array<i32>} : memref<640xi32, #tpu.memory_space<vmem>>, vector<16xi32>,
    %get3A_25 = vector.shape_cast %get3A_24 : vector<16xi32> to vector<16xi32>
    %shift_right_logical3A = arith.shrui %get3A_25, %broadcast_in_dim3A_3 : vector<16xi32>
    %shift_left3A = arith.shli %shift_right_logical3A, %broadcast_in_dim3A_7 : vector<16xi32>
    %shift_right_logical3A_26 = arith.shrui %add3A_23, %broadcast_in_dim3A_9 : vector<16xi32>
    %shift_left3A_27 = arith.shli %shift_right_logical3A_26, %broadcast_in_dim3A_3 : vector<16xi32>
    %add3A_28 = arith.addi %shift_left3A, %shift_left3A_27 : vector<16xi32>
    %and3A = arith.andi %get3A_25, %broadcast_in_dim3A_9 : vector<16xi32>
    %add3A_29 = arith.addi %add3A_28, %and3A : vector<16xi32>
    %shift_left3A_30 = arith.shli %add3A_29, %broadcast_in_dim3A_3 : vector<16xi32>
    %and3A_31 = arith.andi %add3A_23, %broadcast_in_dim3A_11 : vector<16xi32>
    %shift_right_logical3A_32 = arith.shrui %and3A_31, %broadcast_in_dim3A_5 : vector<16xi32>
    %add3A_33 = arith.addi %shift_left3A_30, %shift_right_logical3A_32 : vector<16xi32>
    %swap3A = arith.constant 0 : i32
    %swap3A_34 = arith.index_cast %swap3A : i32 to index
    %swap3A_35 = arith.constant 0 : index
    %swap3A_36 = tpu.vector_load %arg6[%swap3A_34, %swap3A_35] {strides = array<i32>} : memref<5x128xi32, #tpu.memory_space<vmem>>, vector<1x16xi32>,
    %swap3A_37 = vector.shape_cast %swap3A_36 : vector<1x16xi32> to vector<16xi32>
    %swap3A_38 = vector.shape_cast %add3A_33 : vector<16xi32> to vector<1x16xi32>
    tpu.vector_store %arg6[%swap3A_34, %swap3A_35], %swap3A_38 {strides = array<i32>} : memref<5x128xi32, #tpu.memory_space<vmem>>, vector<1x16xi32>,
    %broadcast_in_dim3A_39 = arith.constant 4 : i32
    %broadcast_in_dim3A_40 = vector.broadcast %broadcast_in_dim3A_39 : i32 to vector<16xi32>
    %ge3A_41 = arith.cmpi sge, %iota3A, %broadcast_in_dim3A_40 : vector<16xi32>
    %broadcast_in_dim3A_42 = arith.constant 1 : i32
    %broadcast_in_dim3A_43 = vector.broadcast %broadcast_in_dim3A_42 : i32 to vector<16xi32>
    %broadcast_in_dim3A_44 = arith.constant 0 : i32
    %broadcast_in_dim3A_45 = vector.broadcast %broadcast_in_dim3A_44 : i32 to vector<16xi32>
    %select_n3A_46 = arith.select %ge3A_41, %broadcast_in_dim3A_43, %broadcast_in_dim3A_45 : vector<16xi1>, vector<16xi32>
    %mul3A_47 = arith.constant 32 : i32
    %mul3A_48 = arith.muli %add3A, %mul3A_47 : i32
    %add3A_49 = arith.constant 0 : i32
    %add3A_50 = arith.addi %mul3A_48, %add3A_49 : i32
    %broadcast_in_dim3A_51 = vector.broadcast %add3A_50 : i32 to vector<16xi32>
    %add3A_52 = arith.addi %broadcast_in_dim3A_51, %select_n3A_46 : vector<16xi32>
    %get3A_53 = arith.constant 16 : index
    %get3A_54 = tpu.vector_load %arg5[%get3A_53] {strides = array<i32>} : memref<640xi32, #tpu.memory_space<vmem>>, vector<16xi32>,
    %get3A_55 = vector.shape_cast %get3A_54 : vector<16xi32> to vector<16xi32>
    %shift_right_logical3A_56 = arith.shrui %get3A_55, %broadcast_in_dim3A_3 : vector<16xi32>
    %shift_left3A_57 = arith.shli %shift_right_logical3A_56, %broadcast_in_dim3A_7 : vector<16xi32>
    %shift_right_logical3A_58 = arith.shrui %add3A_52, %broadcast_in_dim3A_9 : vector<16xi32>
    %shift_left3A_59 = arith.shli %shift_right_logical3A_58, %broadcast_in_dim3A_3 : vector<16xi32>
    %add3A_60 = arith.addi %shift_left3A_57, %shift_left3A_59 : vector<16xi32>
    %and3A_61 = arith.andi %get3A_55, %broadcast_in_dim3A_9 : vector<16xi32>
    %add3A_62 = arith.addi %add3A_60, %and3A_61 : vector<16xi32>
    %shift_left3A_63 = arith.shli %add3A_62, %broadcast_in_dim3A_3 : vector<16xi32>
    %and3A_64 = arith.andi %add3A_52, %broadcast_in_dim3A_11 : vector<16xi32>
    %shift_right_logical3A_65 = arith.shrui %and3A_64, %broadcast_in_dim3A_5 : vector<16xi32>
    %add3A_66 = arith.addi %shift_left3A_63, %shift_right_logical3A_65 : vector<16xi32>
    %swap3A_67 = arith.constant 0 : i32
    %swap3A_68 = arith.index_cast %swap3A_67 : i32 to index
    %swap3A_69 = arith.constant 16 : index
    %swap3A_70 = tpu.vector_load %arg6[%swap3A_68, %swap3A_69] {strides = array<i32>} : memref<5x128xi32, #tpu.memory_space<vmem>>, vector<1x16xi32>,
    %swap3A_71 = vector.shape_cast %swap3A_70 : vector<1x16xi32> to vector<16xi32>
    %swap3A_72 = vector.shape_cast %add3A_66 : vector<16xi32> to vector<1x16xi32>
    tpu.vector_store %arg6[%swap3A_68, %swap3A_69], %swap3A_72 {strides = array<i32>} : memref<5x128xi32, #tpu.memory_space<vmem>>, vector<1x16xi32>,
    %broadcast_in_dim3A_73 = arith.constant 8 : i32
    %broadcast_in_dim3A_74 = vector.broadcast %broadcast_in_dim3A_73 : i32 to vector<16xi32>
    %ge3A_75 = arith.cmpi sge, %iota3A, %broadcast_in_dim3A_74 : vector<16xi32>
    %broadcast_in_dim3A_76 = arith.constant 1 : i32
    %broadcast_in_dim3A_77 = vector.broadcast %broadcast_in_dim3A_76 : i32 to vector<16xi32>
    %broadcast_in_dim3A_78 = arith.constant 0 : i32
    %broadcast_in_dim3A_79 = vector.broadcast %broadcast_in_dim3A_78 : i32 to vector<16xi32>
    %select_n3A_80 = arith.select %ge3A_75, %broadcast_in_dim3A_77, %broadcast_in_dim3A_79 : vector<16xi1>, vector<16xi32>
    %mul3A_81 = arith.constant 32 : i32
    %mul3A_82 = arith.muli %add3A, %mul3A_81 : i32
    %add3A_83 = arith.constant 1 : i32
    %add3A_84 = arith.addi %mul3A_82, %add3A_83 : i32
    %broadcast_in_dim3A_85 = vector.broadcast %add3A_84 : i32 to vector<16xi32>
    %add3A_86 = arith.addi %broadcast_in_dim3A_85, %select_n3A_80 : vector<16xi32>
    %get3A_87 = arith.constant 32 : index
    %get3A_88 = tpu.vector_load %arg5[%get3A_87] {strides = array<i32>} : memref<640xi32, #tpu.memory_space<vmem>>, vector<16xi32>,
    %get3A_89 = vector.shape_cast %get3A_88 : vector<16xi32> to vector<16xi32>
    %shift_right_logical3A_90 = arith.shrui %get3A_89, %broadcast_in_dim3A_3 : vector<16xi32>
    %shift_left3A_91 = arith.shli %shift_right_logical3A_90, %broadcast_in_dim3A_7 : vector<16xi32>
    %shift_right_logical3A_92 = arith.shrui %add3A_86, %broadcast_in_dim3A_9 : vector<16xi32>
    %shift_left3A_93 = arith.shli %shift_right_logical3A_92, %broadcast_in_dim3A_3 : vector<16xi32>
    %add3A_94 = arith.addi %shift_left3A_91, %shift_left3A_93 : vector<16xi32>
    %and3A_95 = arith.andi %get3A_89, %broadcast_in_dim3A_9 : vector<16xi32>
    %add3A_96 = arith.addi %add3A_94, %and3A_95 : vector<16xi32>
    %shift_left3A_97 = arith.shli %add3A_96, %broadcast_in_dim3A_3 : vector<16xi32>
    %and3A_98 = arith.andi %add3A_86, %broadcast_in_dim3A_11 : vector<16xi32>
    %shift_right_logical3A_99 = arith.shrui %and3A_98, %broadcast_in_dim3A_5 : vector<16xi32>
    %add3A_100 = arith.addi %shift_left3A_97, %shift_right_logical3A_99 : vector<16xi32>
    %swap3A_101 = arith.constant 0 : i32
    %swap3A_102 = arith.index_cast %swap3A_101 : i32 to index
    %swap3A_103 = arith.constant 32 : index
    %swap3A_104 = tpu.vector_load %arg6[%swap3A_102, %swap3A_103] {strides = array<i32>} : memref<5x128xi32, #tpu.memory_space<vmem>>, vector<1x16xi32>,
    %swap3A_105 = vector.shape_cast %swap3A_104 : vector<1x16xi32> to vector<16xi32>
    %swap3A_106 = vector.shape_cast %add3A_100 : vector<16xi32> to vector<1x16xi32>
    tpu.vector_store %arg6[%swap3A_102, %swap3A_103], %swap3A_106 {strides = array<i32>} : memref<5x128xi32, #tpu.memory_space<vmem>>, vector<1x16xi32>,
    %broadcast_in_dim3A_107 = arith.constant 12 : i32
    %broadcast_in_dim3A_108 = vector.broadcast %broadcast_in_dim3A_107 : i32 to vector<16xi32>
    %ge3A_109 = arith.cmpi sge, %iota3A, %broadcast_in_dim3A_108 : vector<16xi32>
    %broadcast_in_dim3A_110 = arith.constant 1 : i32
    %broadcast_in_dim3A_111 = vector.broadcast %broadcast_in_dim3A_110 : i32 to vector<16xi32>
    %broadcast_in_dim3A_112 = arith.constant 0 : i32
    %broadcast_in_dim3A_113 = vector.broadcast %broadcast_in_dim3A_112 : i32 to vector<16xi32>
    %select_n3A_114 = arith.select %ge3A_109, %broadcast_in_dim3A_111, %broadcast_in_dim3A_113 : vector<16xi1>, vector<16xi32>
    %mul3A_115 = arith.constant 32 : i32
    %mul3A_116 = arith.muli %add3A, %mul3A_115 : i32
    %add3A_117 = arith.constant 2 : i32
    %add3A_118 = arith.addi %mul3A_116, %add3A_117 : i32
    %broadcast_in_dim3A_119 = vector.broadcast %add3A_118 : i32 to vector<16xi32>
    %add3A_120 = arith.addi %broadcast_in_dim3A_119, %select_n3A_114 : vector<16xi32>
    %get3A_121 = arith.constant 48 : index
    %get3A_122 = tpu.vector_load %arg5[%get3A_121] {strides = array<i32>} : memref<640xi32, #tpu.memory_space<vmem>>, vector<16xi32>,
    %get3A_123 = vector.shape_cast %get3A_122 : vector<16xi32> to vector<16xi32>
    %shift_right_logical3A_124 = arith.shrui %get3A_123, %broadcast_in_dim3A_3 : vector<16xi32>
    %shift_left3A_125 = arith.shli %shift_right_logical3A_124, %broadcast_in_dim3A_7 : vector<16xi32>
    %shift_right_logical3A_126 = arith.shrui %add3A_120, %broadcast_in_dim3A_9 : vector<16xi32>
    %shift_left3A_127 = arith.shli %shift_right_logical3A_126, %broadcast_in_dim3A_3 : vector<16xi32>
    %add3A_128 = arith.addi %shift_left3A_125, %shift_left3A_127 : vector<16xi32>
    %and3A_129 = arith.andi %get3A_123, %broadcast_in_dim3A_9 : vector<16xi32>
    %add3A_130 = arith.addi %add3A_128, %and3A_129 : vector<16xi32>
    %shift_left3A_131 = arith.shli %add3A_130, %broadcast_in_dim3A_3 : vector<16xi32>
    %and3A_132 = arith.andi %add3A_120, %broadcast_in_dim3A_11 : vector<16xi32>
    %shift_right_logical3A_133 = arith.shrui %and3A_132, %broadcast_in_dim3A_5 : vector<16xi32>
    %add3A_134 = arith.addi %shift_left3A_131, %shift_right_logical3A_133 : vector<16xi32>
    %swap3A_135 = arith.constant 0 : i32
    %swap3A_136 = arith.index_cast %swap3A_135 : i32 to index
    %swap3A_137 = arith.constant 48 : index
    %swap3A_138 = tpu.vector_load %arg6[%swap3A_136, %swap3A_137] {strides = array<i32>} : memref<5x128xi32, #tpu.memory_space<vmem>>, vector<1x16xi32>,
    %swap3A_139 = vector.shape_cast %swap3A_138 : vector<1x16xi32> to vector<16xi32>
    %swap3A_140 = vector.shape_cast %add3A_134 : vector<16xi32> to vector<1x16xi32>
    tpu.vector_store %arg6[%swap3A_136, %swap3A_137], %swap3A_140 {strides = array<i32>} : memref<5x128xi32, #tpu.memory_space<vmem>>, vector<1x16xi32>,
    %broadcast_in_dim3A_141 = arith.constant 16 : i32
    %broadcast_in_dim3A_142 = vector.broadcast %broadcast_in_dim3A_141 : i32 to vector<16xi32>
    %ge3A_143 = arith.cmpi sge, %iota3A, %broadcast_in_dim3A_142 : vector<16xi32>
    %broadcast_in_dim3A_144 = arith.constant 1 : i32
    %broadcast_in_dim3A_145 = vector.broadcast %broadcast_in_dim3A_144 : i32 to vector<16xi32>
    %broadcast_in_dim3A_146 = arith.constant 0 : i32
    %broadcast_in_dim3A_147 = vector.broadcast %broadcast_in_dim3A_146 : i32 to vector<16xi32>
    %select_n3A_148 = arith.select %ge3A_143, %broadcast_in_dim3A_145, %broadcast_in_dim3A_147 : vector<16xi1>, vector<16xi32>
    %mul3A_149 = arith.constant 32 : i32
    %mul3A_150 = arith.muli %add3A, %mul3A_149 : i32
    %add3A_151 = arith.constant 3 : i32
    %add3A_152 = arith.addi %mul3A_150, %add3A_151 : i32
    %broadcast_in_dim3A_153 = vector.broadcast %add3A_152 : i32 to vector<16xi32>
    %add3A_154 = arith.addi %broadcast_in_dim3A_153, %select_n3A_148 : vector<16xi32>
    %get3A_155 = arith.constant 64 : index
    %get3A_156 = tpu.vector_load %arg5[%get3A_155] {strides = array<i32>} : memref<640xi32, #tpu.memory_space<vmem>>, vector<16xi32>,
    %get3A_157 = vector.shape_cast %get3A_156 : vector<16xi32> to vector<16xi32>
    %shift_right_logical3A_158 = arith.shrui %get3A_157, %broadcast_in_dim3A_3 : vector<16xi32>
    %shift_left3A_159 = arith.shli %shift_right_logical3A_158, %broadcast_in_dim3A_7 : vector<16xi32>
    %shift_right_logical3A_160 = arith.shrui %add3A_154, %broadcast_in_dim3A_9 : vector<16xi32>
    %shift_left3A_161 = arith.shli %shift_right_logical3A_160, %broadcast_in_dim3A_3 : vector<16xi32>
    %add3A_162 = arith.addi %shift_left3A_159, %shift_left3A_161 : vector<16xi32>
    %and3A_163 = arith.andi %get3A_157, %broadcast_in_dim3A_9 : vector<16xi32>
    %add3A_164 = arith.addi %add3A_162, %and3A_163 : vector<16xi32>
    %shift_left3A_165 = arith.shli %add3A_164, %broadcast_in_dim3A_3 : vector<16xi32>
    %and3A_166 = arith.andi %add3A_154, %broadcast_in_dim3A_11 : vector<16xi32>
    %shift_right_logical3A_167 = arith.shrui %and3A_166, %broadcast_in_dim3A_5 : vector<16xi32>
    %add3A_168 = arith.addi %shift_left3A_165, %shift_right_logical3A_167 : vector<16xi32>
    %swap3A_169 = arith.constant 0 : i32
    %swap3A_170 = arith.index_cast %swap3A_169 : i32 to index
    %swap3A_171 = arith.constant 64 : index
    %swap3A_172 = tpu.vector_load %arg6[%swap3A_170, %swap3A_171] {strides = array<i32>} : memref<5x128xi32, #tpu.memory_space<vmem>>, vector<1x16xi32>,
    %swap3A_173 = vector.shape_cast %swap3A_172 : vector<1x16xi32> to vector<16xi32>
    %swap3A_174 = vector.shape_cast %add3A_168 : vector<16xi32> to vector<1x16xi32>
    tpu.vector_store %arg6[%swap3A_170, %swap3A_171], %swap3A_174 {strides = array<i32>} : memref<5x128xi32, #tpu.memory_space<vmem>>, vector<1x16xi32>,
    %broadcast_in_dim3A_175 = arith.constant 20 : i32
    %broadcast_in_dim3A_176 = vector.broadcast %broadcast_in_dim3A_175 : i32 to vector<16xi32>
    %ge3A_177 = arith.cmpi sge, %iota3A, %broadcast_in_dim3A_176 : vector<16xi32>
    %broadcast_in_dim3A_178 = arith.constant 1 : i32
    %broadcast_in_dim3A_179 = vector.broadcast %broadcast_in_dim3A_178 : i32 to vector<16xi32>
    %broadcast_in_dim3A_180 = arith.constant 0 : i32
    %broadcast_in_dim3A_181 = vector.broadcast %broadcast_in_dim3A_180 : i32 to vector<16xi32>
    %select_n3A_182 = arith.select %ge3A_177, %broadcast_in_dim3A_179, %broadcast_in_dim3A_181 : vector<16xi1>, vector<16xi32>
    %mul3A_183 = arith.constant 32 : i32
    %mul3A_184 = arith.muli %add3A, %mul3A_183 : i32
    %add3A_185 = arith.constant 4 : i32
    %add3A_186 = arith.addi %mul3A_184, %add3A_185 : i32
    %broadcast_in_dim3A_187 = vector.broadcast %add3A_186 : i32 to vector<16xi32>
    %add3A_188 = arith.addi %broadcast_in_dim3A_187, %select_n3A_182 : vector<16xi32>
    %get3A_189 = arith.constant 80 : index
    %get3A_190 = tpu.vector_load %arg5[%get3A_189] {strides = array<i32>} : memref<640xi32, #tpu.memory_space<vmem>>, vector<16xi32>,
    %get3A_191 = vector.shape_cast %get3A_190 : vector<16xi32> to vector<16xi32>
    %shift_right_logical3A_192 = arith.shrui %get3A_191, %broadcast_in_dim3A_3 : vector<16xi32>
    %shift_left3A_193 = arith.shli %shift_right_logical3A_192, %broadcast_in_dim3A_7 : vector<16xi32>
    %shift_right_logical3A_194 = arith.shrui %add3A_188, %broadcast_in_dim3A_9 : vector<16xi32>
    %shift_left3A_195 = arith.shli %shift_right_logical3A_194, %broadcast_in_dim3A_3 : vector<16xi32>
    %add3A_196 = arith.addi %shift_left3A_193, %shift_left3A_195 : vector<16xi32>
    %and3A_197 = arith.andi %get3A_191, %broadcast_in_dim3A_9 : vector<16xi32>
    %add3A_198 = arith.addi %add3A_196, %and3A_197 : vector<16xi32>
    %shift_left3A_199 = arith.shli %add3A_198, %broadcast_in_dim3A_3 : vector<16xi32>
    %and3A_200 = arith.andi %add3A_188, %broadcast_in_dim3A_11 : vector<16xi32>
    %shift_right_logical3A_201 = arith.shrui %and3A_200, %broadcast_in_dim3A_5 : vector<16xi32>
    %add3A_202 = arith.addi %shift_left3A_199, %shift_right_logical3A_201 : vector<16xi32>
    %swap3A_203 = arith.constant 0 : i32
    %swap3A_204 = arith.index_cast %swap3A_203 : i32 to index
    %swap3A_205 = arith.constant 80 : index
    %swap3A_206 = tpu.vector_load %arg6[%swap3A_204, %swap3A_205] {strides = array<i32>} : memref<5x128xi32, #tpu.memory_space<vmem>>, vector<1x16xi32>,
    %swap3A_207 = vector.shape_cast %swap3A_206 : vector<1x16xi32> to vector<16xi32>
    %swap3A_208 = vector.shape_cast %add3A_202 : vector<16xi32> to vector<1x16xi32>
    tpu.vector_store %arg6[%swap3A_204, %swap3A_205], %swap3A_208 {strides = array<i32>} : memref<5x128xi32, #tpu.memory_space<vmem>>, vector<1x16xi32>,
    %broadcast_in_dim3A_209 = arith.constant 4 : i32
    %broadcast_in_dim3A_210 = vector.broadcast %broadcast_in_dim3A_209 : i32 to vector<16xi32>
    %ge3A_211 = arith.cmpi sge, %iota3A, %broadcast_in_dim3A_210 : vector<16xi32>
    %broadcast_in_dim3A_212 = arith.constant 1 : i32
    %broadcast_in_dim3A_213 = vector.broadcast %broadcast_in_dim3A_212 : i32 to vector<16xi32>
    %broadcast_in_dim3A_214 = arith.constant 0 : i32
    %broadcast_in_dim3A_215 = vector.broadcast %broadcast_in_dim3A_214 : i32 to vector<16xi32>
    %select_n3A_216 = arith.select %ge3A_211, %broadcast_in_dim3A_213, %broadcast_in_dim3A_215 : vector<16xi1>, vector<16xi32>
    %mul3A_217 = arith.constant 32 : i32
    %mul3A_218 = arith.muli %add3A, %mul3A_217 : i32
    %add3A_219 = arith.constant 4 : i32
    %add3A_220 = arith.addi %mul3A_218, %add3A_219 : i32
    %broadcast_in_dim3A_221 = vector.broadcast %add3A_220 : i32 to vector<16xi32>
    %add3A_222 = arith.addi %broadcast_in_dim3A_221, %select_n3A_216 : vector<16xi32>
    %get3A_223 = arith.constant 96 : index
    %get3A_224 = tpu.vector_load %arg5[%get3A_223] {strides = array<i32>} : memref<640xi32, #tpu.memory_space<vmem>>, vector<16xi32>,
    %get3A_225 = vector.shape_cast %get3A_224 : vector<16xi32> to vector<16xi32>
    %shift_right_logical3A_226 = arith.shrui %get3A_225, %broadcast_in_dim3A_3 : vector<16xi32>
    %shift_left3A_227 = arith.shli %shift_right_logical3A_226, %broadcast_in_dim3A_7 : vector<16xi32>
    %shift_right_logical3A_228 = arith.shrui %add3A_222, %broadcast_in_dim3A_9 : vector<16xi32>
    %shift_left3A_229 = arith.shli %shift_right_logical3A_228, %broadcast_in_dim3A_3 : vector<16xi32>
    %add3A_230 = arith.addi %shift_left3A_227, %shift_left3A_229 : vector<16xi32>
    %and3A_231 = arith.andi %get3A_225, %broadcast_in_dim3A_9 : vector<16xi32>
    %add3A_232 = arith.addi %add3A_230, %and3A_231 : vector<16xi32>
    %shift_left3A_233 = arith.shli %add3A_232, %broadcast_in_dim3A_3 : vector<16xi32>
    %and3A_234 = arith.andi %add3A_222, %broadcast_in_dim3A_11 : vector<16xi32>
    %shift_right_logical3A_235 = arith.shrui %and3A_234, %broadcast_in_dim3A_5 : vector<16xi32>
    %add3A_236 = arith.addi %shift_left3A_233, %shift_right_logical3A_235 : vector<16xi32>
    %swap3A_237 = arith.constant 0 : i32
    %swap3A_238 = arith.index_cast %swap3A_237 : i32 to index
    %swap3A_239 = arith.constant 96 : index
    %swap3A_240 = tpu.vector_load %arg6[%swap3A_238, %swap3A_239] {strides = array<i32>} : memref<5x128xi32, #tpu.memory_space<vmem>>, vector<1x16xi32>,
    %swap3A_241 = vector.shape_cast %swap3A_240 : vector<1x16xi32> to vector<16xi32>
    %swap3A_242 = vector.shape_cast %add3A_236 : vector<16xi32> to vector<1x16xi32>
    tpu.vector_store %arg6[%swap3A_238, %swap3A_239], %swap3A_242 {strides = array<i32>} : memref<5x128xi32, #tpu.memory_space<vmem>>, vector<1x16xi32>,
    %broadcast_in_dim3A_243 = arith.constant 8 : i32
    %broadcast_in_dim3A_244 = vector.broadcast %broadcast_in_dim3A_243 : i32 to vector<16xi32>
    %ge3A_245 = arith.cmpi sge, %iota3A, %broadcast_in_dim3A_244 : vector<16xi32>
    %broadcast_in_dim3A_246 = arith.constant 1 : i32
    %broadcast_in_dim3A_247 = vector.broadcast %broadcast_in_dim3A_246 : i32 to vector<16xi32>
    %broadcast_in_dim3A_248 = arith.constant 0 : i32
    %broadcast_in_dim3A_249 = vector.broadcast %broadcast_in_dim3A_248 : i32 to vector<16xi32>
    %select_n3A_250 = arith.select %ge3A_245, %broadcast_in_dim3A_247, %broadcast_in_dim3A_249 : vector<16xi1>, vector<16xi32>
    %mul3A_251 = arith.constant 32 : i32
    %mul3A_252 = arith.muli %add3A, %mul3A_251 : i32
    %add3A_253 = arith.constant 5 : i32
    %add3A_254 = arith.addi %mul3A_252, %add3A_253 : i32
    %broadcast_in_dim3A_255 = vector.broadcast %add3A_254 : i32 to vector<16xi32>
    %add3A_256 = arith.addi %broadcast_in_dim3A_255, %select_n3A_250 : vector<16xi32>
    %get3A_257 = arith.constant 112 : index
    %get3A_258 = tpu.vector_load %arg5[%get3A_257] {strides = array<i32>} : memref<640xi32, #tpu.memory_space<vmem>>, vector<16xi32>,
    %get3A_259 = vector.shape_cast %get3A_258 : vector<16xi32> to vector<16xi32>
    %shift_right_logical3A_260 = arith.shrui %get3A_259, %broadcast_in_dim3A_3 : vector<16xi32>
    %shift_left3A_261 = arith.shli %shift_right_logical3A_260, %broadcast_in_dim3A_7 : vector<16xi32>
    %shift_right_logical3A_262 = arith.shrui %add3A_256, %broadcast_in_dim3A_9 : vector<16xi32>
    %shift_left3A_263 = arith.shli %shift_right_logical3A_262, %broadcast_in_dim3A_3 : vector<16xi32>
    %add3A_264 = arith.addi %shift_left3A_261, %shift_left3A_263 : vector<16xi32>
    %and3A_265 = arith.andi %get3A_259, %broadcast_in_dim3A_9 : vector<16xi32>
    %add3A_266 = arith.addi %add3A_264, %and3A_265 : vector<16xi32>
    %shift_left3A_267 = arith.shli %add3A_266, %broadcast_in_dim3A_3 : vector<16xi32>
    %and3A_268 = arith.andi %add3A_256, %broadcast_in_dim3A_11 : vector<16xi32>
    %shift_right_logical3A_269 = arith.shrui %and3A_268, %broadcast_in_dim3A_5 : vector<16xi32>
    %add3A_270 = arith.addi %shift_left3A_267, %shift_right_logical3A_269 : vector<16xi32>
    %swap3A_271 = arith.constant 0 : i32
    %swap3A_272 = arith.index_cast %swap3A_271 : i32 to index
    %swap3A_273 = arith.constant 112 : index
    %swap3A_274 = tpu.vector_load %arg6[%swap3A_272, %swap3A_273] {strides = array<i32>} : memref<5x128xi32, #tpu.memory_space<vmem>>, vector<1x16xi32>,
    %swap3A_275 = vector.shape_cast %swap3A_274 : vector<1x16xi32> to vector<16xi32>
    %swap3A_276 = vector.shape_cast %add3A_270 : vector<16xi32> to vector<1x16xi32>
    tpu.vector_store %arg6[%swap3A_272, %swap3A_273], %swap3A_276 {strides = array<i32>} : memref<5x128xi32, #tpu.memory_space<vmem>>, vector<1x16xi32>,
    %broadcast_in_dim3A_277 = arith.constant 12 : i32
    %broadcast_in_dim3A_278 = vector.broadcast %broadcast_in_dim3A_277 : i32 to vector<16xi32>
    %ge3A_279 = arith.cmpi sge, %iota3A, %broadcast_in_dim3A_278 : vector<16xi32>
    %broadcast_in_dim3A_280 = arith.constant 1 : i32
    %broadcast_in_dim3A_281 = vector.broadcast %broadcast_in_dim3A_280 : i32 to vector<16xi32>
    %broadcast_in_dim3A_282 = arith.constant 0 : i32
    %broadcast_in_dim3A_283 = vector.broadcast %broadcast_in_dim3A_282 : i32 to vector<16xi32>
    %select_n3A_284 = arith.select %ge3A_279, %broadcast_in_dim3A_281, %broadcast_in_dim3A_283 : vector<16xi1>, vector<16xi32>
    %mul3A_285 = arith.constant 32 : i32
    %mul3A_286 = arith.muli %add3A, %mul3A_285 : i32
    %add3A_287 = arith.constant 6 : i32
    %add3A_288 = arith.addi %mul3A_286, %add3A_287 : i32
    %broadcast_in_dim3A_289 = vector.broadcast %add3A_288 : i32 to vector<16xi32>
    %add3A_290 = arith.addi %broadcast_in_dim3A_289, %select_n3A_284 : vector<16xi32>
    %get3A_291 = arith.constant 128 : index
    %get3A_292 = tpu.vector_load %arg5[%get3A_291] {strides = array<i32>} : memref<640xi32, #tpu.memory_space<vmem>>, vector<16xi32>,
    %get3A_293 = vector.shape_cast %get3A_292 : vector<16xi32> to vector<16xi32>
    %shift_right_logical3A_294 = arith.shrui %get3A_293, %broadcast_in_dim3A_3 : vector<16xi32>
    %shift_left3A_295 = arith.shli %shift_right_logical3A_294, %broadcast_in_dim3A_7 : vector<16xi32>
    %shift_right_logical3A_296 = arith.shrui %add3A_290, %broadcast_in_dim3A_9 : vector<16xi32>
    %shift_left3A_297 = arith.shli %shift_right_logical3A_296, %broadcast_in_dim3A_3 : vector<16xi32>
    %add3A_298 = arith.addi %shift_left3A_295, %shift_left3A_297 : vector<16xi32>
    %and3A_299 = arith.andi %get3A_293, %broadcast_in_dim3A_9 : vector<16xi32>
    %add3A_300 = arith.addi %add3A_298, %and3A_299 : vector<16xi32>
    %shift_left3A_301 = arith.shli %add3A_300, %broadcast_in_dim3A_3 : vector<16xi32>
    %and3A_302 = arith.andi %add3A_290, %broadcast_in_dim3A_11 : vector<16xi32>
    %shift_right_logical3A_303 = arith.shrui %and3A_302, %broadcast_in_dim3A_5 : vector<16xi32>
    %add3A_304 = arith.addi %shift_left3A_301, %shift_right_logical3A_303 : vector<16xi32>
    %swap3A_305 = arith.constant 1 : i32
    %swap3A_306 = arith.index_cast %swap3A_305 : i32 to index
    %swap3A_307 = arith.constant 0 : index
    %swap3A_308 = tpu.vector_load %arg6[%swap3A_306, %swap3A_307] {strides = array<i32>} : memref<5x128xi32, #tpu.memory_space<vmem>>, vector<1x16xi32>,
    %swap3A_309 = vector.shape_cast %swap3A_308 : vector<1x16xi32> to vector<16xi32>
    %swap3A_310 = vector.shape_cast %add3A_304 : vector<16xi32> to vector<1x16xi32>
    tpu.vector_store %arg6[%swap3A_306, %swap3A_307], %swap3A_310 {strides = array<i32>} : memref<5x128xi32, #tpu.memory_space<vmem>>, vector<1x16xi32>,
    %broadcast_in_dim3A_311 = arith.constant 16 : i32
    %broadcast_in_dim3A_312 = vector.broadcast %broadcast_in_dim3A_311 : i32 to vector<16xi32>
    %ge3A_313 = arith.cmpi sge, %iota3A, %broadcast_in_dim3A_312 : vector<16xi32>
    %broadcast_in_dim3A_314 = arith.constant 1 : i32
    %broadcast_in_dim3A_315 = vector.broadcast %broadcast_in_dim3A_314 : i32 to vector<16xi32>
    %broadcast_in_dim3A_316 = arith.constant 0 : i32
    %broadcast_in_dim3A_317 = vector.broadcast %broadcast_in_dim3A_316 : i32 to vector<16xi32>
    %select_n3A_318 = arith.select %ge3A_313, %broadcast_in_dim3A_315, %broadcast_in_dim3A_317 : vector<16xi1>, vector<16xi32>
    %mul3A_319 = arith.constant 32 : i32
    %mul3A_320 = arith.muli %add3A, %mul3A_319 : i32
    %add3A_321 = arith.constant 7 : i32
    %add3A_322 = arith.addi %mul3A_320, %add3A_321 : i32
    %broadcast_in_dim3A_323 = vector.broadcast %add3A_322 : i32 to vector<16xi32>
    %add3A_324 = arith.addi %broadcast_in_dim3A_323, %select_n3A_318 : vector<16xi32>
    %get3A_325 = arith.constant 144 : index
    %get3A_326 = tpu.vector_load %arg5[%get3A_325] {strides = array<i32>} : memref<640xi32, #tpu.memory_space<vmem>>, vector<16xi32>,
    %get3A_327 = vector.shape_cast %get3A_326 : vector<16xi32> to vector<16xi32>
    %shift_right_logical3A_328 = arith.shrui %get3A_327, %broadcast_in_dim3A_3 : vector<16xi32>
    %shift_left3A_329 = arith.shli %shift_right_logical3A_328, %broadcast_in_dim3A_7 : vector<16xi32>
    %shift_right_logical3A_330 = arith.shrui %add3A_324, %broadcast_in_dim3A_9 : vector<16xi32>
    %shift_left3A_331 = arith.shli %shift_right_logical3A_330, %broadcast_in_dim3A_3 : vector<16xi32>
    %add3A_332 = arith.addi %shift_left3A_329, %shift_left3A_331 : vector<16xi32>
    %and3A_333 = arith.andi %get3A_327, %broadcast_in_dim3A_9 : vector<16xi32>
    %add3A_334 = arith.addi %add3A_332, %and3A_333 : vector<16xi32>
    %shift_left3A_335 = arith.shli %add3A_334, %broadcast_in_dim3A_3 : vector<16xi32>
    %and3A_336 = arith.andi %add3A_324, %broadcast_in_dim3A_11 : vector<16xi32>
    %shift_right_logical3A_337 = arith.shrui %and3A_336, %broadcast_in_dim3A_5 : vector<16xi32>
    %add3A_338 = arith.addi %shift_left3A_335, %shift_right_logical3A_337 : vector<16xi32>
    %swap3A_339 = arith.constant 1 : i32
    %swap3A_340 = arith.index_cast %swap3A_339 : i32 to index
    %swap3A_341 = arith.constant 16 : index
    %swap3A_342 = tpu.vector_load %arg6[%swap3A_340, %swap3A_341] {strides = array<i32>} : memref<5x128xi32, #tpu.memory_space<vmem>>, vector<1x16xi32>,
    %swap3A_343 = vector.shape_cast %swap3A_342 : vector<1x16xi32> to vector<16xi32>
    %swap3A_344 = vector.shape_cast %add3A_338 : vector<16xi32> to vector<1x16xi32>
    tpu.vector_store %arg6[%swap3A_340, %swap3A_341], %swap3A_344 {strides = array<i32>} : memref<5x128xi32, #tpu.memory_space<vmem>>, vector<1x16xi32>,
    %broadcast_in_dim3A_345 = arith.constant 20 : i32
    %broadcast_in_dim3A_346 = vector.broadcast %broadcast_in_dim3A_345 : i32 to vector<16xi32>
    %ge3A_347 = arith.cmpi sge, %iota3A, %broadcast_in_dim3A_346 : vector<16xi32>
    %broadcast_in_dim3A_348 = arith.constant 1 : i32
    %broadcast_in_dim3A_349 = vector.broadcast %broadcast_in_dim3A_348 : i32 to vector<16xi32>
    %broadcast_in_dim3A_350 = arith.constant 0 : i32
    %broadcast_in_dim3A_351 = vector.broadcast %broadcast_in_dim3A_350 : i32 to vector<16xi32>
    %select_n3A_352 = arith.select %ge3A_347, %broadcast_in_dim3A_349, %broadcast_in_dim3A_351 : vector<16xi1>, vector<16xi32>
    %mul3A_353 = arith.constant 32 : i32
    %mul3A_354 = arith.muli %add3A, %mul3A_353 : i32
    %add3A_355 = arith.constant 8 : i32
    %add3A_356 = arith.addi %mul3A_354, %add3A_355 : i32
    %broadcast_in_dim3A_357 = vector.broadcast %add3A_356 : i32 to vector<16xi32>
    %add3A_358 = arith.addi %broadcast_in_dim3A_357, %select_n3A_352 : vector<16xi32>
    %get3A_359 = arith.constant 160 : index
    %get3A_360 = tpu.vector_load %arg5[%get3A_359] {strides = array<i32>} : memref<640xi32, #tpu.memory_space<vmem>>, vector<16xi32>,
    %get3A_361 = vector.shape_cast %get3A_360 : vector<16xi32> to vector<16xi32>
    %shift_right_logical3A_362 = arith.shrui %get3A_361, %broadcast_in_dim3A_3 : vector<16xi32>
    %shift_left3A_363 = arith.shli %shift_right_logical3A_362, %broadcast_in_dim3A_7 : vector<16xi32>
    %shift_right_logical3A_364 = arith.shrui %add3A_358, %broadcast_in_dim3A_9 : vector<16xi32>
    %shift_left3A_365 = arith.shli %shift_right_logical3A_364, %broadcast_in_dim3A_3 : vector<16xi32>
    %add3A_366 = arith.addi %shift_left3A_363, %shift_left3A_365 : vector<16xi32>
    %and3A_367 = arith.andi %get3A_361, %broadcast_in_dim3A_9 : vector<16xi32>
    %add3A_368 = arith.addi %add3A_366, %and3A_367 : vector<16xi32>
    %shift_left3A_369 = arith.shli %add3A_368, %broadcast_in_dim3A_3 : vector<16xi32>
    %and3A_370 = arith.andi %add3A_358, %broadcast_in_dim3A_11 : vector<16xi32>
    %shift_right_logical3A_371 = arith.shrui %and3A_370, %broadcast_in_dim3A_5 : vector<16xi32>
    %add3A_372 = arith.addi %shift_left3A_369, %shift_right_logical3A_371 : vector<16xi32>
    %swap3A_373 = arith.constant 1 : i32
    %swap3A_374 = arith.index_cast %swap3A_373 : i32 to index
    %swap3A_375 = arith.constant 32 : index
    %swap3A_376 = tpu.vector_load %arg6[%swap3A_374, %swap3A_375] {strides = array<i32>} : memref<5x128xi32, #tpu.memory_space<vmem>>, vector<1x16xi32>,
    %swap3A_377 = vector.shape_cast %swap3A_376 : vector<1x16xi32> to vector<16xi32>
    %swap3A_378 = vector.shape_cast %add3A_372 : vector<16xi32> to vector<1x16xi32>
    tpu.vector_store %arg6[%swap3A_374, %swap3A_375], %swap3A_378 {strides = array<i32>} : memref<5x128xi32, #tpu.memory_space<vmem>>, vector<1x16xi32>,
    %broadcast_in_dim3A_379 = arith.constant 4 : i32
    %broadcast_in_dim3A_380 = vector.broadcast %broadcast_in_dim3A_379 : i32 to vector<16xi32>
    %ge3A_381 = arith.cmpi sge, %iota3A, %broadcast_in_dim3A_380 : vector<16xi32>
    %broadcast_in_dim3A_382 = arith.constant 1 : i32
    %broadcast_in_dim3A_383 = vector.broadcast %broadcast_in_dim3A_382 : i32 to vector<16xi32>
    %broadcast_in_dim3A_384 = arith.constant 0 : i32
    %broadcast_in_dim3A_385 = vector.broadcast %broadcast_in_dim3A_384 : i32 to vector<16xi32>
    %select_n3A_386 = arith.select %ge3A_381, %broadcast_in_dim3A_383, %broadcast_in_dim3A_385 : vector<16xi1>, vector<16xi32>
    %mul3A_387 = arith.constant 32 : i32
    %mul3A_388 = arith.muli %add3A, %mul3A_387 : i32
    %add3A_389 = arith.constant 8 : i32
    %add3A_390 = arith.addi %mul3A_388, %add3A_389 : i32
    %broadcast_in_dim3A_391 = vector.broadcast %add3A_390 : i32 to vector<16xi32>
    %add3A_392 = arith.addi %broadcast_in_dim3A_391, %select_n3A_386 : vector<16xi32>
    %get3A_393 = arith.constant 176 : index
    %get3A_394 = tpu.vector_load %arg5[%get3A_393] {strides = array<i32>} : memref<640xi32, #tpu.memory_space<vmem>>, vector<16xi32>,
    %get3A_395 = vector.shape_cast %get3A_394 : vector<16xi32> to vector<16xi32>
    %shift_right_logical3A_396 = arith.shrui %get3A_395, %broadcast_in_dim3A_3 : vector<16xi32>
    %shift_left3A_397 = arith.shli %shift_right_logical3A_396, %broadcast_in_dim3A_7 : vector<16xi32>
    %shift_right_logical3A_398 = arith.shrui %add3A_392, %broadcast_in_dim3A_9 : vector<16xi32>
    %shift_left3A_399 = arith.shli %shift_right_logical3A_398, %broadcast_in_dim3A_3 : vector<16xi32>
    %add3A_400 = arith.addi %shift_left3A_397, %shift_left3A_399 : vector<16xi32>
    %and3A_401 = arith.andi %get3A_395, %broadcast_in_dim3A_9 : vector<16xi32>
    %add3A_402 = arith.addi %add3A_400, %and3A_401 : vector<16xi32>
    %shift_left3A_403 = arith.shli %add3A_402, %broadcast_in_dim3A_3 : vector<16xi32>
    %and3A_404 = arith.andi %add3A_392, %broadcast_in_dim3A_11 : vector<16xi32>
    %shift_right_logical3A_405 = arith.shrui %and3A_404, %broadcast_in_dim3A_5 : vector<16xi32>
    %add3A_406 = arith.addi %shift_left3A_403, %shift_right_logical3A_405 : vector<16xi32>
    %swap3A_407 = arith.constant 1 : i32
    %swap3A_408 = arith.index_cast %swap3A_407 : i32 to index
    %swap3A_409 = arith.constant 48 : index
    %swap3A_410 = tpu.vector_load %arg6[%swap3A_408, %swap3A_409] {strides = array<i32>} : memref<5x128xi32, #tpu.memory_space<vmem>>, vector<1x16xi32>,
    %swap3A_411 = vector.shape_cast %swap3A_410 : vector<1x16xi32> to vector<16xi32>
    %swap3A_412 = vector.shape_cast %add3A_406 : vector<16xi32> to vector<1x16xi32>
    tpu.vector_store %arg6[%swap3A_408, %swap3A_409], %swap3A_412 {strides = array<i32>} : memref<5x128xi32, #tpu.memory_space<vmem>>, vector<1x16xi32>,
    %broadcast_in_dim3A_413 = arith.constant 8 : i32
    %broadcast_in_dim3A_414 = vector.broadcast %broadcast_in_dim3A_413 : i32 to vector<16xi32>
    %ge3A_415 = arith.cmpi sge, %iota3A, %broadcast_in_dim3A_414 : vector<16xi32>
    %broadcast_in_dim3A_416 = arith.constant 1 : i32
    %broadcast_in_dim3A_417 = vector.broadcast %broadcast_in_dim3A_416 : i32 to vector<16xi32>
    %broadcast_in_dim3A_418 = arith.constant 0 : i32
    %broadcast_in_dim3A_419 = vector.broadcast %broadcast_in_dim3A_418 : i32 to vector<16xi32>
    %select_n3A_420 = arith.select %ge3A_415, %broadcast_in_dim3A_417, %broadcast_in_dim3A_419 : vector<16xi1>, vector<16xi32>
    %mul3A_421 = arith.constant 32 : i32
    %mul3A_422 = arith.muli %add3A, %mul3A_421 : i32
    %add3A_423 = arith.constant 9 : i32
    %add3A_424 = arith.addi %mul3A_422, %add3A_423 : i32
    %broadcast_in_dim3A_425 = vector.broadcast %add3A_424 : i32 to vector<16xi32>
    %add3A_426 = arith.addi %broadcast_in_dim3A_425, %select_n3A_420 : vector<16xi32>
    %get3A_427 = arith.constant 192 : index
    %get3A_428 = tpu.vector_load %arg5[%get3A_427] {strides = array<i32>} : memref<640xi32, #tpu.memory_space<vmem>>, vector<16xi32>,
    %get3A_429 = vector.shape_cast %get3A_428 : vector<16xi32> to vector<16xi32>
    %shift_right_logical3A_430 = arith.shrui %get3A_429, %broadcast_in_dim3A_3 : vector<16xi32>
    %shift_left3A_431 = arith.shli %shift_right_logical3A_430, %broadcast_in_dim3A_7 : vector<16xi32>
    %shift_right_logical3A_432 = arith.shrui %add3A_426, %broadcast_in_dim3A_9 : vector<16xi32>
    %shift_left3A_433 = arith.shli %shift_right_logical3A_432, %broadcast_in_dim3A_3 : vector<16xi32>
    %add3A_434 = arith.addi %shift_left3A_431, %shift_left3A_433 : vector<16xi32>
    %and3A_435 = arith.andi %get3A_429, %broadcast_in_dim3A_9 : vector<16xi32>
    %add3A_436 = arith.addi %add3A_434, %and3A_435 : vector<16xi32>
    %shift_left3A_437 = arith.shli %add3A_436, %broadcast_in_dim3A_3 : vector<16xi32>
    %and3A_438 = arith.andi %add3A_426, %broadcast_in_dim3A_11 : vector<16xi32>
    %shift_right_logical3A_439 = arith.shrui %and3A_438, %broadcast_in_dim3A_5 : vector<16xi32>
    %add3A_440 = arith.addi %shift_left3A_437, %shift_right_logical3A_439 : vector<16xi32>
    %swap3A_441 = arith.constant 1 : i32
    %swap3A_442 = arith.index_cast %swap3A_441 : i32 to index
    %swap3A_443 = arith.constant 64 : index
    %swap3A_444 = tpu.vector_load %arg6[%swap3A_442, %swap3A_443] {strides = array<i32>} : memref<5x128xi32, #tpu.memory_space<vmem>>, vector<1x16xi32>,
    %swap3A_445 = vector.shape_cast %swap3A_444 : vector<1x16xi32> to vector<16xi32>
    %swap3A_446 = vector.shape_cast %add3A_440 : vector<16xi32> to vector<1x16xi32>
    tpu.vector_store %arg6[%swap3A_442, %swap3A_443], %swap3A_446 {strides = array<i32>} : memref<5x128xi32, #tpu.memory_space<vmem>>, vector<1x16xi32>,
    %broadcast_in_dim3A_447 = arith.constant 12 : i32
    %broadcast_in_dim3A_448 = vector.broadcast %broadcast_in_dim3A_447 : i32 to vector<16xi32>
    %ge3A_449 = arith.cmpi sge, %iota3A, %broadcast_in_dim3A_448 : vector<16xi32>
    %broadcast_in_dim3A_450 = arith.constant 1 : i32
    %broadcast_in_dim3A_451 = vector.broadcast %broadcast_in_dim3A_450 : i32 to vector<16xi32>
    %broadcast_in_dim3A_452 = arith.constant 0 : i32
    %broadcast_in_dim3A_453 = vector.broadcast %broadcast_in_dim3A_452 : i32 to vector<16xi32>
    %select_n3A_454 = arith.select %ge3A_449, %broadcast_in_dim3A_451, %broadcast_in_dim3A_453 : vector<16xi1>, vector<16xi32>
    %mul3A_455 = arith.constant 32 : i32
    %mul3A_456 = arith.muli %add3A, %mul3A_455 : i32
    %add3A_457 = arith.constant 10 : i32
    %add3A_458 = arith.addi %mul3A_456, %add3A_457 : i32
    %broadcast_in_dim3A_459 = vector.broadcast %add3A_458 : i32 to vector<16xi32>
    %add3A_460 = arith.addi %broadcast_in_dim3A_459, %select_n3A_454 : vector<16xi32>
    %get3A_461 = arith.constant 208 : index
    %get3A_462 = tpu.vector_load %arg5[%get3A_461] {strides = array<i32>} : memref<640xi32, #tpu.memory_space<vmem>>, vector<16xi32>,
    %get3A_463 = vector.shape_cast %get3A_462 : vector<16xi32> to vector<16xi32>
    %shift_right_logical3A_464 = arith.shrui %get3A_463, %broadcast_in_dim3A_3 : vector<16xi32>
    %shift_left3A_465 = arith.shli %shift_right_logical3A_464, %broadcast_in_dim3A_7 : vector<16xi32>
    %shift_right_logical3A_466 = arith.shrui %add3A_460, %broadcast_in_dim3A_9 : vector<16xi32>
    %shift_left3A_467 = arith.shli %shift_right_logical3A_466, %broadcast_in_dim3A_3 : vector<16xi32>
    %add3A_468 = arith.addi %shift_left3A_465, %shift_left3A_467 : vector<16xi32>
    %and3A_469 = arith.andi %get3A_463, %broadcast_in_dim3A_9 : vector<16xi32>
    %add3A_470 = arith.addi %add3A_468, %and3A_469 : vector<16xi32>
    %shift_left3A_471 = arith.shli %add3A_470, %broadcast_in_dim3A_3 : vector<16xi32>
    %and3A_472 = arith.andi %add3A_460, %broadcast_in_dim3A_11 : vector<16xi32>
    %shift_right_logical3A_473 = arith.shrui %and3A_472, %broadcast_in_dim3A_5 : vector<16xi32>
    %add3A_474 = arith.addi %shift_left3A_471, %shift_right_logical3A_473 : vector<16xi32>
    %swap3A_475 = arith.constant 1 : i32
    %swap3A_476 = arith.index_cast %swap3A_475 : i32 to index
    %swap3A_477 = arith.constant 80 : index
    %swap3A_478 = tpu.vector_load %arg6[%swap3A_476, %swap3A_477] {strides = array<i32>} : memref<5x128xi32, #tpu.memory_space<vmem>>, vector<1x16xi32>,
    %swap3A_479 = vector.shape_cast %swap3A_478 : vector<1x16xi32> to vector<16xi32>
    %swap3A_480 = vector.shape_cast %add3A_474 : vector<16xi32> to vector<1x16xi32>
    tpu.vector_store %arg6[%swap3A_476, %swap3A_477], %swap3A_480 {strides = array<i32>} : memref<5x128xi32, #tpu.memory_space<vmem>>, vector<1x16xi32>,
    %broadcast_in_dim3A_481 = arith.constant 16 : i32
    %broadcast_in_dim3A_482 = vector.broadcast %broadcast_in_dim3A_481 : i32 to vector<16xi32>
    %ge3A_483 = arith.cmpi sge, %iota3A, %broadcast_in_dim3A_482 : vector<16xi32>
    %broadcast_in_dim3A_484 = arith.constant 1 : i32
    %broadcast_in_dim3A_485 = vector.broadcast %broadcast_in_dim3A_484 : i32 to vector<16xi32>
    %broadcast_in_dim3A_486 = arith.constant 0 : i32
    %broadcast_in_dim3A_487 = vector.broadcast %broadcast_in_dim3A_486 : i32 to vector<16xi32>
    %select_n3A_488 = arith.select %ge3A_483, %broadcast_in_dim3A_485, %broadcast_in_dim3A_487 : vector<16xi1>, vector<16xi32>
    %mul3A_489 = arith.constant 32 : i32
    %mul3A_490 = arith.muli %add3A, %mul3A_489 : i32
    %add3A_491 = arith.constant 11 : i32
    %add3A_492 = arith.addi %mul3A_490, %add3A_491 : i32
    %broadcast_in_dim3A_493 = vector.broadcast %add3A_492 : i32 to vector<16xi32>
    %add3A_494 = arith.addi %broadcast_in_dim3A_493, %select_n3A_488 : vector<16xi32>
    %get3A_495 = arith.constant 224 : index
    %get3A_496 = tpu.vector_load %arg5[%get3A_495] {strides = array<i32>} : memref<640xi32, #tpu.memory_space<vmem>>, vector<16xi32>,
    %get3A_497 = vector.shape_cast %get3A_496 : vector<16xi32> to vector<16xi32>
    %shift_right_logical3A_498 = arith.shrui %get3A_497, %broadcast_in_dim3A_3 : vector<16xi32>
    %shift_left3A_499 = arith.shli %shift_right_logical3A_498, %broadcast_in_dim3A_7 : vector<16xi32>
    %shift_right_logical3A_500 = arith.shrui %add3A_494, %broadcast_in_dim3A_9 : vector<16xi32>
    %shift_left3A_501 = arith.shli %shift_right_logical3A_500, %broadcast_in_dim3A_3 : vector<16xi32>
    %add3A_502 = arith.addi %shift_left3A_499, %shift_left3A_501 : vector<16xi32>
    %and3A_503 = arith.andi %get3A_497, %broadcast_in_dim3A_9 : vector<16xi32>
    %add3A_504 = arith.addi %add3A_502, %and3A_503 : vector<16xi32>
    %shift_left3A_505 = arith.shli %add3A_504, %broadcast_in_dim3A_3 : vector<16xi32>
    %and3A_506 = arith.andi %add3A_494, %broadcast_in_dim3A_11 : vector<16xi32>
    %shift_right_logical3A_507 = arith.shrui %and3A_506, %broadcast_in_dim3A_5 : vector<16xi32>
    %add3A_508 = arith.addi %shift_left3A_505, %shift_right_logical3A_507 : vector<16xi32>
    %swap3A_509 = arith.constant 1 : i32
    %swap3A_510 = arith.index_cast %swap3A_509 : i32 to index
    %swap3A_511 = arith.constant 96 : index
    %swap3A_512 = tpu.vector_load %arg6[%swap3A_510, %swap3A_511] {strides = array<i32>} : memref<5x128xi32, #tpu.memory_space<vmem>>, vector<1x16xi32>,
    %swap3A_513 = vector.shape_cast %swap3A_512 : vector<1x16xi32> to vector<16xi32>
    %swap3A_514 = vector.shape_cast %add3A_508 : vector<16xi32> to vector<1x16xi32>
    tpu.vector_store %arg6[%swap3A_510, %swap3A_511], %swap3A_514 {strides = array<i32>} : memref<5x128xi32, #tpu.memory_space<vmem>>, vector<1x16xi32>,
    %broadcast_in_dim3A_515 = arith.constant 20 : i32
    %broadcast_in_dim3A_516 = vector.broadcast %broadcast_in_dim3A_515 : i32 to vector<16xi32>
    %ge3A_517 = arith.cmpi sge, %iota3A, %broadcast_in_dim3A_516 : vector<16xi32>
    %broadcast_in_dim3A_518 = arith.constant 1 : i32
    %broadcast_in_dim3A_519 = vector.broadcast %broadcast_in_dim3A_518 : i32 to vector<16xi32>
    %broadcast_in_dim3A_520 = arith.constant 0 : i32
    %broadcast_in_dim3A_521 = vector.broadcast %broadcast_in_dim3A_520 : i32 to vector<16xi32>
    %select_n3A_522 = arith.select %ge3A_517, %broadcast_in_dim3A_519, %broadcast_in_dim3A_521 : vector<16xi1>, vector<16xi32>
    %mul3A_523 = arith.constant 32 : i32
    %mul3A_524 = arith.muli %add3A, %mul3A_523 : i32
    %add3A_525 = arith.constant 12 : i32
    %add3A_526 = arith.addi %mul3A_524, %add3A_525 : i32
    %broadcast_in_dim3A_527 = vector.broadcast %add3A_526 : i32 to vector<16xi32>
    %add3A_528 = arith.addi %broadcast_in_dim3A_527, %select_n3A_522 : vector<16xi32>
    %get3A_529 = arith.constant 240 : index
    %get3A_530 = tpu.vector_load %arg5[%get3A_529] {strides = array<i32>} : memref<640xi32, #tpu.memory_space<vmem>>, vector<16xi32>,
    %get3A_531 = vector.shape_cast %get3A_530 : vector<16xi32> to vector<16xi32>
    %shift_right_logical3A_532 = arith.shrui %get3A_531, %broadcast_in_dim3A_3 : vector<16xi32>
    %shift_left3A_533 = arith.shli %shift_right_logical3A_532, %broadcast_in_dim3A_7 : vector<16xi32>
    %shift_right_logical3A_534 = arith.shrui %add3A_528, %broadcast_in_dim3A_9 : vector<16xi32>
    %shift_left3A_535 = arith.shli %shift_right_logical3A_534, %broadcast_in_dim3A_3 : vector<16xi32>
    %add3A_536 = arith.addi %shift_left3A_533, %shift_left3A_535 : vector<16xi32>
    %and3A_537 = arith.andi %get3A_531, %broadcast_in_dim3A_9 : vector<16xi32>
    %add3A_538 = arith.addi %add3A_536, %and3A_537 : vector<16xi32>
    %shift_left3A_539 = arith.shli %add3A_538, %broadcast_in_dim3A_3 : vector<16xi32>
    %and3A_540 = arith.andi %add3A_528, %broadcast_in_dim3A_11 : vector<16xi32>
    %shift_right_logical3A_541 = arith.shrui %and3A_540, %broadcast_in_dim3A_5 : vector<16xi32>
    %add3A_542 = arith.addi %shift_left3A_539, %shift_right_logical3A_541 : vector<16xi32>
    %swap3A_543 = arith.constant 1 : i32
    %swap3A_544 = arith.index_cast %swap3A_543 : i32 to index
    %swap3A_545 = arith.constant 112 : index
    %swap3A_546 = tpu.vector_load %arg6[%swap3A_544, %swap3A_545] {strides = array<i32>} : memref<5x128xi32, #tpu.memory_space<vmem>>, vector<1x16xi32>,
    %swap3A_547 = vector.shape_cast %swap3A_546 : vector<1x16xi32> to vector<16xi32>
    %swap3A_548 = vector.shape_cast %add3A_542 : vector<16xi32> to vector<1x16xi32>
    tpu.vector_store %arg6[%swap3A_544, %swap3A_545], %swap3A_548 {strides = array<i32>} : memref<5x128xi32, #tpu.memory_space<vmem>>, vector<1x16xi32>,
    %broadcast_in_dim3A_549 = arith.constant 4 : i32
    %broadcast_in_dim3A_550 = vector.broadcast %broadcast_in_dim3A_549 : i32 to vector<16xi32>
    %ge3A_551 = arith.cmpi sge, %iota3A, %broadcast_in_dim3A_550 : vector<16xi32>
    %broadcast_in_dim3A_552 = arith.constant 1 : i32
    %broadcast_in_dim3A_553 = vector.broadcast %broadcast_in_dim3A_552 : i32 to vector<16xi32>
    %broadcast_in_dim3A_554 = arith.constant 0 : i32
    %broadcast_in_dim3A_555 = vector.broadcast %broadcast_in_dim3A_554 : i32 to vector<16xi32>
    %select_n3A_556 = arith.select %ge3A_551, %broadcast_in_dim3A_553, %broadcast_in_dim3A_555 : vector<16xi1>, vector<16xi32>
    %mul3A_557 = arith.constant 32 : i32
    %mul3A_558 = arith.muli %add3A, %mul3A_557 : i32
    %add3A_559 = arith.constant 12 : i32
    %add3A_560 = arith.addi %mul3A_558, %add3A_559 : i32
    %broadcast_in_dim3A_561 = vector.broadcast %add3A_560 : i32 to vector<16xi32>
    %add3A_562 = arith.addi %broadcast_in_dim3A_561, %select_n3A_556 : vector<16xi32>
    %get3A_563 = arith.constant 256 : index
    %get3A_564 = tpu.vector_load %arg5[%get3A_563] {strides = array<i32>} : memref<640xi32, #tpu.memory_space<vmem>>, vector<16xi32>,
    %get3A_565 = vector.shape_cast %get3A_564 : vector<16xi32> to vector<16xi32>
    %shift_right_logical3A_566 = arith.shrui %get3A_565, %broadcast_in_dim3A_3 : vector<16xi32>
    %shift_left3A_567 = arith.shli %shift_right_logical3A_566, %broadcast_in_dim3A_7 : vector<16xi32>
    %shift_right_logical3A_568 = arith.shrui %add3A_562, %broadcast_in_dim3A_9 : vector<16xi32>
    %shift_left3A_569 = arith.shli %shift_right_logical3A_568, %broadcast_in_dim3A_3 : vector<16xi32>
    %add3A_570 = arith.addi %shift_left3A_567, %shift_left3A_569 : vector<16xi32>
    %and3A_571 = arith.andi %get3A_565, %broadcast_in_dim3A_9 : vector<16xi32>
    %add3A_572 = arith.addi %add3A_570, %and3A_571 : vector<16xi32>
    %shift_left3A_573 = arith.shli %add3A_572, %broadcast_in_dim3A_3 : vector<16xi32>
    %and3A_574 = arith.andi %add3A_562, %broadcast_in_dim3A_11 : vector<16xi32>
    %shift_right_logical3A_575 = arith.shrui %and3A_574, %broadcast_in_dim3A_5 : vector<16xi32>
    %add3A_576 = arith.addi %shift_left3A_573, %shift_right_logical3A_575 : vector<16xi32>
    %swap3A_577 = arith.constant 2 : i32
    %swap3A_578 = arith.index_cast %swap3A_577 : i32 to index
    %swap3A_579 = arith.constant 0 : index
    %swap3A_580 = tpu.vector_load %arg6[%swap3A_578, %swap3A_579] {strides = array<i32>} : memref<5x128xi32, #tpu.memory_space<vmem>>, vector<1x16xi32>,
    %swap3A_581 = vector.shape_cast %swap3A_580 : vector<1x16xi32> to vector<16xi32>
    %swap3A_582 = vector.shape_cast %add3A_576 : vector<16xi32> to vector<1x16xi32>
    tpu.vector_store %arg6[%swap3A_578, %swap3A_579], %swap3A_582 {strides = array<i32>} : memref<5x128xi32, #tpu.memory_space<vmem>>, vector<1x16xi32>,
    %broadcast_in_dim3A_583 = arith.constant 8 : i32
    %broadcast_in_dim3A_584 = vector.broadcast %broadcast_in_dim3A_583 : i32 to vector<16xi32>
    %ge3A_585 = arith.cmpi sge, %iota3A, %broadcast_in_dim3A_584 : vector<16xi32>
    %broadcast_in_dim3A_586 = arith.constant 1 : i32
    %broadcast_in_dim3A_587 = vector.broadcast %broadcast_in_dim3A_586 : i32 to vector<16xi32>
    %broadcast_in_dim3A_588 = arith.constant 0 : i32
    %broadcast_in_dim3A_589 = vector.broadcast %broadcast_in_dim3A_588 : i32 to vector<16xi32>
    %select_n3A_590 = arith.select %ge3A_585, %broadcast_in_dim3A_587, %broadcast_in_dim3A_589 : vector<16xi1>, vector<16xi32>
    %mul3A_591 = arith.constant 32 : i32
    %mul3A_592 = arith.muli %add3A, %mul3A_591 : i32
    %add3A_593 = arith.constant 13 : i32
    %add3A_594 = arith.addi %mul3A_592, %add3A_593 : i32
    %broadcast_in_dim3A_595 = vector.broadcast %add3A_594 : i32 to vector<16xi32>
    %add3A_596 = arith.addi %broadcast_in_dim3A_595, %select_n3A_590 : vector<16xi32>
    %get3A_597 = arith.constant 272 : index
    %get3A_598 = tpu.vector_load %arg5[%get3A_597] {strides = array<i32>} : memref<640xi32, #tpu.memory_space<vmem>>, vector<16xi32>,
    %get3A_599 = vector.shape_cast %get3A_598 : vector<16xi32> to vector<16xi32>
    %shift_right_logical3A_600 = arith.shrui %get3A_599, %broadcast_in_dim3A_3 : vector<16xi32>
    %shift_left3A_601 = arith.shli %shift_right_logical3A_600, %broadcast_in_dim3A_7 : vector<16xi32>
    %shift_right_logical3A_602 = arith.shrui %add3A_596, %broadcast_in_dim3A_9 : vector<16xi32>
    %shift_left3A_603 = arith.shli %shift_right_logical3A_602, %broadcast_in_dim3A_3 : vector<16xi32>
    %add3A_604 = arith.addi %shift_left3A_601, %shift_left3A_603 : vector<16xi32>
    %and3A_605 = arith.andi %get3A_599, %broadcast_in_dim3A_9 : vector<16xi32>
    %add3A_606 = arith.addi %add3A_604, %and3A_605 : vector<16xi32>
    %shift_left3A_607 = arith.shli %add3A_606, %broadcast_in_dim3A_3 : vector<16xi32>
    %and3A_608 = arith.andi %add3A_596, %broadcast_in_dim3A_11 : vector<16xi32>
    %shift_right_logical3A_609 = arith.shrui %and3A_608, %broadcast_in_dim3A_5 : vector<16xi32>
    %add3A_610 = arith.addi %shift_left3A_607, %shift_right_logical3A_609 : vector<16xi32>
    %swap3A_611 = arith.constant 2 : i32
    %swap3A_612 = arith.index_cast %swap3A_611 : i32 to index
    %swap3A_613 = arith.constant 16 : index
    %swap3A_614 = tpu.vector_load %arg6[%swap3A_612, %swap3A_613] {strides = array<i32>} : memref<5x128xi32, #tpu.memory_space<vmem>>, vector<1x16xi32>,
    %swap3A_615 = vector.shape_cast %swap3A_614 : vector<1x16xi32> to vector<16xi32>
    %swap3A_616 = vector.shape_cast %add3A_610 : vector<16xi32> to vector<1x16xi32>
    tpu.vector_store %arg6[%swap3A_612, %swap3A_613], %swap3A_616 {strides = array<i32>} : memref<5x128xi32, #tpu.memory_space<vmem>>, vector<1x16xi32>,
    %broadcast_in_dim3A_617 = arith.constant 12 : i32
    %broadcast_in_dim3A_618 = vector.broadcast %broadcast_in_dim3A_617 : i32 to vector<16xi32>
    %ge3A_619 = arith.cmpi sge, %iota3A, %broadcast_in_dim3A_618 : vector<16xi32>
    %broadcast_in_dim3A_620 = arith.constant 1 : i32
    %broadcast_in_dim3A_621 = vector.broadcast %broadcast_in_dim3A_620 : i32 to vector<16xi32>
    %broadcast_in_dim3A_622 = arith.constant 0 : i32
    %broadcast_in_dim3A_623 = vector.broadcast %broadcast_in_dim3A_622 : i32 to vector<16xi32>
    %select_n3A_624 = arith.select %ge3A_619, %broadcast_in_dim3A_621, %broadcast_in_dim3A_623 : vector<16xi1>, vector<16xi32>
    %mul3A_625 = arith.constant 32 : i32
    %mul3A_626 = arith.muli %add3A, %mul3A_625 : i32
    %add3A_627 = arith.constant 14 : i32
    %add3A_628 = arith.addi %mul3A_626, %add3A_627 : i32
    %broadcast_in_dim3A_629 = vector.broadcast %add3A_628 : i32 to vector<16xi32>
    %add3A_630 = arith.addi %broadcast_in_dim3A_629, %select_n3A_624 : vector<16xi32>
    %get3A_631 = arith.constant 288 : index
    %get3A_632 = tpu.vector_load %arg5[%get3A_631] {strides = array<i32>} : memref<640xi32, #tpu.memory_space<vmem>>, vector<16xi32>,
    %get3A_633 = vector.shape_cast %get3A_632 : vector<16xi32> to vector<16xi32>
    %shift_right_logical3A_634 = arith.shrui %get3A_633, %broadcast_in_dim3A_3 : vector<16xi32>
    %shift_left3A_635 = arith.shli %shift_right_logical3A_634, %broadcast_in_dim3A_7 : vector<16xi32>
    %shift_right_logical3A_636 = arith.shrui %add3A_630, %broadcast_in_dim3A_9 : vector<16xi32>
    %shift_left3A_637 = arith.shli %shift_right_logical3A_636, %broadcast_in_dim3A_3 : vector<16xi32>
    %add3A_638 = arith.addi %shift_left3A_635, %shift_left3A_637 : vector<16xi32>
    %and3A_639 = arith.andi %get3A_633, %broadcast_in_dim3A_9 : vector<16xi32>
    %add3A_640 = arith.addi %add3A_638, %and3A_639 : vector<16xi32>
    %shift_left3A_641 = arith.shli %add3A_640, %broadcast_in_dim3A_3 : vector<16xi32>
    %and3A_642 = arith.andi %add3A_630, %broadcast_in_dim3A_11 : vector<16xi32>
    %shift_right_logical3A_643 = arith.shrui %and3A_642, %broadcast_in_dim3A_5 : vector<16xi32>
    %add3A_644 = arith.addi %shift_left3A_641, %shift_right_logical3A_643 : vector<16xi32>
    %swap3A_645 = arith.constant 2 : i32
    %swap3A_646 = arith.index_cast %swap3A_645 : i32 to index
    %swap3A_647 = arith.constant 32 : index
    %swap3A_648 = tpu.vector_load %arg6[%swap3A_646, %swap3A_647] {strides = array<i32>} : memref<5x128xi32, #tpu.memory_space<vmem>>, vector<1x16xi32>,
    %swap3A_649 = vector.shape_cast %swap3A_648 : vector<1x16xi32> to vector<16xi32>
    %swap3A_650 = vector.shape_cast %add3A_644 : vector<16xi32> to vector<1x16xi32>
    tpu.vector_store %arg6[%swap3A_646, %swap3A_647], %swap3A_650 {strides = array<i32>} : memref<5x128xi32, #tpu.memory_space<vmem>>, vector<1x16xi32>,
    %broadcast_in_dim3A_651 = arith.constant 16 : i32
    %broadcast_in_dim3A_652 = vector.broadcast %broadcast_in_dim3A_651 : i32 to vector<16xi32>
    %ge3A_653 = arith.cmpi sge, %iota3A, %broadcast_in_dim3A_652 : vector<16xi32>
    %broadcast_in_dim3A_654 = arith.constant 1 : i32
    %broadcast_in_dim3A_655 = vector.broadcast %broadcast_in_dim3A_654 : i32 to vector<16xi32>
    %broadcast_in_dim3A_656 = arith.constant 0 : i32
    %broadcast_in_dim3A_657 = vector.broadcast %broadcast_in_dim3A_656 : i32 to vector<16xi32>
    %select_n3A_658 = arith.select %ge3A_653, %broadcast_in_dim3A_655, %broadcast_in_dim3A_657 : vector<16xi1>, vector<16xi32>
    %mul3A_659 = arith.constant 32 : i32
    %mul3A_660 = arith.muli %add3A, %mul3A_659 : i32
    %add3A_661 = arith.constant 15 : i32
    %add3A_662 = arith.addi %mul3A_660, %add3A_661 : i32
    %broadcast_in_dim3A_663 = vector.broadcast %add3A_662 : i32 to vector<16xi32>
    %add3A_664 = arith.addi %broadcast_in_dim3A_663, %select_n3A_658 : vector<16xi32>
    %get3A_665 = arith.constant 304 : index
    %get3A_666 = tpu.vector_load %arg5[%get3A_665] {strides = array<i32>} : memref<640xi32, #tpu.memory_space<vmem>>, vector<16xi32>,
    %get3A_667 = vector.shape_cast %get3A_666 : vector<16xi32> to vector<16xi32>
    %shift_right_logical3A_668 = arith.shrui %get3A_667, %broadcast_in_dim3A_3 : vector<16xi32>
    %shift_left3A_669 = arith.shli %shift_right_logical3A_668, %broadcast_in_dim3A_7 : vector<16xi32>
    %shift_right_logical3A_670 = arith.shrui %add3A_664, %broadcast_in_dim3A_9 : vector<16xi32>
    %shift_left3A_671 = arith.shli %shift_right_logical3A_670, %broadcast_in_dim3A_3 : vector<16xi32>
    %add3A_672 = arith.addi %shift_left3A_669, %shift_left3A_671 : vector<16xi32>
    %and3A_673 = arith.andi %get3A_667, %broadcast_in_dim3A_9 : vector<16xi32>
    %add3A_674 = arith.addi %add3A_672, %and3A_673 : vector<16xi32>
    %shift_left3A_675 = arith.shli %add3A_674, %broadcast_in_dim3A_3 : vector<16xi32>
    %and3A_676 = arith.andi %add3A_664, %broadcast_in_dim3A_11 : vector<16xi32>
    %shift_right_logical3A_677 = arith.shrui %and3A_676, %broadcast_in_dim3A_5 : vector<16xi32>
    %add3A_678 = arith.addi %shift_left3A_675, %shift_right_logical3A_677 : vector<16xi32>
    %swap3A_679 = arith.constant 2 : i32
    %swap3A_680 = arith.index_cast %swap3A_679 : i32 to index
    %swap3A_681 = arith.constant 48 : index
    %swap3A_682 = tpu.vector_load %arg6[%swap3A_680, %swap3A_681] {strides = array<i32>} : memref<5x128xi32, #tpu.memory_space<vmem>>, vector<1x16xi32>,
    %swap3A_683 = vector.shape_cast %swap3A_682 : vector<1x16xi32> to vector<16xi32>
    %swap3A_684 = vector.shape_cast %add3A_678 : vector<16xi32> to vector<1x16xi32>
    tpu.vector_store %arg6[%swap3A_680, %swap3A_681], %swap3A_684 {strides = array<i32>} : memref<5x128xi32, #tpu.memory_space<vmem>>, vector<1x16xi32>,
    %broadcast_in_dim3A_685 = arith.constant 20 : i32
    %broadcast_in_dim3A_686 = vector.broadcast %broadcast_in_dim3A_685 : i32 to vector<16xi32>
    %ge3A_687 = arith.cmpi sge, %iota3A, %broadcast_in_dim3A_686 : vector<16xi32>
    %broadcast_in_dim3A_688 = arith.constant 1 : i32
    %broadcast_in_dim3A_689 = vector.broadcast %broadcast_in_dim3A_688 : i32 to vector<16xi32>
    %broadcast_in_dim3A_690 = arith.constant 0 : i32
    %broadcast_in_dim3A_691 = vector.broadcast %broadcast_in_dim3A_690 : i32 to vector<16xi32>
    %select_n3A_692 = arith.select %ge3A_687, %broadcast_in_dim3A_689, %broadcast_in_dim3A_691 : vector<16xi1>, vector<16xi32>
    %mul3A_693 = arith.constant 32 : i32
    %mul3A_694 = arith.muli %add3A, %mul3A_693 : i32
    %add3A_695 = arith.constant 16 : i32
    %add3A_696 = arith.addi %mul3A_694, %add3A_695 : i32
    %broadcast_in_dim3A_697 = vector.broadcast %add3A_696 : i32 to vector<16xi32>
    %add3A_698 = arith.addi %broadcast_in_dim3A_697, %select_n3A_692 : vector<16xi32>
    %get3A_699 = arith.constant 320 : index
    %get3A_700 = tpu.vector_load %arg5[%get3A_699] {strides = array<i32>} : memref<640xi32, #tpu.memory_space<vmem>>, vector<16xi32>,
    %get3A_701 = vector.shape_cast %get3A_700 : vector<16xi32> to vector<16xi32>
    %shift_right_logical3A_702 = arith.shrui %get3A_701, %broadcast_in_dim3A_3 : vector<16xi32>
    %shift_left3A_703 = arith.shli %shift_right_logical3A_702, %broadcast_in_dim3A_7 : vector<16xi32>
    %shift_right_logical3A_704 = arith.shrui %add3A_698, %broadcast_in_dim3A_9 : vector<16xi32>
    %shift_left3A_705 = arith.shli %shift_right_logical3A_704, %broadcast_in_dim3A_3 : vector<16xi32>
    %add3A_706 = arith.addi %shift_left3A_703, %shift_left3A_705 : vector<16xi32>
    %and3A_707 = arith.andi %get3A_701, %broadcast_in_dim3A_9 : vector<16xi32>
    %add3A_708 = arith.addi %add3A_706, %and3A_707 : vector<16xi32>
    %shift_left3A_709 = arith.shli %add3A_708, %broadcast_in_dim3A_3 : vector<16xi32>
    %and3A_710 = arith.andi %add3A_698, %broadcast_in_dim3A_11 : vector<16xi32>
    %shift_right_logical3A_711 = arith.shrui %and3A_710, %broadcast_in_dim3A_5 : vector<16xi32>
    %add3A_712 = arith.addi %shift_left3A_709, %shift_right_logical3A_711 : vector<16xi32>
    %swap3A_713 = arith.constant 2 : i32
    %swap3A_714 = arith.index_cast %swap3A_713 : i32 to index
    %swap3A_715 = arith.constant 64 : index
    %swap3A_716 = tpu.vector_load %arg6[%swap3A_714, %swap3A_715] {strides = array<i32>} : memref<5x128xi32, #tpu.memory_space<vmem>>, vector<1x16xi32>,
    %swap3A_717 = vector.shape_cast %swap3A_716 : vector<1x16xi32> to vector<16xi32>
    %swap3A_718 = vector.shape_cast %add3A_712 : vector<16xi32> to vector<1x16xi32>
    tpu.vector_store %arg6[%swap3A_714, %swap3A_715], %swap3A_718 {strides = array<i32>} : memref<5x128xi32, #tpu.memory_space<vmem>>, vector<1x16xi32>,
    %broadcast_in_dim3A_719 = arith.constant 4 : i32
    %broadcast_in_dim3A_720 = vector.broadcast %broadcast_in_dim3A_719 : i32 to vector<16xi32>
    %ge3A_721 = arith.cmpi sge, %iota3A, %broadcast_in_dim3A_720 : vector<16xi32>
    %broadcast_in_dim3A_722 = arith.constant 1 : i32
    %broadcast_in_dim3A_723 = vector.broadcast %broadcast_in_dim3A_722 : i32 to vector<16xi32>
    %broadcast_in_dim3A_724 = arith.constant 0 : i32
    %broadcast_in_dim3A_725 = vector.broadcast %broadcast_in_dim3A_724 : i32 to vector<16xi32>
    %select_n3A_726 = arith.select %ge3A_721, %broadcast_in_dim3A_723, %broadcast_in_dim3A_725 : vector<16xi1>, vector<16xi32>
    %mul3A_727 = arith.constant 32 : i32
    %mul3A_728 = arith.muli %add3A, %mul3A_727 : i32
    %add3A_729 = arith.constant 16 : i32
    %add3A_730 = arith.addi %mul3A_728, %add3A_729 : i32
    %broadcast_in_dim3A_731 = vector.broadcast %add3A_730 : i32 to vector<16xi32>
    %add3A_732 = arith.addi %broadcast_in_dim3A_731, %select_n3A_726 : vector<16xi32>
    %get3A_733 = arith.constant 336 : index
    %get3A_734 = tpu.vector_load %arg5[%get3A_733] {strides = array<i32>} : memref<640xi32, #tpu.memory_space<vmem>>, vector<16xi32>,
    %get3A_735 = vector.shape_cast %get3A_734 : vector<16xi32> to vector<16xi32>
    %shift_right_logical3A_736 = arith.shrui %get3A_735, %broadcast_in_dim3A_3 : vector<16xi32>
    %shift_left3A_737 = arith.shli %shift_right_logical3A_736, %broadcast_in_dim3A_7 : vector<16xi32>
    %shift_right_logical3A_738 = arith.shrui %add3A_732, %broadcast_in_dim3A_9 : vector<16xi32>
    %shift_left3A_739 = arith.shli %shift_right_logical3A_738, %broadcast_in_dim3A_3 : vector<16xi32>
    %add3A_740 = arith.addi %shift_left3A_737, %shift_left3A_739 : vector<16xi32>
    %and3A_741 = arith.andi %get3A_735, %broadcast_in_dim3A_9 : vector<16xi32>
    %add3A_742 = arith.addi %add3A_740, %and3A_741 : vector<16xi32>
    %shift_left3A_743 = arith.shli %add3A_742, %broadcast_in_dim3A_3 : vector<16xi32>
    %and3A_744 = arith.andi %add3A_732, %broadcast_in_dim3A_11 : vector<16xi32>
    %shift_right_logical3A_745 = arith.shrui %and3A_744, %broadcast_in_dim3A_5 : vector<16xi32>
    %add3A_746 = arith.addi %shift_left3A_743, %shift_right_logical3A_745 : vector<16xi32>
    %swap3A_747 = arith.constant 2 : i32
    %swap3A_748 = arith.index_cast %swap3A_747 : i32 to index
    %swap3A_749 = arith.constant 80 : index
    %swap3A_750 = tpu.vector_load %arg6[%swap3A_748, %swap3A_749] {strides = array<i32>} : memref<5x128xi32, #tpu.memory_space<vmem>>, vector<1x16xi32>,
    %swap3A_751 = vector.shape_cast %swap3A_750 : vector<1x16xi32> to vector<16xi32>
    %swap3A_752 = vector.shape_cast %add3A_746 : vector<16xi32> to vector<1x16xi32>
    tpu.vector_store %arg6[%swap3A_748, %swap3A_749], %swap3A_752 {strides = array<i32>} : memref<5x128xi32, #tpu.memory_space<vmem>>, vector<1x16xi32>,
    %broadcast_in_dim3A_753 = arith.constant 8 : i32
    %broadcast_in_dim3A_754 = vector.broadcast %broadcast_in_dim3A_753 : i32 to vector<16xi32>
    %ge3A_755 = arith.cmpi sge, %iota3A, %broadcast_in_dim3A_754 : vector<16xi32>
    %broadcast_in_dim3A_756 = arith.constant 1 : i32
    %broadcast_in_dim3A_757 = vector.broadcast %broadcast_in_dim3A_756 : i32 to vector<16xi32>
    %broadcast_in_dim3A_758 = arith.constant 0 : i32
    %broadcast_in_dim3A_759 = vector.broadcast %broadcast_in_dim3A_758 : i32 to vector<16xi32>
    %select_n3A_760 = arith.select %ge3A_755, %broadcast_in_dim3A_757, %broadcast_in_dim3A_759 : vector<16xi1>, vector<16xi32>
    %mul3A_761 = arith.constant 32 : i32
    %mul3A_762 = arith.muli %add3A, %mul3A_761 : i32
    %add3A_763 = arith.constant 17 : i32
    %add3A_764 = arith.addi %mul3A_762, %add3A_763 : i32
    %broadcast_in_dim3A_765 = vector.broadcast %add3A_764 : i32 to vector<16xi32>
    %add3A_766 = arith.addi %broadcast_in_dim3A_765, %select_n3A_760 : vector<16xi32>
    %get3A_767 = arith.constant 352 : index
    %get3A_768 = tpu.vector_load %arg5[%get3A_767] {strides = array<i32>} : memref<640xi32, #tpu.memory_space<vmem>>, vector<16xi32>,
    %get3A_769 = vector.shape_cast %get3A_768 : vector<16xi32> to vector<16xi32>
    %shift_right_logical3A_770 = arith.shrui %get3A_769, %broadcast_in_dim3A_3 : vector<16xi32>
    %shift_left3A_771 = arith.shli %shift_right_logical3A_770, %broadcast_in_dim3A_7 : vector<16xi32>
    %shift_right_logical3A_772 = arith.shrui %add3A_766, %broadcast_in_dim3A_9 : vector<16xi32>
    %shift_left3A_773 = arith.shli %shift_right_logical3A_772, %broadcast_in_dim3A_3 : vector<16xi32>
    %add3A_774 = arith.addi %shift_left3A_771, %shift_left3A_773 : vector<16xi32>
    %and3A_775 = arith.andi %get3A_769, %broadcast_in_dim3A_9 : vector<16xi32>
    %add3A_776 = arith.addi %add3A_774, %and3A_775 : vector<16xi32>
    %shift_left3A_777 = arith.shli %add3A_776, %broadcast_in_dim3A_3 : vector<16xi32>
    %and3A_778 = arith.andi %add3A_766, %broadcast_in_dim3A_11 : vector<16xi32>
    %shift_right_logical3A_779 = arith.shrui %and3A_778, %broadcast_in_dim3A_5 : vector<16xi32>
    %add3A_780 = arith.addi %shift_left3A_777, %shift_right_logical3A_779 : vector<16xi32>
    %swap3A_781 = arith.constant 2 : i32
    %swap3A_782 = arith.index_cast %swap3A_781 : i32 to index
    %swap3A_783 = arith.constant 96 : index
    %swap3A_784 = tpu.vector_load %arg6[%swap3A_782, %swap3A_783] {strides = array<i32>} : memref<5x128xi32, #tpu.memory_space<vmem>>, vector<1x16xi32>,
    %swap3A_785 = vector.shape_cast %swap3A_784 : vector<1x16xi32> to vector<16xi32>
    %swap3A_786 = vector.shape_cast %add3A_780 : vector<16xi32> to vector<1x16xi32>
    tpu.vector_store %arg6[%swap3A_782, %swap3A_783], %swap3A_786 {strides = array<i32>} : memref<5x128xi32, #tpu.memory_space<vmem>>, vector<1x16xi32>,
    %broadcast_in_dim3A_787 = arith.constant 12 : i32
    %broadcast_in_dim3A_788 = vector.broadcast %broadcast_in_dim3A_787 : i32 to vector<16xi32>
    %ge3A_789 = arith.cmpi sge, %iota3A, %broadcast_in_dim3A_788 : vector<16xi32>
    %broadcast_in_dim3A_790 = arith.constant 1 : i32
    %broadcast_in_dim3A_791 = vector.broadcast %broadcast_in_dim3A_790 : i32 to vector<16xi32>
    %broadcast_in_dim3A_792 = arith.constant 0 : i32
    %broadcast_in_dim3A_793 = vector.broadcast %broadcast_in_dim3A_792 : i32 to vector<16xi32>
    %select_n3A_794 = arith.select %ge3A_789, %broadcast_in_dim3A_791, %broadcast_in_dim3A_793 : vector<16xi1>, vector<16xi32>
    %mul3A_795 = arith.constant 32 : i32
    %mul3A_796 = arith.muli %add3A, %mul3A_795 : i32
    %add3A_797 = arith.constant 18 : i32
    %add3A_798 = arith.addi %mul3A_796, %add3A_797 : i32
    %broadcast_in_dim3A_799 = vector.broadcast %add3A_798 : i32 to vector<16xi32>
    %add3A_800 = arith.addi %broadcast_in_dim3A_799, %select_n3A_794 : vector<16xi32>
    %get3A_801 = arith.constant 368 : index
    %get3A_802 = tpu.vector_load %arg5[%get3A_801] {strides = array<i32>} : memref<640xi32, #tpu.memory_space<vmem>>, vector<16xi32>,
    %get3A_803 = vector.shape_cast %get3A_802 : vector<16xi32> to vector<16xi32>
    %shift_right_logical3A_804 = arith.shrui %get3A_803, %broadcast_in_dim3A_3 : vector<16xi32>
    %shift_left3A_805 = arith.shli %shift_right_logical3A_804, %broadcast_in_dim3A_7 : vector<16xi32>
    %shift_right_logical3A_806 = arith.shrui %add3A_800, %broadcast_in_dim3A_9 : vector<16xi32>
    %shift_left3A_807 = arith.shli %shift_right_logical3A_806, %broadcast_in_dim3A_3 : vector<16xi32>
    %add3A_808 = arith.addi %shift_left3A_805, %shift_left3A_807 : vector<16xi32>
    %and3A_809 = arith.andi %get3A_803, %broadcast_in_dim3A_9 : vector<16xi32>
    %add3A_810 = arith.addi %add3A_808, %and3A_809 : vector<16xi32>
    %shift_left3A_811 = arith.shli %add3A_810, %broadcast_in_dim3A_3 : vector<16xi32>
    %and3A_812 = arith.andi %add3A_800, %broadcast_in_dim3A_11 : vector<16xi32>
    %shift_right_logical3A_813 = arith.shrui %and3A_812, %broadcast_in_dim3A_5 : vector<16xi32>
    %add3A_814 = arith.addi %shift_left3A_811, %shift_right_logical3A_813 : vector<16xi32>
    %swap3A_815 = arith.constant 2 : i32
    %swap3A_816 = arith.index_cast %swap3A_815 : i32 to index
    %swap3A_817 = arith.constant 112 : index
    %swap3A_818 = tpu.vector_load %arg6[%swap3A_816, %swap3A_817] {strides = array<i32>} : memref<5x128xi32, #tpu.memory_space<vmem>>, vector<1x16xi32>,
    %swap3A_819 = vector.shape_cast %swap3A_818 : vector<1x16xi32> to vector<16xi32>
    %swap3A_820 = vector.shape_cast %add3A_814 : vector<16xi32> to vector<1x16xi32>
    tpu.vector_store %arg6[%swap3A_816, %swap3A_817], %swap3A_820 {strides = array<i32>} : memref<5x128xi32, #tpu.memory_space<vmem>>, vector<1x16xi32>,
    %broadcast_in_dim3A_821 = arith.constant 16 : i32
    %broadcast_in_dim3A_822 = vector.broadcast %broadcast_in_dim3A_821 : i32 to vector<16xi32>
    %ge3A_823 = arith.cmpi sge, %iota3A, %broadcast_in_dim3A_822 : vector<16xi32>
    %broadcast_in_dim3A_824 = arith.constant 1 : i32
    %broadcast_in_dim3A_825 = vector.broadcast %broadcast_in_dim3A_824 : i32 to vector<16xi32>
    %broadcast_in_dim3A_826 = arith.constant 0 : i32
    %broadcast_in_dim3A_827 = vector.broadcast %broadcast_in_dim3A_826 : i32 to vector<16xi32>
    %select_n3A_828 = arith.select %ge3A_823, %broadcast_in_dim3A_825, %broadcast_in_dim3A_827 : vector<16xi1>, vector<16xi32>
    %mul3A_829 = arith.constant 32 : i32
    %mul3A_830 = arith.muli %add3A, %mul3A_829 : i32
    %add3A_831 = arith.constant 19 : i32
    %add3A_832 = arith.addi %mul3A_830, %add3A_831 : i32
    %broadcast_in_dim3A_833 = vector.broadcast %add3A_832 : i32 to vector<16xi32>
    %add3A_834 = arith.addi %broadcast_in_dim3A_833, %select_n3A_828 : vector<16xi32>
    %get3A_835 = arith.constant 384 : index
    %get3A_836 = tpu.vector_load %arg5[%get3A_835] {strides = array<i32>} : memref<640xi32, #tpu.memory_space<vmem>>, vector<16xi32>,
    %get3A_837 = vector.shape_cast %get3A_836 : vector<16xi32> to vector<16xi32>
    %shift_right_logical3A_838 = arith.shrui %get3A_837, %broadcast_in_dim3A_3 : vector<16xi32>
    %shift_left3A_839 = arith.shli %shift_right_logical3A_838, %broadcast_in_dim3A_7 : vector<16xi32>
    %shift_right_logical3A_840 = arith.shrui %add3A_834, %broadcast_in_dim3A_9 : vector<16xi32>
    %shift_left3A_841 = arith.shli %shift_right_logical3A_840, %broadcast_in_dim3A_3 : vector<16xi32>
    %add3A_842 = arith.addi %shift_left3A_839, %shift_left3A_841 : vector<16xi32>
    %and3A_843 = arith.andi %get3A_837, %broadcast_in_dim3A_9 : vector<16xi32>
    %add3A_844 = arith.addi %add3A_842, %and3A_843 : vector<16xi32>
    %shift_left3A_845 = arith.shli %add3A_844, %broadcast_in_dim3A_3 : vector<16xi32>
    %and3A_846 = arith.andi %add3A_834, %broadcast_in_dim3A_11 : vector<16xi32>
    %shift_right_logical3A_847 = arith.shrui %and3A_846, %broadcast_in_dim3A_5 : vector<16xi32>
    %add3A_848 = arith.addi %shift_left3A_845, %shift_right_logical3A_847 : vector<16xi32>
    %swap3A_849 = arith.constant 3 : i32
    %swap3A_850 = arith.index_cast %swap3A_849 : i32 to index
    %swap3A_851 = arith.constant 0 : index
    %swap3A_852 = tpu.vector_load %arg6[%swap3A_850, %swap3A_851] {strides = array<i32>} : memref<5x128xi32, #tpu.memory_space<vmem>>, vector<1x16xi32>,
    %swap3A_853 = vector.shape_cast %swap3A_852 : vector<1x16xi32> to vector<16xi32>
    %swap3A_854 = vector.shape_cast %add3A_848 : vector<16xi32> to vector<1x16xi32>
    tpu.vector_store %arg6[%swap3A_850, %swap3A_851], %swap3A_854 {strides = array<i32>} : memref<5x128xi32, #tpu.memory_space<vmem>>, vector<1x16xi32>,
    %broadcast_in_dim3A_855 = arith.constant 20 : i32
    %broadcast_in_dim3A_856 = vector.broadcast %broadcast_in_dim3A_855 : i32 to vector<16xi32>
    %ge3A_857 = arith.cmpi sge, %iota3A, %broadcast_in_dim3A_856 : vector<16xi32>
    %broadcast_in_dim3A_858 = arith.constant 1 : i32
    %broadcast_in_dim3A_859 = vector.broadcast %broadcast_in_dim3A_858 : i32 to vector<16xi32>
    %broadcast_in_dim3A_860 = arith.constant 0 : i32
    %broadcast_in_dim3A_861 = vector.broadcast %broadcast_in_dim3A_860 : i32 to vector<16xi32>
    %select_n3A_862 = arith.select %ge3A_857, %broadcast_in_dim3A_859, %broadcast_in_dim3A_861 : vector<16xi1>, vector<16xi32>
    %mul3A_863 = arith.constant 32 : i32
    %mul3A_864 = arith.muli %add3A, %mul3A_863 : i32
    %add3A_865 = arith.constant 20 : i32
    %add3A_866 = arith.addi %mul3A_864, %add3A_865 : i32
    %broadcast_in_dim3A_867 = vector.broadcast %add3A_866 : i32 to vector<16xi32>
    %add3A_868 = arith.addi %broadcast_in_dim3A_867, %select_n3A_862 : vector<16xi32>
    %get3A_869 = arith.constant 400 : index
    %get3A_870 = tpu.vector_load %arg5[%get3A_869] {strides = array<i32>} : memref<640xi32, #tpu.memory_space<vmem>>, vector<16xi32>,
    %get3A_871 = vector.shape_cast %get3A_870 : vector<16xi32> to vector<16xi32>
    %shift_right_logical3A_872 = arith.shrui %get3A_871, %broadcast_in_dim3A_3 : vector<16xi32>
    %shift_left3A_873 = arith.shli %shift_right_logical3A_872, %broadcast_in_dim3A_7 : vector<16xi32>
    %shift_right_logical3A_874 = arith.shrui %add3A_868, %broadcast_in_dim3A_9 : vector<16xi32>
    %shift_left3A_875 = arith.shli %shift_right_logical3A_874, %broadcast_in_dim3A_3 : vector<16xi32>
    %add3A_876 = arith.addi %shift_left3A_873, %shift_left3A_875 : vector<16xi32>
    %and3A_877 = arith.andi %get3A_871, %broadcast_in_dim3A_9 : vector<16xi32>
    %add3A_878 = arith.addi %add3A_876, %and3A_877 : vector<16xi32>
    %shift_left3A_879 = arith.shli %add3A_878, %broadcast_in_dim3A_3 : vector<16xi32>
    %and3A_880 = arith.andi %add3A_868, %broadcast_in_dim3A_11 : vector<16xi32>
    %shift_right_logical3A_881 = arith.shrui %and3A_880, %broadcast_in_dim3A_5 : vector<16xi32>
    %add3A_882 = arith.addi %shift_left3A_879, %shift_right_logical3A_881 : vector<16xi32>
    %swap3A_883 = arith.constant 3 : i32
    %swap3A_884 = arith.index_cast %swap3A_883 : i32 to index
    %swap3A_885 = arith.constant 16 : index
    %swap3A_886 = tpu.vector_load %arg6[%swap3A_884, %swap3A_885] {strides = array<i32>} : memref<5x128xi32, #tpu.memory_space<vmem>>, vector<1x16xi32>,
    %swap3A_887 = vector.shape_cast %swap3A_886 : vector<1x16xi32> to vector<16xi32>
    %swap3A_888 = vector.shape_cast %add3A_882 : vector<16xi32> to vector<1x16xi32>
    tpu.vector_store %arg6[%swap3A_884, %swap3A_885], %swap3A_888 {strides = array<i32>} : memref<5x128xi32, #tpu.memory_space<vmem>>, vector<1x16xi32>,
    %broadcast_in_dim3A_889 = arith.constant 4 : i32
    %broadcast_in_dim3A_890 = vector.broadcast %broadcast_in_dim3A_889 : i32 to vector<16xi32>
    %ge3A_891 = arith.cmpi sge, %iota3A, %broadcast_in_dim3A_890 : vector<16xi32>
    %broadcast_in_dim3A_892 = arith.constant 1 : i32
    %broadcast_in_dim3A_893 = vector.broadcast %broadcast_in_dim3A_892 : i32 to vector<16xi32>
    %broadcast_in_dim3A_894 = arith.constant 0 : i32
    %broadcast_in_dim3A_895 = vector.broadcast %broadcast_in_dim3A_894 : i32 to vector<16xi32>
    %select_n3A_896 = arith.select %ge3A_891, %broadcast_in_dim3A_893, %broadcast_in_dim3A_895 : vector<16xi1>, vector<16xi32>
    %mul3A_897 = arith.constant 32 : i32
    %mul3A_898 = arith.muli %add3A, %mul3A_897 : i32
    %add3A_899 = arith.constant 20 : i32
    %add3A_900 = arith.addi %mul3A_898, %add3A_899 : i32
    %broadcast_in_dim3A_901 = vector.broadcast %add3A_900 : i32 to vector<16xi32>
    %add3A_902 = arith.addi %broadcast_in_dim3A_901, %select_n3A_896 : vector<16xi32>
    %get3A_903 = arith.constant 416 : index
    %get3A_904 = tpu.vector_load %arg5[%get3A_903] {strides = array<i32>} : memref<640xi32, #tpu.memory_space<vmem>>, vector<16xi32>,
    %get3A_905 = vector.shape_cast %get3A_904 : vector<16xi32> to vector<16xi32>
    %shift_right_logical3A_906 = arith.shrui %get3A_905, %broadcast_in_dim3A_3 : vector<16xi32>
    %shift_left3A_907 = arith.shli %shift_right_logical3A_906, %broadcast_in_dim3A_7 : vector<16xi32>
    %shift_right_logical3A_908 = arith.shrui %add3A_902, %broadcast_in_dim3A_9 : vector<16xi32>
    %shift_left3A_909 = arith.shli %shift_right_logical3A_908, %broadcast_in_dim3A_3 : vector<16xi32>
    %add3A_910 = arith.addi %shift_left3A_907, %shift_left3A_909 : vector<16xi32>
    %and3A_911 = arith.andi %get3A_905, %broadcast_in_dim3A_9 : vector<16xi32>
    %add3A_912 = arith.addi %add3A_910, %and3A_911 : vector<16xi32>
    %shift_left3A_913 = arith.shli %add3A_912, %broadcast_in_dim3A_3 : vector<16xi32>
    %and3A_914 = arith.andi %add3A_902, %broadcast_in_dim3A_11 : vector<16xi32>
    %shift_right_logical3A_915 = arith.shrui %and3A_914, %broadcast_in_dim3A_5 : vector<16xi32>
    %add3A_916 = arith.addi %shift_left3A_913, %shift_right_logical3A_915 : vector<16xi32>
    %swap3A_917 = arith.constant 3 : i32
    %swap3A_918 = arith.index_cast %swap3A_917 : i32 to index
    %swap3A_919 = arith.constant 32 : index
    %swap3A_920 = tpu.vector_load %arg6[%swap3A_918, %swap3A_919] {strides = array<i32>} : memref<5x128xi32, #tpu.memory_space<vmem>>, vector<1x16xi32>,
    %swap3A_921 = vector.shape_cast %swap3A_920 : vector<1x16xi32> to vector<16xi32>
    %swap3A_922 = vector.shape_cast %add3A_916 : vector<16xi32> to vector<1x16xi32>
    tpu.vector_store %arg6[%swap3A_918, %swap3A_919], %swap3A_922 {strides = array<i32>} : memref<5x128xi32, #tpu.memory_space<vmem>>, vector<1x16xi32>,
    %broadcast_in_dim3A_923 = arith.constant 8 : i32
    %broadcast_in_dim3A_924 = vector.broadcast %broadcast_in_dim3A_923 : i32 to vector<16xi32>
    %ge3A_925 = arith.cmpi sge, %iota3A, %broadcast_in_dim3A_924 : vector<16xi32>
    %broadcast_in_dim3A_926 = arith.constant 1 : i32
    %broadcast_in_dim3A_927 = vector.broadcast %broadcast_in_dim3A_926 : i32 to vector<16xi32>
    %broadcast_in_dim3A_928 = arith.constant 0 : i32
    %broadcast_in_dim3A_929 = vector.broadcast %broadcast_in_dim3A_928 : i32 to vector<16xi32>
    %select_n3A_930 = arith.select %ge3A_925, %broadcast_in_dim3A_927, %broadcast_in_dim3A_929 : vector<16xi1>, vector<16xi32>
    %mul3A_931 = arith.constant 32 : i32
    %mul3A_932 = arith.muli %add3A, %mul3A_931 : i32
    %add3A_933 = arith.constant 21 : i32
    %add3A_934 = arith.addi %mul3A_932, %add3A_933 : i32
    %broadcast_in_dim3A_935 = vector.broadcast %add3A_934 : i32 to vector<16xi32>
    %add3A_936 = arith.addi %broadcast_in_dim3A_935, %select_n3A_930 : vector<16xi32>
    %get3A_937 = arith.constant 432 : index
    %get3A_938 = tpu.vector_load %arg5[%get3A_937] {strides = array<i32>} : memref<640xi32, #tpu.memory_space<vmem>>, vector<16xi32>,
    %get3A_939 = vector.shape_cast %get3A_938 : vector<16xi32> to vector<16xi32>
    %shift_right_logical3A_940 = arith.shrui %get3A_939, %broadcast_in_dim3A_3 : vector<16xi32>
    %shift_left3A_941 = arith.shli %shift_right_logical3A_940, %broadcast_in_dim3A_7 : vector<16xi32>
    %shift_right_logical3A_942 = arith.shrui %add3A_936, %broadcast_in_dim3A_9 : vector<16xi32>
    %shift_left3A_943 = arith.shli %shift_right_logical3A_942, %broadcast_in_dim3A_3 : vector<16xi32>
    %add3A_944 = arith.addi %shift_left3A_941, %shift_left3A_943 : vector<16xi32>
    %and3A_945 = arith.andi %get3A_939, %broadcast_in_dim3A_9 : vector<16xi32>
    %add3A_946 = arith.addi %add3A_944, %and3A_945 : vector<16xi32>
    %shift_left3A_947 = arith.shli %add3A_946, %broadcast_in_dim3A_3 : vector<16xi32>
    %and3A_948 = arith.andi %add3A_936, %broadcast_in_dim3A_11 : vector<16xi32>
    %shift_right_logical3A_949 = arith.shrui %and3A_948, %broadcast_in_dim3A_5 : vector<16xi32>
    %add3A_950 = arith.addi %shift_left3A_947, %shift_right_logical3A_949 : vector<16xi32>
    %swap3A_951 = arith.constant 3 : i32
    %swap3A_952 = arith.index_cast %swap3A_951 : i32 to index
    %swap3A_953 = arith.constant 48 : index
    %swap3A_954 = tpu.vector_load %arg6[%swap3A_952, %swap3A_953] {strides = array<i32>} : memref<5x128xi32, #tpu.memory_space<vmem>>, vector<1x16xi32>,
    %swap3A_955 = vector.shape_cast %swap3A_954 : vector<1x16xi32> to vector<16xi32>
    %swap3A_956 = vector.shape_cast %add3A_950 : vector<16xi32> to vector<1x16xi32>
    tpu.vector_store %arg6[%swap3A_952, %swap3A_953], %swap3A_956 {strides = array<i32>} : memref<5x128xi32, #tpu.memory_space<vmem>>, vector<1x16xi32>,
    %broadcast_in_dim3A_957 = arith.constant 12 : i32
    %broadcast_in_dim3A_958 = vector.broadcast %broadcast_in_dim3A_957 : i32 to vector<16xi32>
    %ge3A_959 = arith.cmpi sge, %iota3A, %broadcast_in_dim3A_958 : vector<16xi32>
    %broadcast_in_dim3A_960 = arith.constant 1 : i32
    %broadcast_in_dim3A_961 = vector.broadcast %broadcast_in_dim3A_960 : i32 to vector<16xi32>
    %broadcast_in_dim3A_962 = arith.constant 0 : i32
    %broadcast_in_dim3A_963 = vector.broadcast %broadcast_in_dim3A_962 : i32 to vector<16xi32>
    %select_n3A_964 = arith.select %ge3A_959, %broadcast_in_dim3A_961, %broadcast_in_dim3A_963 : vector<16xi1>, vector<16xi32>
    %mul3A_965 = arith.constant 32 : i32
    %mul3A_966 = arith.muli %add3A, %mul3A_965 : i32
    %add3A_967 = arith.constant 22 : i32
    %add3A_968 = arith.addi %mul3A_966, %add3A_967 : i32
    %broadcast_in_dim3A_969 = vector.broadcast %add3A_968 : i32 to vector<16xi32>
    %add3A_970 = arith.addi %broadcast_in_dim3A_969, %select_n3A_964 : vector<16xi32>
    %get3A_971 = arith.constant 448 : index
    %get3A_972 = tpu.vector_load %arg5[%get3A_971] {strides = array<i32>} : memref<640xi32, #tpu.memory_space<vmem>>, vector<16xi32>,
    %get3A_973 = vector.shape_cast %get3A_972 : vector<16xi32> to vector<16xi32>
    %shift_right_logical3A_974 = arith.shrui %get3A_973, %broadcast_in_dim3A_3 : vector<16xi32>
    %shift_left3A_975 = arith.shli %shift_right_logical3A_974, %broadcast_in_dim3A_7 : vector<16xi32>
    %shift_right_logical3A_976 = arith.shrui %add3A_970, %broadcast_in_dim3A_9 : vector<16xi32>
    %shift_left3A_977 = arith.shli %shift_right_logical3A_976, %broadcast_in_dim3A_3 : vector<16xi32>
    %add3A_978 = arith.addi %shift_left3A_975, %shift_left3A_977 : vector<16xi32>
    %and3A_979 = arith.andi %get3A_973, %broadcast_in_dim3A_9 : vector<16xi32>
    %add3A_980 = arith.addi %add3A_978, %and3A_979 : vector<16xi32>
    %shift_left3A_981 = arith.shli %add3A_980, %broadcast_in_dim3A_3 : vector<16xi32>
    %and3A_982 = arith.andi %add3A_970, %broadcast_in_dim3A_11 : vector<16xi32>
    %shift_right_logical3A_983 = arith.shrui %and3A_982, %broadcast_in_dim3A_5 : vector<16xi32>
    %add3A_984 = arith.addi %shift_left3A_981, %shift_right_logical3A_983 : vector<16xi32>
    %swap3A_985 = arith.constant 3 : i32
    %swap3A_986 = arith.index_cast %swap3A_985 : i32 to index
    %swap3A_987 = arith.constant 64 : index
    %swap3A_988 = tpu.vector_load %arg6[%swap3A_986, %swap3A_987] {strides = array<i32>} : memref<5x128xi32, #tpu.memory_space<vmem>>, vector<1x16xi32>,
    %swap3A_989 = vector.shape_cast %swap3A_988 : vector<1x16xi32> to vector<16xi32>
    %swap3A_990 = vector.shape_cast %add3A_984 : vector<16xi32> to vector<1x16xi32>
    tpu.vector_store %arg6[%swap3A_986, %swap3A_987], %swap3A_990 {strides = array<i32>} : memref<5x128xi32, #tpu.memory_space<vmem>>, vector<1x16xi32>,
    %broadcast_in_dim3A_991 = arith.constant 16 : i32
    %broadcast_in_dim3A_992 = vector.broadcast %broadcast_in_dim3A_991 : i32 to vector<16xi32>
    %ge3A_993 = arith.cmpi sge, %iota3A, %broadcast_in_dim3A_992 : vector<16xi32>
    %broadcast_in_dim3A_994 = arith.constant 1 : i32
    %broadcast_in_dim3A_995 = vector.broadcast %broadcast_in_dim3A_994 : i32 to vector<16xi32>
    %broadcast_in_dim3A_996 = arith.constant 0 : i32
    %broadcast_in_dim3A_997 = vector.broadcast %broadcast_in_dim3A_996 : i32 to vector<16xi32>
    %select_n3A_998 = arith.select %ge3A_993, %broadcast_in_dim3A_995, %broadcast_in_dim3A_997 : vector<16xi1>, vector<16xi32>
    %mul3A_999 = arith.constant 32 : i32
    %mul3A_1000 = arith.muli %add3A, %mul3A_999 : i32
    %add3A_1001 = arith.constant 23 : i32
    %add3A_1002 = arith.addi %mul3A_1000, %add3A_1001 : i32
    %broadcast_in_dim3A_1003 = vector.broadcast %add3A_1002 : i32 to vector<16xi32>
    %add3A_1004 = arith.addi %broadcast_in_dim3A_1003, %select_n3A_998 : vector<16xi32>
    %get3A_1005 = arith.constant 464 : index
    %get3A_1006 = tpu.vector_load %arg5[%get3A_1005] {strides = array<i32>} : memref<640xi32, #tpu.memory_space<vmem>>, vector<16xi32>,
    %get3A_1007 = vector.shape_cast %get3A_1006 : vector<16xi32> to vector<16xi32>
    %shift_right_logical3A_1008 = arith.shrui %get3A_1007, %broadcast_in_dim3A_3 : vector<16xi32>
    %shift_left3A_1009 = arith.shli %shift_right_logical3A_1008, %broadcast_in_dim3A_7 : vector<16xi32>
    %shift_right_logical3A_1010 = arith.shrui %add3A_1004, %broadcast_in_dim3A_9 : vector<16xi32>
    %shift_left3A_1011 = arith.shli %shift_right_logical3A_1010, %broadcast_in_dim3A_3 : vector<16xi32>
    %add3A_1012 = arith.addi %shift_left3A_1009, %shift_left3A_1011 : vector<16xi32>
    %and3A_1013 = arith.andi %get3A_1007, %broadcast_in_dim3A_9 : vector<16xi32>
    %add3A_1014 = arith.addi %add3A_1012, %and3A_1013 : vector<16xi32>
    %shift_left3A_1015 = arith.shli %add3A_1014, %broadcast_in_dim3A_3 : vector<16xi32>
    %and3A_1016 = arith.andi %add3A_1004, %broadcast_in_dim3A_11 : vector<16xi32>
    %shift_right_logical3A_1017 = arith.shrui %and3A_1016, %broadcast_in_dim3A_5 : vector<16xi32>
    %add3A_1018 = arith.addi %shift_left3A_1015, %shift_right_logical3A_1017 : vector<16xi32>
    %swap3A_1019 = arith.constant 3 : i32
    %swap3A_1020 = arith.index_cast %swap3A_1019 : i32 to index
    %swap3A_1021 = arith.constant 80 : index
    %swap3A_1022 = tpu.vector_load %arg6[%swap3A_1020, %swap3A_1021] {strides = array<i32>} : memref<5x128xi32, #tpu.memory_space<vmem>>, vector<1x16xi32>,
    %swap3A_1023 = vector.shape_cast %swap3A_1022 : vector<1x16xi32> to vector<16xi32>
    %swap3A_1024 = vector.shape_cast %add3A_1018 : vector<16xi32> to vector<1x16xi32>
    tpu.vector_store %arg6[%swap3A_1020, %swap3A_1021], %swap3A_1024 {strides = array<i32>} : memref<5x128xi32, #tpu.memory_space<vmem>>, vector<1x16xi32>,
    %broadcast_in_dim3A_1025 = arith.constant 20 : i32
    %broadcast_in_dim3A_1026 = vector.broadcast %broadcast_in_dim3A_1025 : i32 to vector<16xi32>
    %ge3A_1027 = arith.cmpi sge, %iota3A, %broadcast_in_dim3A_1026 : vector<16xi32>
    %broadcast_in_dim3A_1028 = arith.constant 1 : i32
    %broadcast_in_dim3A_1029 = vector.broadcast %broadcast_in_dim3A_1028 : i32 to vector<16xi32>
    %broadcast_in_dim3A_1030 = arith.constant 0 : i32
    %broadcast_in_dim3A_1031 = vector.broadcast %broadcast_in_dim3A_1030 : i32 to vector<16xi32>
    %select_n3A_1032 = arith.select %ge3A_1027, %broadcast_in_dim3A_1029, %broadcast_in_dim3A_1031 : vector<16xi1>, vector<16xi32>
    %mul3A_1033 = arith.constant 32 : i32
    %mul3A_1034 = arith.muli %add3A, %mul3A_1033 : i32
    %add3A_1035 = arith.constant 24 : i32
    %add3A_1036 = arith.addi %mul3A_1034, %add3A_1035 : i32
    %broadcast_in_dim3A_1037 = vector.broadcast %add3A_1036 : i32 to vector<16xi32>
    %add3A_1038 = arith.addi %broadcast_in_dim3A_1037, %select_n3A_1032 : vector<16xi32>
    %get3A_1039 = arith.constant 480 : index
    %get3A_1040 = tpu.vector_load %arg5[%get3A_1039] {strides = array<i32>} : memref<640xi32, #tpu.memory_space<vmem>>, vector<16xi32>,
    %get3A_1041 = vector.shape_cast %get3A_1040 : vector<16xi32> to vector<16xi32>
    %shift_right_logical3A_1042 = arith.shrui %get3A_1041, %broadcast_in_dim3A_3 : vector<16xi32>
    %shift_left3A_1043 = arith.shli %shift_right_logical3A_1042, %broadcast_in_dim3A_7 : vector<16xi32>
    %shift_right_logical3A_1044 = arith.shrui %add3A_1038, %broadcast_in_dim3A_9 : vector<16xi32>
    %shift_left3A_1045 = arith.shli %shift_right_logical3A_1044, %broadcast_in_dim3A_3 : vector<16xi32>
    %add3A_1046 = arith.addi %shift_left3A_1043, %shift_left3A_1045 : vector<16xi32>
    %and3A_1047 = arith.andi %get3A_1041, %broadcast_in_dim3A_9 : vector<16xi32>
    %add3A_1048 = arith.addi %add3A_1046, %and3A_1047 : vector<16xi32>
    %shift_left3A_1049 = arith.shli %add3A_1048, %broadcast_in_dim3A_3 : vector<16xi32>
    %and3A_1050 = arith.andi %add3A_1038, %broadcast_in_dim3A_11 : vector<16xi32>
    %shift_right_logical3A_1051 = arith.shrui %and3A_1050, %broadcast_in_dim3A_5 : vector<16xi32>
    %add3A_1052 = arith.addi %shift_left3A_1049, %shift_right_logical3A_1051 : vector<16xi32>
    %swap3A_1053 = arith.constant 3 : i32
    %swap3A_1054 = arith.index_cast %swap3A_1053 : i32 to index
    %swap3A_1055 = arith.constant 96 : index
    %swap3A_1056 = tpu.vector_load %arg6[%swap3A_1054, %swap3A_1055] {strides = array<i32>} : memref<5x128xi32, #tpu.memory_space<vmem>>, vector<1x16xi32>,
    %swap3A_1057 = vector.shape_cast %swap3A_1056 : vector<1x16xi32> to vector<16xi32>
    %swap3A_1058 = vector.shape_cast %add3A_1052 : vector<16xi32> to vector<1x16xi32>
    tpu.vector_store %arg6[%swap3A_1054, %swap3A_1055], %swap3A_1058 {strides = array<i32>} : memref<5x128xi32, #tpu.memory_space<vmem>>, vector<1x16xi32>,
    %broadcast_in_dim3A_1059 = arith.constant 4 : i32
    %broadcast_in_dim3A_1060 = vector.broadcast %broadcast_in_dim3A_1059 : i32 to vector<16xi32>
    %ge3A_1061 = arith.cmpi sge, %iota3A, %broadcast_in_dim3A_1060 : vector<16xi32>
    %broadcast_in_dim3A_1062 = arith.constant 1 : i32
    %broadcast_in_dim3A_1063 = vector.broadcast %broadcast_in_dim3A_1062 : i32 to vector<16xi32>
    %broadcast_in_dim3A_1064 = arith.constant 0 : i32
    %broadcast_in_dim3A_1065 = vector.broadcast %broadcast_in_dim3A_1064 : i32 to vector<16xi32>
    %select_n3A_1066 = arith.select %ge3A_1061, %broadcast_in_dim3A_1063, %broadcast_in_dim3A_1065 : vector<16xi1>, vector<16xi32>
    %mul3A_1067 = arith.constant 32 : i32
    %mul3A_1068 = arith.muli %add3A, %mul3A_1067 : i32
    %add3A_1069 = arith.constant 24 : i32
    %add3A_1070 = arith.addi %mul3A_1068, %add3A_1069 : i32
    %broadcast_in_dim3A_1071 = vector.broadcast %add3A_1070 : i32 to vector<16xi32>
    %add3A_1072 = arith.addi %broadcast_in_dim3A_1071, %select_n3A_1066 : vector<16xi32>
    %get3A_1073 = arith.constant 496 : index
    %get3A_1074 = tpu.vector_load %arg5[%get3A_1073] {strides = array<i32>} : memref<640xi32, #tpu.memory_space<vmem>>, vector<16xi32>,
    %get3A_1075 = vector.shape_cast %get3A_1074 : vector<16xi32> to vector<16xi32>
    %shift_right_logical3A_1076 = arith.shrui %get3A_1075, %broadcast_in_dim3A_3 : vector<16xi32>
    %shift_left3A_1077 = arith.shli %shift_right_logical3A_1076, %broadcast_in_dim3A_7 : vector<16xi32>
    %shift_right_logical3A_1078 = arith.shrui %add3A_1072, %broadcast_in_dim3A_9 : vector<16xi32>
    %shift_left3A_1079 = arith.shli %shift_right_logical3A_1078, %broadcast_in_dim3A_3 : vector<16xi32>
    %add3A_1080 = arith.addi %shift_left3A_1077, %shift_left3A_1079 : vector<16xi32>
    %and3A_1081 = arith.andi %get3A_1075, %broadcast_in_dim3A_9 : vector<16xi32>
    %add3A_1082 = arith.addi %add3A_1080, %and3A_1081 : vector<16xi32>
    %shift_left3A_1083 = arith.shli %add3A_1082, %broadcast_in_dim3A_3 : vector<16xi32>
    %and3A_1084 = arith.andi %add3A_1072, %broadcast_in_dim3A_11 : vector<16xi32>
    %shift_right_logical3A_1085 = arith.shrui %and3A_1084, %broadcast_in_dim3A_5 : vector<16xi32>
    %add3A_1086 = arith.addi %shift_left3A_1083, %shift_right_logical3A_1085 : vector<16xi32>
    %swap3A_1087 = arith.constant 3 : i32
    %swap3A_1088 = arith.index_cast %swap3A_1087 : i32 to index
    %swap3A_1089 = arith.constant 112 : index
    %swap3A_1090 = tpu.vector_load %arg6[%swap3A_1088, %swap3A_1089] {strides = array<i32>} : memref<5x128xi32, #tpu.memory_space<vmem>>, vector<1x16xi32>,
    %swap3A_1091 = vector.shape_cast %swap3A_1090 : vector<1x16xi32> to vector<16xi32>
    %swap3A_1092 = vector.shape_cast %add3A_1086 : vector<16xi32> to vector<1x16xi32>
    tpu.vector_store %arg6[%swap3A_1088, %swap3A_1089], %swap3A_1092 {strides = array<i32>} : memref<5x128xi32, #tpu.memory_space<vmem>>, vector<1x16xi32>,
    %broadcast_in_dim3A_1093 = arith.constant 8 : i32
    %broadcast_in_dim3A_1094 = vector.broadcast %broadcast_in_dim3A_1093 : i32 to vector<16xi32>
    %ge3A_1095 = arith.cmpi sge, %iota3A, %broadcast_in_dim3A_1094 : vector<16xi32>
    %broadcast_in_dim3A_1096 = arith.constant 1 : i32
    %broadcast_in_dim3A_1097 = vector.broadcast %broadcast_in_dim3A_1096 : i32 to vector<16xi32>
    %broadcast_in_dim3A_1098 = arith.constant 0 : i32
    %broadcast_in_dim3A_1099 = vector.broadcast %broadcast_in_dim3A_1098 : i32 to vector<16xi32>
    %select_n3A_1100 = arith.select %ge3A_1095, %broadcast_in_dim3A_1097, %broadcast_in_dim3A_1099 : vector<16xi1>, vector<16xi32>
    %mul3A_1101 = arith.constant 32 : i32
    %mul3A_1102 = arith.muli %add3A, %mul3A_1101 : i32
    %add3A_1103 = arith.constant 25 : i32
    %add3A_1104 = arith.addi %mul3A_1102, %add3A_1103 : i32
    %broadcast_in_dim3A_1105 = vector.broadcast %add3A_1104 : i32 to vector<16xi32>
    %add3A_1106 = arith.addi %broadcast_in_dim3A_1105, %select_n3A_1100 : vector<16xi32>
    %get3A_1107 = arith.constant 512 : index
    %get3A_1108 = tpu.vector_load %arg5[%get3A_1107] {strides = array<i32>} : memref<640xi32, #tpu.memory_space<vmem>>, vector<16xi32>,
    %get3A_1109 = vector.shape_cast %get3A_1108 : vector<16xi32> to vector<16xi32>
    %shift_right_logical3A_1110 = arith.shrui %get3A_1109, %broadcast_in_dim3A_3 : vector<16xi32>
    %shift_left3A_1111 = arith.shli %shift_right_logical3A_1110, %broadcast_in_dim3A_7 : vector<16xi32>
    %shift_right_logical3A_1112 = arith.shrui %add3A_1106, %broadcast_in_dim3A_9 : vector<16xi32>
    %shift_left3A_1113 = arith.shli %shift_right_logical3A_1112, %broadcast_in_dim3A_3 : vector<16xi32>
    %add3A_1114 = arith.addi %shift_left3A_1111, %shift_left3A_1113 : vector<16xi32>
    %and3A_1115 = arith.andi %get3A_1109, %broadcast_in_dim3A_9 : vector<16xi32>
    %add3A_1116 = arith.addi %add3A_1114, %and3A_1115 : vector<16xi32>
    %shift_left3A_1117 = arith.shli %add3A_1116, %broadcast_in_dim3A_3 : vector<16xi32>
    %and3A_1118 = arith.andi %add3A_1106, %broadcast_in_dim3A_11 : vector<16xi32>
    %shift_right_logical3A_1119 = arith.shrui %and3A_1118, %broadcast_in_dim3A_5 : vector<16xi32>
    %add3A_1120 = arith.addi %shift_left3A_1117, %shift_right_logical3A_1119 : vector<16xi32>
    %swap3A_1121 = arith.constant 4 : i32
    %swap3A_1122 = arith.index_cast %swap3A_1121 : i32 to index
    %swap3A_1123 = arith.constant 0 : index
    %swap3A_1124 = tpu.vector_load %arg6[%swap3A_1122, %swap3A_1123] {strides = array<i32>} : memref<5x128xi32, #tpu.memory_space<vmem>>, vector<1x16xi32>,
    %swap3A_1125 = vector.shape_cast %swap3A_1124 : vector<1x16xi32> to vector<16xi32>
    %swap3A_1126 = vector.shape_cast %add3A_1120 : vector<16xi32> to vector<1x16xi32>
    tpu.vector_store %arg6[%swap3A_1122, %swap3A_1123], %swap3A_1126 {strides = array<i32>} : memref<5x128xi32, #tpu.memory_space<vmem>>, vector<1x16xi32>,
    %broadcast_in_dim3A_1127 = arith.constant 12 : i32
    %broadcast_in_dim3A_1128 = vector.broadcast %broadcast_in_dim3A_1127 : i32 to vector<16xi32>
    %ge3A_1129 = arith.cmpi sge, %iota3A, %broadcast_in_dim3A_1128 : vector<16xi32>
    %broadcast_in_dim3A_1130 = arith.constant 1 : i32
    %broadcast_in_dim3A_1131 = vector.broadcast %broadcast_in_dim3A_1130 : i32 to vector<16xi32>
    %broadcast_in_dim3A_1132 = arith.constant 0 : i32
    %broadcast_in_dim3A_1133 = vector.broadcast %broadcast_in_dim3A_1132 : i32 to vector<16xi32>
    %select_n3A_1134 = arith.select %ge3A_1129, %broadcast_in_dim3A_1131, %broadcast_in_dim3A_1133 : vector<16xi1>, vector<16xi32>
    %mul3A_1135 = arith.constant 32 : i32
    %mul3A_1136 = arith.muli %add3A, %mul3A_1135 : i32
    %add3A_1137 = arith.constant 26 : i32
    %add3A_1138 = arith.addi %mul3A_1136, %add3A_1137 : i32
    %broadcast_in_dim3A_1139 = vector.broadcast %add3A_1138 : i32 to vector<16xi32>
    %add3A_1140 = arith.addi %broadcast_in_dim3A_1139, %select_n3A_1134 : vector<16xi32>
    %get3A_1141 = arith.constant 528 : index
    %get3A_1142 = tpu.vector_load %arg5[%get3A_1141] {strides = array<i32>} : memref<640xi32, #tpu.memory_space<vmem>>, vector<16xi32>,
    %get3A_1143 = vector.shape_cast %get3A_1142 : vector<16xi32> to vector<16xi32>
    %shift_right_logical3A_1144 = arith.shrui %get3A_1143, %broadcast_in_dim3A_3 : vector<16xi32>
    %shift_left3A_1145 = arith.shli %shift_right_logical3A_1144, %broadcast_in_dim3A_7 : vector<16xi32>
    %shift_right_logical3A_1146 = arith.shrui %add3A_1140, %broadcast_in_dim3A_9 : vector<16xi32>
    %shift_left3A_1147 = arith.shli %shift_right_logical3A_1146, %broadcast_in_dim3A_3 : vector<16xi32>
    %add3A_1148 = arith.addi %shift_left3A_1145, %shift_left3A_1147 : vector<16xi32>
    %and3A_1149 = arith.andi %get3A_1143, %broadcast_in_dim3A_9 : vector<16xi32>
    %add3A_1150 = arith.addi %add3A_1148, %and3A_1149 : vector<16xi32>
    %shift_left3A_1151 = arith.shli %add3A_1150, %broadcast_in_dim3A_3 : vector<16xi32>
    %and3A_1152 = arith.andi %add3A_1140, %broadcast_in_dim3A_11 : vector<16xi32>
    %shift_right_logical3A_1153 = arith.shrui %and3A_1152, %broadcast_in_dim3A_5 : vector<16xi32>
    %add3A_1154 = arith.addi %shift_left3A_1151, %shift_right_logical3A_1153 : vector<16xi32>
    %swap3A_1155 = arith.constant 4 : i32
    %swap3A_1156 = arith.index_cast %swap3A_1155 : i32 to index
    %swap3A_1157 = arith.constant 16 : index
    %swap3A_1158 = tpu.vector_load %arg6[%swap3A_1156, %swap3A_1157] {strides = array<i32>} : memref<5x128xi32, #tpu.memory_space<vmem>>, vector<1x16xi32>,
    %swap3A_1159 = vector.shape_cast %swap3A_1158 : vector<1x16xi32> to vector<16xi32>
    %swap3A_1160 = vector.shape_cast %add3A_1154 : vector<16xi32> to vector<1x16xi32>
    tpu.vector_store %arg6[%swap3A_1156, %swap3A_1157], %swap3A_1160 {strides = array<i32>} : memref<5x128xi32, #tpu.memory_space<vmem>>, vector<1x16xi32>,
    %broadcast_in_dim3A_1161 = arith.constant 16 : i32
    %broadcast_in_dim3A_1162 = vector.broadcast %broadcast_in_dim3A_1161 : i32 to vector<16xi32>
    %ge3A_1163 = arith.cmpi sge, %iota3A, %broadcast_in_dim3A_1162 : vector<16xi32>
    %broadcast_in_dim3A_1164 = arith.constant 1 : i32
    %broadcast_in_dim3A_1165 = vector.broadcast %broadcast_in_dim3A_1164 : i32 to vector<16xi32>
    %broadcast_in_dim3A_1166 = arith.constant 0 : i32
    %broadcast_in_dim3A_1167 = vector.broadcast %broadcast_in_dim3A_1166 : i32 to vector<16xi32>
    %select_n3A_1168 = arith.select %ge3A_1163, %broadcast_in_dim3A_1165, %broadcast_in_dim3A_1167 : vector<16xi1>, vector<16xi32>
    %mul3A_1169 = arith.constant 32 : i32
    %mul3A_1170 = arith.muli %add3A, %mul3A_1169 : i32
    %add3A_1171 = arith.constant 27 : i32
    %add3A_1172 = arith.addi %mul3A_1170, %add3A_1171 : i32
    %broadcast_in_dim3A_1173 = vector.broadcast %add3A_1172 : i32 to vector<16xi32>
    %add3A_1174 = arith.addi %broadcast_in_dim3A_1173, %select_n3A_1168 : vector<16xi32>
    %get3A_1175 = arith.constant 544 : index
    %get3A_1176 = tpu.vector_load %arg5[%get3A_1175] {strides = array<i32>} : memref<640xi32, #tpu.memory_space<vmem>>, vector<16xi32>,
    %get3A_1177 = vector.shape_cast %get3A_1176 : vector<16xi32> to vector<16xi32>
    %shift_right_logical3A_1178 = arith.shrui %get3A_1177, %broadcast_in_dim3A_3 : vector<16xi32>
    %shift_left3A_1179 = arith.shli %shift_right_logical3A_1178, %broadcast_in_dim3A_7 : vector<16xi32>
    %shift_right_logical3A_1180 = arith.shrui %add3A_1174, %broadcast_in_dim3A_9 : vector<16xi32>
    %shift_left3A_1181 = arith.shli %shift_right_logical3A_1180, %broadcast_in_dim3A_3 : vector<16xi32>
    %add3A_1182 = arith.addi %shift_left3A_1179, %shift_left3A_1181 : vector<16xi32>
    %and3A_1183 = arith.andi %get3A_1177, %broadcast_in_dim3A_9 : vector<16xi32>
    %add3A_1184 = arith.addi %add3A_1182, %and3A_1183 : vector<16xi32>
    %shift_left3A_1185 = arith.shli %add3A_1184, %broadcast_in_dim3A_3 : vector<16xi32>
    %and3A_1186 = arith.andi %add3A_1174, %broadcast_in_dim3A_11 : vector<16xi32>
    %shift_right_logical3A_1187 = arith.shrui %and3A_1186, %broadcast_in_dim3A_5 : vector<16xi32>
    %add3A_1188 = arith.addi %shift_left3A_1185, %shift_right_logical3A_1187 : vector<16xi32>
    %swap3A_1189 = arith.constant 4 : i32
    %swap3A_1190 = arith.index_cast %swap3A_1189 : i32 to index
    %swap3A_1191 = arith.constant 32 : index
    %swap3A_1192 = tpu.vector_load %arg6[%swap3A_1190, %swap3A_1191] {strides = array<i32>} : memref<5x128xi32, #tpu.memory_space<vmem>>, vector<1x16xi32>,
    %swap3A_1193 = vector.shape_cast %swap3A_1192 : vector<1x16xi32> to vector<16xi32>
    %swap3A_1194 = vector.shape_cast %add3A_1188 : vector<16xi32> to vector<1x16xi32>
    tpu.vector_store %arg6[%swap3A_1190, %swap3A_1191], %swap3A_1194 {strides = array<i32>} : memref<5x128xi32, #tpu.memory_space<vmem>>, vector<1x16xi32>,
    %broadcast_in_dim3A_1195 = arith.constant 20 : i32
    %broadcast_in_dim3A_1196 = vector.broadcast %broadcast_in_dim3A_1195 : i32 to vector<16xi32>
    %ge3A_1197 = arith.cmpi sge, %iota3A, %broadcast_in_dim3A_1196 : vector<16xi32>
    %broadcast_in_dim3A_1198 = arith.constant 1 : i32
    %broadcast_in_dim3A_1199 = vector.broadcast %broadcast_in_dim3A_1198 : i32 to vector<16xi32>
    %broadcast_in_dim3A_1200 = arith.constant 0 : i32
    %broadcast_in_dim3A_1201 = vector.broadcast %broadcast_in_dim3A_1200 : i32 to vector<16xi32>
    %select_n3A_1202 = arith.select %ge3A_1197, %broadcast_in_dim3A_1199, %broadcast_in_dim3A_1201 : vector<16xi1>, vector<16xi32>
    %mul3A_1203 = arith.constant 32 : i32
    %mul3A_1204 = arith.muli %add3A, %mul3A_1203 : i32
    %add3A_1205 = arith.constant 28 : i32
    %add3A_1206 = arith.addi %mul3A_1204, %add3A_1205 : i32
    %broadcast_in_dim3A_1207 = vector.broadcast %add3A_1206 : i32 to vector<16xi32>
    %add3A_1208 = arith.addi %broadcast_in_dim3A_1207, %select_n3A_1202 : vector<16xi32>
    %get3A_1209 = arith.constant 560 : index
    %get3A_1210 = tpu.vector_load %arg5[%get3A_1209] {strides = array<i32>} : memref<640xi32, #tpu.memory_space<vmem>>, vector<16xi32>,
    %get3A_1211 = vector.shape_cast %get3A_1210 : vector<16xi32> to vector<16xi32>
    %shift_right_logical3A_1212 = arith.shrui %get3A_1211, %broadcast_in_dim3A_3 : vector<16xi32>
    %shift_left3A_1213 = arith.shli %shift_right_logical3A_1212, %broadcast_in_dim3A_7 : vector<16xi32>
    %shift_right_logical3A_1214 = arith.shrui %add3A_1208, %broadcast_in_dim3A_9 : vector<16xi32>
    %shift_left3A_1215 = arith.shli %shift_right_logical3A_1214, %broadcast_in_dim3A_3 : vector<16xi32>
    %add3A_1216 = arith.addi %shift_left3A_1213, %shift_left3A_1215 : vector<16xi32>
    %and3A_1217 = arith.andi %get3A_1211, %broadcast_in_dim3A_9 : vector<16xi32>
    %add3A_1218 = arith.addi %add3A_1216, %and3A_1217 : vector<16xi32>
    %shift_left3A_1219 = arith.shli %add3A_1218, %broadcast_in_dim3A_3 : vector<16xi32>
    %and3A_1220 = arith.andi %add3A_1208, %broadcast_in_dim3A_11 : vector<16xi32>
    %shift_right_logical3A_1221 = arith.shrui %and3A_1220, %broadcast_in_dim3A_5 : vector<16xi32>
    %add3A_1222 = arith.addi %shift_left3A_1219, %shift_right_logical3A_1221 : vector<16xi32>
    %swap3A_1223 = arith.constant 4 : i32
    %swap3A_1224 = arith.index_cast %swap3A_1223 : i32 to index
    %swap3A_1225 = arith.constant 48 : index
    %swap3A_1226 = tpu.vector_load %arg6[%swap3A_1224, %swap3A_1225] {strides = array<i32>} : memref<5x128xi32, #tpu.memory_space<vmem>>, vector<1x16xi32>,
    %swap3A_1227 = vector.shape_cast %swap3A_1226 : vector<1x16xi32> to vector<16xi32>
    %swap3A_1228 = vector.shape_cast %add3A_1222 : vector<16xi32> to vector<1x16xi32>
    tpu.vector_store %arg6[%swap3A_1224, %swap3A_1225], %swap3A_1228 {strides = array<i32>} : memref<5x128xi32, #tpu.memory_space<vmem>>, vector<1x16xi32>,
    %broadcast_in_dim3A_1229 = arith.constant 4 : i32
    %broadcast_in_dim3A_1230 = vector.broadcast %broadcast_in_dim3A_1229 : i32 to vector<16xi32>
    %ge3A_1231 = arith.cmpi sge, %iota3A, %broadcast_in_dim3A_1230 : vector<16xi32>
    %broadcast_in_dim3A_1232 = arith.constant 1 : i32
    %broadcast_in_dim3A_1233 = vector.broadcast %broadcast_in_dim3A_1232 : i32 to vector<16xi32>
    %broadcast_in_dim3A_1234 = arith.constant 0 : i32
    %broadcast_in_dim3A_1235 = vector.broadcast %broadcast_in_dim3A_1234 : i32 to vector<16xi32>
    %select_n3A_1236 = arith.select %ge3A_1231, %broadcast_in_dim3A_1233, %broadcast_in_dim3A_1235 : vector<16xi1>, vector<16xi32>
    %mul3A_1237 = arith.constant 32 : i32
    %mul3A_1238 = arith.muli %add3A, %mul3A_1237 : i32
    %add3A_1239 = arith.constant 28 : i32
    %add3A_1240 = arith.addi %mul3A_1238, %add3A_1239 : i32
    %broadcast_in_dim3A_1241 = vector.broadcast %add3A_1240 : i32 to vector<16xi32>
    %add3A_1242 = arith.addi %broadcast_in_dim3A_1241, %select_n3A_1236 : vector<16xi32>
    %get3A_1243 = arith.constant 576 : index
    %get3A_1244 = tpu.vector_load %arg5[%get3A_1243] {strides = array<i32>} : memref<640xi32, #tpu.memory_space<vmem>>, vector<16xi32>,
    %get3A_1245 = vector.shape_cast %get3A_1244 : vector<16xi32> to vector<16xi32>
    %shift_right_logical3A_1246 = arith.shrui %get3A_1245, %broadcast_in_dim3A_3 : vector<16xi32>
    %shift_left3A_1247 = arith.shli %shift_right_logical3A_1246, %broadcast_in_dim3A_7 : vector<16xi32>
    %shift_right_logical3A_1248 = arith.shrui %add3A_1242, %broadcast_in_dim3A_9 : vector<16xi32>
    %shift_left3A_1249 = arith.shli %shift_right_logical3A_1248, %broadcast_in_dim3A_3 : vector<16xi32>
    %add3A_1250 = arith.addi %shift_left3A_1247, %shift_left3A_1249 : vector<16xi32>
    %and3A_1251 = arith.andi %get3A_1245, %broadcast_in_dim3A_9 : vector<16xi32>
    %add3A_1252 = arith.addi %add3A_1250, %and3A_1251 : vector<16xi32>
    %shift_left3A_1253 = arith.shli %add3A_1252, %broadcast_in_dim3A_3 : vector<16xi32>
    %and3A_1254 = arith.andi %add3A_1242, %broadcast_in_dim3A_11 : vector<16xi32>
    %shift_right_logical3A_1255 = arith.shrui %and3A_1254, %broadcast_in_dim3A_5 : vector<16xi32>
    %add3A_1256 = arith.addi %shift_left3A_1253, %shift_right_logical3A_1255 : vector<16xi32>
    %swap3A_1257 = arith.constant 4 : i32
    %swap3A_1258 = arith.index_cast %swap3A_1257 : i32 to index
    %swap3A_1259 = arith.constant 64 : index
    %swap3A_1260 = tpu.vector_load %arg6[%swap3A_1258, %swap3A_1259] {strides = array<i32>} : memref<5x128xi32, #tpu.memory_space<vmem>>, vector<1x16xi32>,
    %swap3A_1261 = vector.shape_cast %swap3A_1260 : vector<1x16xi32> to vector<16xi32>
    %swap3A_1262 = vector.shape_cast %add3A_1256 : vector<16xi32> to vector<1x16xi32>
    tpu.vector_store %arg6[%swap3A_1258, %swap3A_1259], %swap3A_1262 {strides = array<i32>} : memref<5x128xi32, #tpu.memory_space<vmem>>, vector<1x16xi32>,
    %broadcast_in_dim3A_1263 = arith.constant 8 : i32
    %broadcast_in_dim3A_1264 = vector.broadcast %broadcast_in_dim3A_1263 : i32 to vector<16xi32>
    %ge3A_1265 = arith.cmpi sge, %iota3A, %broadcast_in_dim3A_1264 : vector<16xi32>
    %broadcast_in_dim3A_1266 = arith.constant 1 : i32
    %broadcast_in_dim3A_1267 = vector.broadcast %broadcast_in_dim3A_1266 : i32 to vector<16xi32>
    %broadcast_in_dim3A_1268 = arith.constant 0 : i32
    %broadcast_in_dim3A_1269 = vector.broadcast %broadcast_in_dim3A_1268 : i32 to vector<16xi32>
    %select_n3A_1270 = arith.select %ge3A_1265, %broadcast_in_dim3A_1267, %broadcast_in_dim3A_1269 : vector<16xi1>, vector<16xi32>
    %mul3A_1271 = arith.constant 32 : i32
    %mul3A_1272 = arith.muli %add3A, %mul3A_1271 : i32
    %add3A_1273 = arith.constant 29 : i32
    %add3A_1274 = arith.addi %mul3A_1272, %add3A_1273 : i32
    %broadcast_in_dim3A_1275 = vector.broadcast %add3A_1274 : i32 to vector<16xi32>
    %add3A_1276 = arith.addi %broadcast_in_dim3A_1275, %select_n3A_1270 : vector<16xi32>
    %get3A_1277 = arith.constant 592 : index
    %get3A_1278 = tpu.vector_load %arg5[%get3A_1277] {strides = array<i32>} : memref<640xi32, #tpu.memory_space<vmem>>, vector<16xi32>,
    %get3A_1279 = vector.shape_cast %get3A_1278 : vector<16xi32> to vector<16xi32>
    %shift_right_logical3A_1280 = arith.shrui %get3A_1279, %broadcast_in_dim3A_3 : vector<16xi32>
    %shift_left3A_1281 = arith.shli %shift_right_logical3A_1280, %broadcast_in_dim3A_7 : vector<16xi32>
    %shift_right_logical3A_1282 = arith.shrui %add3A_1276, %broadcast_in_dim3A_9 : vector<16xi32>
    %shift_left3A_1283 = arith.shli %shift_right_logical3A_1282, %broadcast_in_dim3A_3 : vector<16xi32>
    %add3A_1284 = arith.addi %shift_left3A_1281, %shift_left3A_1283 : vector<16xi32>
    %and3A_1285 = arith.andi %get3A_1279, %broadcast_in_dim3A_9 : vector<16xi32>
    %add3A_1286 = arith.addi %add3A_1284, %and3A_1285 : vector<16xi32>
    %shift_left3A_1287 = arith.shli %add3A_1286, %broadcast_in_dim3A_3 : vector<16xi32>
    %and3A_1288 = arith.andi %add3A_1276, %broadcast_in_dim3A_11 : vector<16xi32>
    %shift_right_logical3A_1289 = arith.shrui %and3A_1288, %broadcast_in_dim3A_5 : vector<16xi32>
    %add3A_1290 = arith.addi %shift_left3A_1287, %shift_right_logical3A_1289 : vector<16xi32>
    %swap3A_1291 = arith.constant 4 : i32
    %swap3A_1292 = arith.index_cast %swap3A_1291 : i32 to index
    %swap3A_1293 = arith.constant 80 : index
    %swap3A_1294 = tpu.vector_load %arg6[%swap3A_1292, %swap3A_1293] {strides = array<i32>} : memref<5x128xi32, #tpu.memory_space<vmem>>, vector<1x16xi32>,
    %swap3A_1295 = vector.shape_cast %swap3A_1294 : vector<1x16xi32> to vector<16xi32>
    %swap3A_1296 = vector.shape_cast %add3A_1290 : vector<16xi32> to vector<1x16xi32>
    tpu.vector_store %arg6[%swap3A_1292, %swap3A_1293], %swap3A_1296 {strides = array<i32>} : memref<5x128xi32, #tpu.memory_space<vmem>>, vector<1x16xi32>,
    %broadcast_in_dim3A_1297 = arith.constant 12 : i32
    %broadcast_in_dim3A_1298 = vector.broadcast %broadcast_in_dim3A_1297 : i32 to vector<16xi32>
    %ge3A_1299 = arith.cmpi sge, %iota3A, %broadcast_in_dim3A_1298 : vector<16xi32>
    %broadcast_in_dim3A_1300 = arith.constant 1 : i32
    %broadcast_in_dim3A_1301 = vector.broadcast %broadcast_in_dim3A_1300 : i32 to vector<16xi32>
    %broadcast_in_dim3A_1302 = arith.constant 0 : i32
    %broadcast_in_dim3A_1303 = vector.broadcast %broadcast_in_dim3A_1302 : i32 to vector<16xi32>
    %select_n3A_1304 = arith.select %ge3A_1299, %broadcast_in_dim3A_1301, %broadcast_in_dim3A_1303 : vector<16xi1>, vector<16xi32>
    %mul3A_1305 = arith.constant 32 : i32
    %mul3A_1306 = arith.muli %add3A, %mul3A_1305 : i32
    %add3A_1307 = arith.constant 30 : i32
    %add3A_1308 = arith.addi %mul3A_1306, %add3A_1307 : i32
    %broadcast_in_dim3A_1309 = vector.broadcast %add3A_1308 : i32 to vector<16xi32>
    %add3A_1310 = arith.addi %broadcast_in_dim3A_1309, %select_n3A_1304 : vector<16xi32>
    %get3A_1311 = arith.constant 608 : index
    %get3A_1312 = tpu.vector_load %arg5[%get3A_1311] {strides = array<i32>} : memref<640xi32, #tpu.memory_space<vmem>>, vector<16xi32>,
    %get3A_1313 = vector.shape_cast %get3A_1312 : vector<16xi32> to vector<16xi32>
    %shift_right_logical3A_1314 = arith.shrui %get3A_1313, %broadcast_in_dim3A_3 : vector<16xi32>
    %shift_left3A_1315 = arith.shli %shift_right_logical3A_1314, %broadcast_in_dim3A_7 : vector<16xi32>
    %shift_right_logical3A_1316 = arith.shrui %add3A_1310, %broadcast_in_dim3A_9 : vector<16xi32>
    %shift_left3A_1317 = arith.shli %shift_right_logical3A_1316, %broadcast_in_dim3A_3 : vector<16xi32>
    %add3A_1318 = arith.addi %shift_left3A_1315, %shift_left3A_1317 : vector<16xi32>
    %and3A_1319 = arith.andi %get3A_1313, %broadcast_in_dim3A_9 : vector<16xi32>
    %add3A_1320 = arith.addi %add3A_1318, %and3A_1319 : vector<16xi32>
    %shift_left3A_1321 = arith.shli %add3A_1320, %broadcast_in_dim3A_3 : vector<16xi32>
    %and3A_1322 = arith.andi %add3A_1310, %broadcast_in_dim3A_11 : vector<16xi32>
    %shift_right_logical3A_1323 = arith.shrui %and3A_1322, %broadcast_in_dim3A_5 : vector<16xi32>
    %add3A_1324 = arith.addi %shift_left3A_1321, %shift_right_logical3A_1323 : vector<16xi32>
    %swap3A_1325 = arith.constant 4 : i32
    %swap3A_1326 = arith.index_cast %swap3A_1325 : i32 to index
    %swap3A_1327 = arith.constant 96 : index
    %swap3A_1328 = tpu.vector_load %arg6[%swap3A_1326, %swap3A_1327] {strides = array<i32>} : memref<5x128xi32, #tpu.memory_space<vmem>>, vector<1x16xi32>,
    %swap3A_1329 = vector.shape_cast %swap3A_1328 : vector<1x16xi32> to vector<16xi32>
    %swap3A_1330 = vector.shape_cast %add3A_1324 : vector<16xi32> to vector<1x16xi32>
    tpu.vector_store %arg6[%swap3A_1326, %swap3A_1327], %swap3A_1330 {strides = array<i32>} : memref<5x128xi32, #tpu.memory_space<vmem>>, vector<1x16xi32>,
    %broadcast_in_dim3A_1331 = arith.constant 16 : i32
    %broadcast_in_dim3A_1332 = vector.broadcast %broadcast_in_dim3A_1331 : i32 to vector<16xi32>
    %ge3A_1333 = arith.cmpi sge, %iota3A, %broadcast_in_dim3A_1332 : vector<16xi32>
    %broadcast_in_dim3A_1334 = arith.constant 1 : i32
    %broadcast_in_dim3A_1335 = vector.broadcast %broadcast_in_dim3A_1334 : i32 to vector<16xi32>
    %broadcast_in_dim3A_1336 = arith.constant 0 : i32
    %broadcast_in_dim3A_1337 = vector.broadcast %broadcast_in_dim3A_1336 : i32 to vector<16xi32>
    %select_n3A_1338 = arith.select %ge3A_1333, %broadcast_in_dim3A_1335, %broadcast_in_dim3A_1337 : vector<16xi1>, vector<16xi32>
    %mul3A_1339 = arith.constant 32 : i32
    %mul3A_1340 = arith.muli %add3A, %mul3A_1339 : i32
    %add3A_1341 = arith.constant 31 : i32
    %add3A_1342 = arith.addi %mul3A_1340, %add3A_1341 : i32
    %broadcast_in_dim3A_1343 = vector.broadcast %add3A_1342 : i32 to vector<16xi32>
    %add3A_1344 = arith.addi %broadcast_in_dim3A_1343, %select_n3A_1338 : vector<16xi32>
    %get3A_1345 = arith.constant 624 : index
    %get3A_1346 = tpu.vector_load %arg5[%get3A_1345] {strides = array<i32>} : memref<640xi32, #tpu.memory_space<vmem>>, vector<16xi32>,
    %get3A_1347 = vector.shape_cast %get3A_1346 : vector<16xi32> to vector<16xi32>
    %shift_right_logical3A_1348 = arith.shrui %get3A_1347, %broadcast_in_dim3A_3 : vector<16xi32>
    %shift_left3A_1349 = arith.shli %shift_right_logical3A_1348, %broadcast_in_dim3A_7 : vector<16xi32>
    %shift_right_logical3A_1350 = arith.shrui %add3A_1344, %broadcast_in_dim3A_9 : vector<16xi32>
    %shift_left3A_1351 = arith.shli %shift_right_logical3A_1350, %broadcast_in_dim3A_3 : vector<16xi32>
    %add3A_1352 = arith.addi %shift_left3A_1349, %shift_left3A_1351 : vector<16xi32>
    %and3A_1353 = arith.andi %get3A_1347, %broadcast_in_dim3A_9 : vector<16xi32>
    %add3A_1354 = arith.addi %add3A_1352, %and3A_1353 : vector<16xi32>
    %shift_left3A_1355 = arith.shli %add3A_1354, %broadcast_in_dim3A_3 : vector<16xi32>
    %and3A_1356 = arith.andi %add3A_1344, %broadcast_in_dim3A_11 : vector<16xi32>
    %shift_right_logical3A_1357 = arith.shrui %and3A_1356, %broadcast_in_dim3A_5 : vector<16xi32>
    %add3A_1358 = arith.addi %shift_left3A_1355, %shift_right_logical3A_1357 : vector<16xi32>
    %swap3A_1359 = arith.constant 4 : i32
    %swap3A_1360 = arith.index_cast %swap3A_1359 : i32 to index
    %swap3A_1361 = arith.constant 112 : index
    %swap3A_1362 = tpu.vector_load %arg6[%swap3A_1360, %swap3A_1361] {strides = array<i32>} : memref<5x128xi32, #tpu.memory_space<vmem>>, vector<1x16xi32>,
    %swap3A_1363 = vector.shape_cast %swap3A_1362 : vector<1x16xi32> to vector<16xi32>
    %swap3A_1364 = vector.shape_cast %add3A_1358 : vector<16xi32> to vector<1x16xi32>
    tpu.vector_store %arg6[%swap3A_1360, %swap3A_1361], %swap3A_1364 {strides = array<i32>} : memref<5x128xi32, #tpu.memory_space<vmem>>, vector<1x16xi32>,
    %dma_start3A = arith.constant 0 : i32
    %dma_start3A_1365 = arith.constant 0 : i32
    %dma_start3A_1366 = arith.constant 0 : i32
    %dma_start3A_1367 = arith.constant 0 : i32
    %dma_start3A_1368 = tpu.memref_slice %arg7[%dma_start3A_1365, %dma_start3A_1366, %dma_start3A_1367] : memref<5x128x16xf32, #tpu.memory_space<vmem>> -> memref<1x128x16xf32, #tpu.memory_space<vmem>>
    %dma_start3A_1369 = tpu.memref_squeeze %dma_start3A_1368 : memref<1x128x16xf32, #tpu.memory_space<vmem>> -> memref<128x16xf32, #tpu.memory_space<vmem>>
    %dma_start3A_1370 = arith.constant 0 : i32
    %dma_start3A_1371 = tpu.memref_slice %arg6[%dma_start3A, %dma_start3A_1370] : memref<5x128xi32, #tpu.memory_space<vmem>> -> memref<1x128xi32, #tpu.memory_space<vmem>>
    %dma_start3A_1372 = tpu.memref_squeeze %dma_start3A_1371 : memref<1x128xi32, #tpu.memory_space<vmem>> -> memref<128xi32, #tpu.memory_space<vmem>>
    %dma_start3A_1373 = arith.constant 0 : i32
    %dma_start3A_1374 = arith.constant 0 : i32
    %dma_start3A_1375 = tpu.memref_slice %arg2[%dma_start3A_1373, %dma_start3A_1374] : memref<6400000x16xf32, #tpu.memory_space<hbm>> -> memref<6400000x16xf32, #tpu.memory_space<hbm>>
    tpu.enqueue_indirect_dma source(%dma_start3A_1375 : memref<6400000x16xf32, #tpu.memory_space<hbm>>) target(%dma_start3A_1369 : memref<128x16xf32, #tpu.memory_space<vmem>>) offsets(%dma_start3A_1372 : memref<128xi32, #tpu.memory_space<vmem>>) semaphore(%arg8 : memref<!tpu.dma_semaphore, #tpu.memory_space<semaphore_mem>>)
    %dma_start3A_1376 = arith.constant 1 : i32
    %dma_start3A_1377 = arith.constant 1 : i32
    %dma_start3A_1378 = arith.constant 0 : i32
    %dma_start3A_1379 = arith.constant 0 : i32
    %dma_start3A_1380 = tpu.memref_slice %arg7[%dma_start3A_1377, %dma_start3A_1378, %dma_start3A_1379] : memref<5x128x16xf32, #tpu.memory_space<vmem>> -> memref<1x128x16xf32, #tpu.memory_space<vmem>>
    %dma_start3A_1381 = tpu.memref_squeeze %dma_start3A_1380 : memref<1x128x16xf32, #tpu.memory_space<vmem>> -> memref<128x16xf32, #tpu.memory_space<vmem>>
    %dma_start3A_1382 = arith.constant 0 : i32
    %dma_start3A_1383 = tpu.memref_slice %arg6[%dma_start3A_1376, %dma_start3A_1382] : memref<5x128xi32, #tpu.memory_space<vmem>> -> memref<1x128xi32, #tpu.memory_space<vmem>>
    %dma_start3A_1384 = tpu.memref_squeeze %dma_start3A_1383 : memref<1x128xi32, #tpu.memory_space<vmem>> -> memref<128xi32, #tpu.memory_space<vmem>>
    %dma_start3A_1385 = arith.constant 0 : i32
    %dma_start3A_1386 = arith.constant 0 : i32
    %dma_start3A_1387 = tpu.memref_slice %arg2[%dma_start3A_1385, %dma_start3A_1386] : memref<6400000x16xf32, #tpu.memory_space<hbm>> -> memref<6400000x16xf32, #tpu.memory_space<hbm>>
    tpu.enqueue_indirect_dma source(%dma_start3A_1387 : memref<6400000x16xf32, #tpu.memory_space<hbm>>) target(%dma_start3A_1381 : memref<128x16xf32, #tpu.memory_space<vmem>>) offsets(%dma_start3A_1384 : memref<128xi32, #tpu.memory_space<vmem>>) semaphore(%arg8 : memref<!tpu.dma_semaphore, #tpu.memory_space<semaphore_mem>>)
    %dma_start3A_1388 = arith.constant 2 : i32
    %dma_start3A_1389 = arith.constant 2 : i32
    %dma_start3A_1390 = arith.constant 0 : i32
    %dma_start3A_1391 = arith.constant 0 : i32
    %dma_start3A_1392 = tpu.memref_slice %arg7[%dma_start3A_1389, %dma_start3A_1390, %dma_start3A_1391] : memref<5x128x16xf32, #tpu.memory_space<vmem>> -> memref<1x128x16xf32, #tpu.memory_space<vmem>>
    %dma_start3A_1393 = tpu.memref_squeeze %dma_start3A_1392 : memref<1x128x16xf32, #tpu.memory_space<vmem>> -> memref<128x16xf32, #tpu.memory_space<vmem>>
    %dma_start3A_1394 = arith.constant 0 : i32
    %dma_start3A_1395 = tpu.memref_slice %arg6[%dma_start3A_1388, %dma_start3A_1394] : memref<5x128xi32, #tpu.memory_space<vmem>> -> memref<1x128xi32, #tpu.memory_space<vmem>>
    %dma_start3A_1396 = tpu.memref_squeeze %dma_start3A_1395 : memref<1x128xi32, #tpu.memory_space<vmem>> -> memref<128xi32, #tpu.memory_space<vmem>>
    %dma_start3A_1397 = arith.constant 0 : i32
    %dma_start3A_1398 = arith.constant 0 : i32
    %dma_start3A_1399 = tpu.memref_slice %arg2[%dma_start3A_1397, %dma_start3A_1398] : memref<6400000x16xf32, #tpu.memory_space<hbm>> -> memref<6400000x16xf32, #tpu.memory_space<hbm>>
    tpu.enqueue_indirect_dma source(%dma_start3A_1399 : memref<6400000x16xf32, #tpu.memory_space<hbm>>) target(%dma_start3A_1393 : memref<128x16xf32, #tpu.memory_space<vmem>>) offsets(%dma_start3A_1396 : memref<128xi32, #tpu.memory_space<vmem>>) semaphore(%arg8 : memref<!tpu.dma_semaphore, #tpu.memory_space<semaphore_mem>>)
    %dma_start3A_1400 = arith.constant 3 : i32
    %dma_start3A_1401 = arith.constant 3 : i32
    %dma_start3A_1402 = arith.constant 0 : i32
    %dma_start3A_1403 = arith.constant 0 : i32
    %dma_start3A_1404 = tpu.memref_slice %arg7[%dma_start3A_1401, %dma_start3A_1402, %dma_start3A_1403] : memref<5x128x16xf32, #tpu.memory_space<vmem>> -> memref<1x128x16xf32, #tpu.memory_space<vmem>>
    %dma_start3A_1405 = tpu.memref_squeeze %dma_start3A_1404 : memref<1x128x16xf32, #tpu.memory_space<vmem>> -> memref<128x16xf32, #tpu.memory_space<vmem>>
    %dma_start3A_1406 = arith.constant 0 : i32
    %dma_start3A_1407 = tpu.memref_slice %arg6[%dma_start3A_1400, %dma_start3A_1406] : memref<5x128xi32, #tpu.memory_space<vmem>> -> memref<1x128xi32, #tpu.memory_space<vmem>>
    %dma_start3A_1408 = tpu.memref_squeeze %dma_start3A_1407 : memref<1x128xi32, #tpu.memory_space<vmem>> -> memref<128xi32, #tpu.memory_space<vmem>>
    %dma_start3A_1409 = arith.constant 0 : i32
    %dma_start3A_1410 = arith.constant 0 : i32
    %dma_start3A_1411 = tpu.memref_slice %arg2[%dma_start3A_1409, %dma_start3A_1410] : memref<6400000x16xf32, #tpu.memory_space<hbm>> -> memref<6400000x16xf32, #tpu.memory_space<hbm>>
    tpu.enqueue_indirect_dma source(%dma_start3A_1411 : memref<6400000x16xf32, #tpu.memory_space<hbm>>) target(%dma_start3A_1405 : memref<128x16xf32, #tpu.memory_space<vmem>>) offsets(%dma_start3A_1408 : memref<128xi32, #tpu.memory_space<vmem>>) semaphore(%arg8 : memref<!tpu.dma_semaphore, #tpu.memory_space<semaphore_mem>>)
    %dma_start3A_1412 = arith.constant 4 : i32
    %dma_start3A_1413 = arith.constant 4 : i32
    %dma_start3A_1414 = arith.constant 0 : i32
    %dma_start3A_1415 = arith.constant 0 : i32
    %dma_start3A_1416 = tpu.memref_slice %arg7[%dma_start3A_1413, %dma_start3A_1414, %dma_start3A_1415] : memref<5x128x16xf32, #tpu.memory_space<vmem>> -> memref<1x128x16xf32, #tpu.memory_space<vmem>>
    %dma_start3A_1417 = tpu.memref_squeeze %dma_start3A_1416 : memref<1x128x16xf32, #tpu.memory_space<vmem>> -> memref<128x16xf32, #tpu.memory_space<vmem>>
    %dma_start3A_1418 = arith.constant 0 : i32
    %dma_start3A_1419 = tpu.memref_slice %arg6[%dma_start3A_1412, %dma_start3A_1418] : memref<5x128xi32, #tpu.memory_space<vmem>> -> memref<1x128xi32, #tpu.memory_space<vmem>>
    %dma_start3A_1420 = tpu.memref_squeeze %dma_start3A_1419 : memref<1x128xi32, #tpu.memory_space<vmem>> -> memref<128xi32, #tpu.memory_space<vmem>>
    %dma_start3A_1421 = arith.constant 0 : i32
    %dma_start3A_1422 = arith.constant 0 : i32
    %dma_start3A_1423 = tpu.memref_slice %arg2[%dma_start3A_1421, %dma_start3A_1422] : memref<6400000x16xf32, #tpu.memory_space<hbm>> -> memref<6400000x16xf32, #tpu.memory_space<hbm>>
    tpu.enqueue_indirect_dma source(%dma_start3A_1423 : memref<6400000x16xf32, #tpu.memory_space<hbm>>) target(%dma_start3A_1417 : memref<128x16xf32, #tpu.memory_space<vmem>>) offsets(%dma_start3A_1420 : memref<128xi32, #tpu.memory_space<vmem>>) semaphore(%arg8 : memref<!tpu.dma_semaphore, #tpu.memory_space<semaphore_mem>>)
    %dma_wait3A = arith.constant 0 : i32
    %dma_wait3A_1424 = arith.constant 0 : i32
    %dma_wait3A_1425 = arith.constant 0 : i32
    %dma_wait3A_1426 = arith.constant 0 : i32
    %dma_wait3A_1427 = tpu.memref_slice %arg7[%dma_wait3A_1424, %dma_wait3A_1425, %dma_wait3A_1426] : memref<5x128x16xf32, #tpu.memory_space<vmem>> -> memref<1x128x16xf32, #tpu.memory_space<vmem>>
    %dma_wait3A_1428 = tpu.memref_squeeze %dma_wait3A_1427 : memref<1x128x16xf32, #tpu.memory_space<vmem>> -> memref<128x16xf32, #tpu.memory_space<vmem>>
    %dma_wait3A_1429 = arith.constant 0 : i32
    %dma_wait3A_1430 = tpu.memref_slice %arg6[%dma_wait3A, %dma_wait3A_1429] : memref<5x128xi32, #tpu.memory_space<vmem>> -> memref<1x128xi32, #tpu.memory_space<vmem>>
    %dma_wait3A_1431 = tpu.memref_squeeze %dma_wait3A_1430 : memref<1x128xi32, #tpu.memory_space<vmem>> -> memref<128xi32, #tpu.memory_space<vmem>>
    %dma_wait3A_1432 = arith.constant 0 : i32
    %dma_wait3A_1433 = arith.constant 0 : i32
    %dma_wait3A_1434 = tpu.memref_slice %arg2[%dma_wait3A_1432, %dma_wait3A_1433] : memref<6400000x16xf32, #tpu.memory_space<hbm>> -> memref<6400000x16xf32, #tpu.memory_space<hbm>>
    tpu.wait_indirect_dma semaphore(%arg8 : memref<!tpu.dma_semaphore, #tpu.memory_space<semaphore_mem>>) src(%dma_wait3A_1434 : memref<6400000x16xf32, #tpu.memory_space<hbm>>) dst(%dma_wait3A_1428 : memref<128x16xf32, #tpu.memory_space<vmem>>)
    %dma_wait3A_1435 = arith.constant 1 : i32
    %dma_wait3A_1436 = arith.constant 1 : i32
    %dma_wait3A_1437 = arith.constant 0 : i32
    %dma_wait3A_1438 = arith.constant 0 : i32
    %dma_wait3A_1439 = tpu.memref_slice %arg7[%dma_wait3A_1436, %dma_wait3A_1437, %dma_wait3A_1438] : memref<5x128x16xf32, #tpu.memory_space<vmem>> -> memref<1x128x16xf32, #tpu.memory_space<vmem>>
    %dma_wait3A_1440 = tpu.memref_squeeze %dma_wait3A_1439 : memref<1x128x16xf32, #tpu.memory_space<vmem>> -> memref<128x16xf32, #tpu.memory_space<vmem>>
    %dma_wait3A_1441 = arith.constant 0 : i32
    %dma_wait3A_1442 = tpu.memref_slice %arg6[%dma_wait3A_1435, %dma_wait3A_1441] : memref<5x128xi32, #tpu.memory_space<vmem>> -> memref<1x128xi32, #tpu.memory_space<vmem>>
    %dma_wait3A_1443 = tpu.memref_squeeze %dma_wait3A_1442 : memref<1x128xi32, #tpu.memory_space<vmem>> -> memref<128xi32, #tpu.memory_space<vmem>>
    %dma_wait3A_1444 = arith.constant 0 : i32
    %dma_wait3A_1445 = arith.constant 0 : i32
    %dma_wait3A_1446 = tpu.memref_slice %arg2[%dma_wait3A_1444, %dma_wait3A_1445] : memref<6400000x16xf32, #tpu.memory_space<hbm>> -> memref<6400000x16xf32, #tpu.memory_space<hbm>>
    tpu.wait_indirect_dma semaphore(%arg8 : memref<!tpu.dma_semaphore, #tpu.memory_space<semaphore_mem>>) src(%dma_wait3A_1446 : memref<6400000x16xf32, #tpu.memory_space<hbm>>) dst(%dma_wait3A_1440 : memref<128x16xf32, #tpu.memory_space<vmem>>)
    %dma_wait3A_1447 = arith.constant 2 : i32
    %dma_wait3A_1448 = arith.constant 2 : i32
    %dma_wait3A_1449 = arith.constant 0 : i32
    %dma_wait3A_1450 = arith.constant 0 : i32
    %dma_wait3A_1451 = tpu.memref_slice %arg7[%dma_wait3A_1448, %dma_wait3A_1449, %dma_wait3A_1450] : memref<5x128x16xf32, #tpu.memory_space<vmem>> -> memref<1x128x16xf32, #tpu.memory_space<vmem>>
    %dma_wait3A_1452 = tpu.memref_squeeze %dma_wait3A_1451 : memref<1x128x16xf32, #tpu.memory_space<vmem>> -> memref<128x16xf32, #tpu.memory_space<vmem>>
    %dma_wait3A_1453 = arith.constant 0 : i32
    %dma_wait3A_1454 = tpu.memref_slice %arg6[%dma_wait3A_1447, %dma_wait3A_1453] : memref<5x128xi32, #tpu.memory_space<vmem>> -> memref<1x128xi32, #tpu.memory_space<vmem>>
    %dma_wait3A_1455 = tpu.memref_squeeze %dma_wait3A_1454 : memref<1x128xi32, #tpu.memory_space<vmem>> -> memref<128xi32, #tpu.memory_space<vmem>>
    %dma_wait3A_1456 = arith.constant 0 : i32
    %dma_wait3A_1457 = arith.constant 0 : i32
    %dma_wait3A_1458 = tpu.memref_slice %arg2[%dma_wait3A_1456, %dma_wait3A_1457] : memref<6400000x16xf32, #tpu.memory_space<hbm>> -> memref<6400000x16xf32, #tpu.memory_space<hbm>>
    tpu.wait_indirect_dma semaphore(%arg8 : memref<!tpu.dma_semaphore, #tpu.memory_space<semaphore_mem>>) src(%dma_wait3A_1458 : memref<6400000x16xf32, #tpu.memory_space<hbm>>) dst(%dma_wait3A_1452 : memref<128x16xf32, #tpu.memory_space<vmem>>)
    %dma_wait3A_1459 = arith.constant 3 : i32
    %dma_wait3A_1460 = arith.constant 3 : i32
    %dma_wait3A_1461 = arith.constant 0 : i32
    %dma_wait3A_1462 = arith.constant 0 : i32
    %dma_wait3A_1463 = tpu.memref_slice %arg7[%dma_wait3A_1460, %dma_wait3A_1461, %dma_wait3A_1462] : memref<5x128x16xf32, #tpu.memory_space<vmem>> -> memref<1x128x16xf32, #tpu.memory_space<vmem>>
    %dma_wait3A_1464 = tpu.memref_squeeze %dma_wait3A_1463 : memref<1x128x16xf32, #tpu.memory_space<vmem>> -> memref<128x16xf32, #tpu.memory_space<vmem>>
    %dma_wait3A_1465 = arith.constant 0 : i32
    %dma_wait3A_1466 = tpu.memref_slice %arg6[%dma_wait3A_1459, %dma_wait3A_1465] : memref<5x128xi32, #tpu.memory_space<vmem>> -> memref<1x128xi32, #tpu.memory_space<vmem>>
    %dma_wait3A_1467 = tpu.memref_squeeze %dma_wait3A_1466 : memref<1x128xi32, #tpu.memory_space<vmem>> -> memref<128xi32, #tpu.memory_space<vmem>>
    %dma_wait3A_1468 = arith.constant 0 : i32
    %dma_wait3A_1469 = arith.constant 0 : i32
    %dma_wait3A_1470 = tpu.memref_slice %arg2[%dma_wait3A_1468, %dma_wait3A_1469] : memref<6400000x16xf32, #tpu.memory_space<hbm>> -> memref<6400000x16xf32, #tpu.memory_space<hbm>>
    tpu.wait_indirect_dma semaphore(%arg8 : memref<!tpu.dma_semaphore, #tpu.memory_space<semaphore_mem>>) src(%dma_wait3A_1470 : memref<6400000x16xf32, #tpu.memory_space<hbm>>) dst(%dma_wait3A_1464 : memref<128x16xf32, #tpu.memory_space<vmem>>)
    %dma_wait3A_1471 = arith.constant 4 : i32
    %dma_wait3A_1472 = arith.constant 4 : i32
    %dma_wait3A_1473 = arith.constant 0 : i32
    %dma_wait3A_1474 = arith.constant 0 : i32
    %dma_wait3A_1475 = tpu.memref_slice %arg7[%dma_wait3A_1472, %dma_wait3A_1473, %dma_wait3A_1474] : memref<5x128x16xf32, #tpu.memory_space<vmem>> -> memref<1x128x16xf32, #tpu.memory_space<vmem>>
    %dma_wait3A_1476 = tpu.memref_squeeze %dma_wait3A_1475 : memref<1x128x16xf32, #tpu.memory_space<vmem>> -> memref<128x16xf32, #tpu.memory_space<vmem>>
    %dma_wait3A_1477 = arith.constant 0 : i32
    %dma_wait3A_1478 = tpu.memref_slice %arg6[%dma_wait3A_1471, %dma_wait3A_1477] : memref<5x128xi32, #tpu.memory_space<vmem>> -> memref<1x128xi32, #tpu.memory_space<vmem>>
    %dma_wait3A_1479 = tpu.memref_squeeze %dma_wait3A_1478 : memref<1x128xi32, #tpu.memory_space<vmem>> -> memref<128xi32, #tpu.memory_space<vmem>>
    %dma_wait3A_1480 = arith.constant 0 : i32
    %dma_wait3A_1481 = arith.constant 0 : i32
    %dma_wait3A_1482 = tpu.memref_slice %arg2[%dma_wait3A_1480, %dma_wait3A_1481] : memref<6400000x16xf32, #tpu.memory_space<hbm>> -> memref<6400000x16xf32, #tpu.memory_space<hbm>>
    tpu.wait_indirect_dma semaphore(%arg8 : memref<!tpu.dma_semaphore, #tpu.memory_space<semaphore_mem>>) src(%dma_wait3A_1482 : memref<6400000x16xf32, #tpu.memory_space<hbm>>) dst(%dma_wait3A_1476 : memref<128x16xf32, #tpu.memory_space<vmem>>)
    "tpu.region"() ({
      %run_scoped3A = tpu.sem_alloc : memref<!tpu.dma_semaphore, #tpu.memory_space<semaphore_mem>>
      %dma_start3A_1483 = arith.constant 0 : i32
      %dma_start3A_1484 = arith.constant 0 : i32
      %dma_start3A_1485 = arith.constant 0 : i32
      %dma_start3A_1486 = tpu.memref_slice %arg4[%add3A, %dma_start3A_1483, %dma_start3A_1484, %dma_start3A_1485] : memref<32x5x128x16xf32, #tpu.memory_space<hbm>> -> memref<1x5x128x16xf32, #tpu.memory_space<hbm>>
      %dma_start3A_1487 = tpu.memref_squeeze %dma_start3A_1486 : memref<1x5x128x16xf32, #tpu.memory_space<hbm>> -> memref<5x128x16xf32, #tpu.memory_space<hbm>>
      %dma_start3A_1488 = arith.constant 0 : i32
      %dma_start3A_1489 = arith.constant 0 : i32
      %dma_start3A_1490 = arith.constant 0 : i32
      %dma_start3A_1491 = tpu.memref_slice %arg4[%add3A, %dma_start3A_1488, %dma_start3A_1489, %dma_start3A_1490] : memref<32x5x128x16xf32, #tpu.memory_space<hbm>> -> memref<1x5x128x16xf32, #tpu.memory_space<hbm>>
      %dma_start3A_1492 = tpu.memref_squeeze %dma_start3A_1491 : memref<1x5x128x16xf32, #tpu.memory_space<hbm>> -> memref<5x128x16xf32, #tpu.memory_space<hbm>>
      tpu.enqueue_dma source(%arg7 : memref<5x128x16xf32, #tpu.memory_space<vmem>>) target(%dma_start3A_1492 : memref<5x128x16xf32, #tpu.memory_space<hbm>>) target_semaphore(%run_scoped3A : memref<!tpu.dma_semaphore, #tpu.memory_space<semaphore_mem>>)
      %dma_wait3A_1493 = arith.constant 0 : i32
      %dma_wait3A_1494 = arith.constant 0 : i32
      %dma_wait3A_1495 = arith.constant 0 : i32
      %dma_wait3A_1496 = tpu.memref_slice %arg4[%add3A, %dma_wait3A_1493, %dma_wait3A_1494, %dma_wait3A_1495] : memref<32x5x128x16xf32, #tpu.memory_space<hbm>> -> memref<1x5x128x16xf32, #tpu.memory_space<hbm>>
      %dma_wait3A_1497 = tpu.memref_squeeze %dma_wait3A_1496 : memref<1x5x128x16xf32, #tpu.memory_space<hbm>> -> memref<5x128x16xf32, #tpu.memory_space<hbm>>
      %dma_wait3A_1498 = arith.constant 0 : i32
      %dma_wait3A_1499 = arith.constant 0 : i32
      %dma_wait3A_1500 = arith.constant 0 : i32
      %dma_wait3A_1501 = tpu.memref_slice %arg4[%add3A, %dma_wait3A_1498, %dma_wait3A_1499, %dma_wait3A_1500] : memref<32x5x128x16xf32, #tpu.memory_space<hbm>> -> memref<1x5x128x16xf32, #tpu.memory_space<hbm>>
      %dma_wait3A_1502 = tpu.memref_squeeze %dma_wait3A_1501 : memref<1x5x128x16xf32, #tpu.memory_space<hbm>> -> memref<5x128x16xf32, #tpu.memory_space<hbm>>
      tpu.wait_dma2 semaphore(%run_scoped3A : memref<!tpu.dma_semaphore, #tpu.memory_space<semaphore_mem>>) src(%arg7 : memref<5x128x16xf32, #tpu.memory_space<vmem>>) dst(%dma_wait3A_1502 : memref<5x128x16xf32, #tpu.memory_space<hbm>>)
      tpu.yield
    }) : () -> ()
    return
  }
}

#map = affine_map<(d0, d1) -> (0, 0)>
#map1 = affine_map<(d0, d1) -> (0)>
#map2 = affine_map<(d0, d1) -> (0, 0, 0, 0)>
module attributes {stable_mosaic.version = 14 : i64} {
  func.func @_sc_neg_body(%arg0: i32, %arg1: i32, %arg2: memref<800000x128xf32, #tpu.memory_space<hbm>>, %arg3: memref<1024xi32, #tpu.memory_space<hbm>>, %arg4: memref<32x2x128x128xf32, #tpu.memory_space<hbm>>, %arg5: memref<128xi32, #tpu.memory_space<vmem>>, %arg6: memref<2x128xi32, #tpu.memory_space<vmem>>, %arg7: memref<2x128x128xf32, #tpu.memory_space<vmem>>, %arg8: memref<!tpu.dma_semaphore, #tpu.memory_space<semaphore_mem>>) attributes {dimension_semantics = [#tpu.dimension_semantics<core_parallel>, #tpu.dimension_semantics<subcore_parallel>], iteration_bounds = array<i64: 2, 16>, scalar_prefetch = 0 : i64, scratch_operands = 4 : i64, tpu.core_type = #tpu.core_type<sc_vector_subcore>, window_params = [{transform_indices = #map}, {transform_indices = #map1}, {transform_indices = #map2}]} {
    %mul3A = arith.constant 2 : i32
    %mul3A_0 = arith.muli %arg1, %mul3A : i32
    %add3A = arith.addi %mul3A_0, %arg0 : i32
    %mul3A_1 = arith.constant 32 : i32
    %mul3A_2 = arith.muli %add3A, %mul3A_1 : i32
    "tpu.region"() ({
      %run_scoped3A = tpu.sem_alloc : memref<!tpu.dma_semaphore, #tpu.memory_space<semaphore_mem>>
      %dma_start3A_207 = arith.constant 0 : i32
      %dma_start3A_208 = tpu.memref_slice %arg5[%dma_start3A_207] : memref<128xi32, #tpu.memory_space<vmem>> -> memref<32xi32, #tpu.memory_space<vmem>>
      %dma_start3A_209 = tpu.memref_slice %arg3[%mul3A_2] : memref<1024xi32, #tpu.memory_space<hbm>> -> memref<32xi32, #tpu.memory_space<hbm>>
      %dma_start3A_210 = arith.constant 0 : i32
      %dma_start3A_211 = tpu.memref_slice %arg5[%dma_start3A_210] : memref<128xi32, #tpu.memory_space<vmem>> -> memref<32xi32, #tpu.memory_space<vmem>>
      %dma_start3A_212 = tpu.memref_slice %arg3[%mul3A_2] : memref<1024xi32, #tpu.memory_space<hbm>> -> memref<32xi32, #tpu.memory_space<hbm>>
      tpu.enqueue_dma source(%dma_start3A_212 : memref<32xi32, #tpu.memory_space<hbm>>) target(%dma_start3A_211 : memref<32xi32, #tpu.memory_space<vmem>>) target_semaphore(%run_scoped3A : memref<!tpu.dma_semaphore, #tpu.memory_space<semaphore_mem>>)
      %dma_wait3A_213 = arith.constant 0 : i32
      %dma_wait3A_214 = tpu.memref_slice %arg5[%dma_wait3A_213] : memref<128xi32, #tpu.memory_space<vmem>> -> memref<32xi32, #tpu.memory_space<vmem>>
      %dma_wait3A_215 = tpu.memref_slice %arg3[%mul3A_2] : memref<1024xi32, #tpu.memory_space<hbm>> -> memref<32xi32, #tpu.memory_space<hbm>>
      %dma_wait3A_216 = arith.constant 0 : i32
      %dma_wait3A_217 = tpu.memref_slice %arg5[%dma_wait3A_216] : memref<128xi32, #tpu.memory_space<vmem>> -> memref<32xi32, #tpu.memory_space<vmem>>
      %dma_wait3A_218 = tpu.memref_slice %arg3[%mul3A_2] : memref<1024xi32, #tpu.memory_space<hbm>> -> memref<32xi32, #tpu.memory_space<hbm>>
      tpu.wait_dma2 semaphore(%run_scoped3A : memref<!tpu.dma_semaphore, #tpu.memory_space<semaphore_mem>>) src(%dma_wait3A_218 : memref<32xi32, #tpu.memory_space<hbm>>) dst(%dma_wait3A_217 : memref<32xi32, #tpu.memory_space<vmem>>)
      tpu.yield
    }) : () -> ()
    %broadcast_in_dim3A = arith.constant 3 : i32
    %broadcast_in_dim3A_3 = vector.broadcast %broadcast_in_dim3A : i32 to vector<16xi32>
    %broadcast_in_dim3A_4 = arith.constant 6 : i32
    %broadcast_in_dim3A_5 = vector.broadcast %broadcast_in_dim3A_4 : i32 to vector<16xi32>
    %broadcast_in_dim3A_6 = arith.constant 7 : i32
    %broadcast_in_dim3A_7 = vector.broadcast %broadcast_in_dim3A_6 : i32 to vector<16xi32>
    %get3A = arith.constant 0 : index
    %get3A_8 = tpu.vector_load %arg5[%get3A] {strides = array<i32>} : memref<128xi32, #tpu.memory_space<vmem>>, vector<16xi32>,
    %get3A_9 = vector.shape_cast %get3A_8 : vector<16xi32> to vector<16xi32>
    %shift_right_logical3A = arith.shrui %get3A_9, %broadcast_in_dim3A_3 : vector<16xi32>
    %shift_left3A = arith.shli %shift_right_logical3A, %broadcast_in_dim3A_5 : vector<16xi32>
    %and3A = arith.andi %get3A_9, %broadcast_in_dim3A_7 : vector<16xi32>
    %add3A_10 = arith.addi %shift_left3A, %and3A : vector<16xi32>
    %broadcast_in_dim3A_11 = arith.constant 0 : i32
    %broadcast_in_dim3A_12 = vector.broadcast %broadcast_in_dim3A_11 : i32 to vector<16xi32>
    %add3A_13 = arith.addi %add3A_10, %broadcast_in_dim3A_12 : vector<16xi32>
    %swap3A = arith.constant 0 : i32
    %swap3A_14 = arith.index_cast %swap3A : i32 to index
    %swap3A_15 = arith.constant 0 : index
    %swap3A_16 = tpu.vector_load %arg6[%swap3A_14, %swap3A_15] {strides = array<i32>} : memref<2x128xi32, #tpu.memory_space<vmem>>, vector<1x16xi32>,
    %swap3A_17 = vector.shape_cast %swap3A_16 : vector<1x16xi32> to vector<16xi32>
    %swap3A_18 = vector.shape_cast %add3A_13 : vector<16xi32> to vector<1x16xi32>
    tpu.vector_store %arg6[%swap3A_14, %swap3A_15], %swap3A_18 {strides = array<i32>} : memref<2x128xi32, #tpu.memory_space<vmem>>, vector<1x16xi32>,
    %broadcast_in_dim3A_19 = arith.constant 8 : i32
    %broadcast_in_dim3A_20 = vector.broadcast %broadcast_in_dim3A_19 : i32 to vector<16xi32>
    %add3A_21 = arith.addi %add3A_10, %broadcast_in_dim3A_20 : vector<16xi32>
    %swap3A_22 = arith.constant 0 : i32
    %swap3A_23 = arith.index_cast %swap3A_22 : i32 to index
    %swap3A_24 = arith.constant 32 : index
    %swap3A_25 = tpu.vector_load %arg6[%swap3A_23, %swap3A_24] {strides = array<i32>} : memref<2x128xi32, #tpu.memory_space<vmem>>, vector<1x16xi32>,
    %swap3A_26 = vector.shape_cast %swap3A_25 : vector<1x16xi32> to vector<16xi32>
    %swap3A_27 = vector.shape_cast %add3A_21 : vector<16xi32> to vector<1x16xi32>
    tpu.vector_store %arg6[%swap3A_23, %swap3A_24], %swap3A_27 {strides = array<i32>} : memref<2x128xi32, #tpu.memory_space<vmem>>, vector<1x16xi32>,
    %broadcast_in_dim3A_28 = arith.constant 16 : i32
    %broadcast_in_dim3A_29 = vector.broadcast %broadcast_in_dim3A_28 : i32 to vector<16xi32>
    %add3A_30 = arith.addi %add3A_10, %broadcast_in_dim3A_29 : vector<16xi32>
    %swap3A_31 = arith.constant 0 : i32
    %swap3A_32 = arith.index_cast %swap3A_31 : i32 to index
    %swap3A_33 = arith.constant 64 : index
    %swap3A_34 = tpu.vector_load %arg6[%swap3A_32, %swap3A_33] {strides = array<i32>} : memref<2x128xi32, #tpu.memory_space<vmem>>, vector<1x16xi32>,
    %swap3A_35 = vector.shape_cast %swap3A_34 : vector<1x16xi32> to vector<16xi32>
    %swap3A_36 = vector.shape_cast %add3A_30 : vector<16xi32> to vector<1x16xi32>
    tpu.vector_store %arg6[%swap3A_32, %swap3A_33], %swap3A_36 {strides = array<i32>} : memref<2x128xi32, #tpu.memory_space<vmem>>, vector<1x16xi32>,
    %broadcast_in_dim3A_37 = arith.constant 24 : i32
    %broadcast_in_dim3A_38 = vector.broadcast %broadcast_in_dim3A_37 : i32 to vector<16xi32>
    %add3A_39 = arith.addi %add3A_10, %broadcast_in_dim3A_38 : vector<16xi32>
    %swap3A_40 = arith.constant 0 : i32
    %swap3A_41 = arith.index_cast %swap3A_40 : i32 to index
    %swap3A_42 = arith.constant 96 : index
    %swap3A_43 = tpu.vector_load %arg6[%swap3A_41, %swap3A_42] {strides = array<i32>} : memref<2x128xi32, #tpu.memory_space<vmem>>, vector<1x16xi32>,
    %swap3A_44 = vector.shape_cast %swap3A_43 : vector<1x16xi32> to vector<16xi32>
    %swap3A_45 = vector.shape_cast %add3A_39 : vector<16xi32> to vector<1x16xi32>
    tpu.vector_store %arg6[%swap3A_41, %swap3A_42], %swap3A_45 {strides = array<i32>} : memref<2x128xi32, #tpu.memory_space<vmem>>, vector<1x16xi32>,
    %broadcast_in_dim3A_46 = arith.constant 32 : i32
    %broadcast_in_dim3A_47 = vector.broadcast %broadcast_in_dim3A_46 : i32 to vector<16xi32>
    %add3A_48 = arith.addi %add3A_10, %broadcast_in_dim3A_47 : vector<16xi32>
    %swap3A_49 = arith.constant 1 : i32
    %swap3A_50 = arith.index_cast %swap3A_49 : i32 to index
    %swap3A_51 = arith.constant 0 : index
    %swap3A_52 = tpu.vector_load %arg6[%swap3A_50, %swap3A_51] {strides = array<i32>} : memref<2x128xi32, #tpu.memory_space<vmem>>, vector<1x16xi32>,
    %swap3A_53 = vector.shape_cast %swap3A_52 : vector<1x16xi32> to vector<16xi32>
    %swap3A_54 = vector.shape_cast %add3A_48 : vector<16xi32> to vector<1x16xi32>
    tpu.vector_store %arg6[%swap3A_50, %swap3A_51], %swap3A_54 {strides = array<i32>} : memref<2x128xi32, #tpu.memory_space<vmem>>, vector<1x16xi32>,
    %broadcast_in_dim3A_55 = arith.constant 40 : i32
    %broadcast_in_dim3A_56 = vector.broadcast %broadcast_in_dim3A_55 : i32 to vector<16xi32>
    %add3A_57 = arith.addi %add3A_10, %broadcast_in_dim3A_56 : vector<16xi32>
    %swap3A_58 = arith.constant 1 : i32
    %swap3A_59 = arith.index_cast %swap3A_58 : i32 to index
    %swap3A_60 = arith.constant 32 : index
    %swap3A_61 = tpu.vector_load %arg6[%swap3A_59, %swap3A_60] {strides = array<i32>} : memref<2x128xi32, #tpu.memory_space<vmem>>, vector<1x16xi32>,
    %swap3A_62 = vector.shape_cast %swap3A_61 : vector<1x16xi32> to vector<16xi32>
    %swap3A_63 = vector.shape_cast %add3A_57 : vector<16xi32> to vector<1x16xi32>
    tpu.vector_store %arg6[%swap3A_59, %swap3A_60], %swap3A_63 {strides = array<i32>} : memref<2x128xi32, #tpu.memory_space<vmem>>, vector<1x16xi32>,
    %broadcast_in_dim3A_64 = arith.constant 48 : i32
    %broadcast_in_dim3A_65 = vector.broadcast %broadcast_in_dim3A_64 : i32 to vector<16xi32>
    %add3A_66 = arith.addi %add3A_10, %broadcast_in_dim3A_65 : vector<16xi32>
    %swap3A_67 = arith.constant 1 : i32
    %swap3A_68 = arith.index_cast %swap3A_67 : i32 to index
    %swap3A_69 = arith.constant 64 : index
    %swap3A_70 = tpu.vector_load %arg6[%swap3A_68, %swap3A_69] {strides = array<i32>} : memref<2x128xi32, #tpu.memory_space<vmem>>, vector<1x16xi32>,
    %swap3A_71 = vector.shape_cast %swap3A_70 : vector<1x16xi32> to vector<16xi32>
    %swap3A_72 = vector.shape_cast %add3A_66 : vector<16xi32> to vector<1x16xi32>
    tpu.vector_store %arg6[%swap3A_68, %swap3A_69], %swap3A_72 {strides = array<i32>} : memref<2x128xi32, #tpu.memory_space<vmem>>, vector<1x16xi32>,
    %broadcast_in_dim3A_73 = arith.constant 56 : i32
    %broadcast_in_dim3A_74 = vector.broadcast %broadcast_in_dim3A_73 : i32 to vector<16xi32>
    %add3A_75 = arith.addi %add3A_10, %broadcast_in_dim3A_74 : vector<16xi32>
    %swap3A_76 = arith.constant 1 : i32
    %swap3A_77 = arith.index_cast %swap3A_76 : i32 to index
    %swap3A_78 = arith.constant 96 : index
    %swap3A_79 = tpu.vector_load %arg6[%swap3A_77, %swap3A_78] {strides = array<i32>} : memref<2x128xi32, #tpu.memory_space<vmem>>, vector<1x16xi32>,
    %swap3A_80 = vector.shape_cast %swap3A_79 : vector<1x16xi32> to vector<16xi32>
    %swap3A_81 = vector.shape_cast %add3A_75 : vector<16xi32> to vector<1x16xi32>
    tpu.vector_store %arg6[%swap3A_77, %swap3A_78], %swap3A_81 {strides = array<i32>} : memref<2x128xi32, #tpu.memory_space<vmem>>, vector<1x16xi32>,
    %get3A_82 = arith.constant 16 : index
    %get3A_83 = tpu.vector_load %arg5[%get3A_82] {strides = array<i32>} : memref<128xi32, #tpu.memory_space<vmem>>, vector<16xi32>,
    %get3A_84 = vector.shape_cast %get3A_83 : vector<16xi32> to vector<16xi32>
    %shift_right_logical3A_85 = arith.shrui %get3A_84, %broadcast_in_dim3A_3 : vector<16xi32>
    %shift_left3A_86 = arith.shli %shift_right_logical3A_85, %broadcast_in_dim3A_5 : vector<16xi32>
    %and3A_87 = arith.andi %get3A_84, %broadcast_in_dim3A_7 : vector<16xi32>
    %add3A_88 = arith.addi %shift_left3A_86, %and3A_87 : vector<16xi32>
    %broadcast_in_dim3A_89 = arith.constant 0 : i32
    %broadcast_in_dim3A_90 = vector.broadcast %broadcast_in_dim3A_89 : i32 to vector<16xi32>
    %add3A_91 = arith.addi %add3A_88, %broadcast_in_dim3A_90 : vector<16xi32>
    %swap3A_92 = arith.constant 0 : i32
    %swap3A_93 = arith.index_cast %swap3A_92 : i32 to index
    %swap3A_94 = arith.constant 16 : index
    %swap3A_95 = tpu.vector_load %arg6[%swap3A_93, %swap3A_94] {strides = array<i32>} : memref<2x128xi32, #tpu.memory_space<vmem>>, vector<1x16xi32>,
    %swap3A_96 = vector.shape_cast %swap3A_95 : vector<1x16xi32> to vector<16xi32>
    %swap3A_97 = vector.shape_cast %add3A_91 : vector<16xi32> to vector<1x16xi32>
    tpu.vector_store %arg6[%swap3A_93, %swap3A_94], %swap3A_97 {strides = array<i32>} : memref<2x128xi32, #tpu.memory_space<vmem>>, vector<1x16xi32>,
    %broadcast_in_dim3A_98 = arith.constant 8 : i32
    %broadcast_in_dim3A_99 = vector.broadcast %broadcast_in_dim3A_98 : i32 to vector<16xi32>
    %add3A_100 = arith.addi %add3A_88, %broadcast_in_dim3A_99 : vector<16xi32>
    %swap3A_101 = arith.constant 0 : i32
    %swap3A_102 = arith.index_cast %swap3A_101 : i32 to index
    %swap3A_103 = arith.constant 48 : index
    %swap3A_104 = tpu.vector_load %arg6[%swap3A_102, %swap3A_103] {strides = array<i32>} : memref<2x128xi32, #tpu.memory_space<vmem>>, vector<1x16xi32>,
    %swap3A_105 = vector.shape_cast %swap3A_104 : vector<1x16xi32> to vector<16xi32>
    %swap3A_106 = vector.shape_cast %add3A_100 : vector<16xi32> to vector<1x16xi32>
    tpu.vector_store %arg6[%swap3A_102, %swap3A_103], %swap3A_106 {strides = array<i32>} : memref<2x128xi32, #tpu.memory_space<vmem>>, vector<1x16xi32>,
    %broadcast_in_dim3A_107 = arith.constant 16 : i32
    %broadcast_in_dim3A_108 = vector.broadcast %broadcast_in_dim3A_107 : i32 to vector<16xi32>
    %add3A_109 = arith.addi %add3A_88, %broadcast_in_dim3A_108 : vector<16xi32>
    %swap3A_110 = arith.constant 0 : i32
    %swap3A_111 = arith.index_cast %swap3A_110 : i32 to index
    %swap3A_112 = arith.constant 80 : index
    %swap3A_113 = tpu.vector_load %arg6[%swap3A_111, %swap3A_112] {strides = array<i32>} : memref<2x128xi32, #tpu.memory_space<vmem>>, vector<1x16xi32>,
    %swap3A_114 = vector.shape_cast %swap3A_113 : vector<1x16xi32> to vector<16xi32>
    %swap3A_115 = vector.shape_cast %add3A_109 : vector<16xi32> to vector<1x16xi32>
    tpu.vector_store %arg6[%swap3A_111, %swap3A_112], %swap3A_115 {strides = array<i32>} : memref<2x128xi32, #tpu.memory_space<vmem>>, vector<1x16xi32>,
    %broadcast_in_dim3A_116 = arith.constant 24 : i32
    %broadcast_in_dim3A_117 = vector.broadcast %broadcast_in_dim3A_116 : i32 to vector<16xi32>
    %add3A_118 = arith.addi %add3A_88, %broadcast_in_dim3A_117 : vector<16xi32>
    %swap3A_119 = arith.constant 0 : i32
    %swap3A_120 = arith.index_cast %swap3A_119 : i32 to index
    %swap3A_121 = arith.constant 112 : index
    %swap3A_122 = tpu.vector_load %arg6[%swap3A_120, %swap3A_121] {strides = array<i32>} : memref<2x128xi32, #tpu.memory_space<vmem>>, vector<1x16xi32>,
    %swap3A_123 = vector.shape_cast %swap3A_122 : vector<1x16xi32> to vector<16xi32>
    %swap3A_124 = vector.shape_cast %add3A_118 : vector<16xi32> to vector<1x16xi32>
    tpu.vector_store %arg6[%swap3A_120, %swap3A_121], %swap3A_124 {strides = array<i32>} : memref<2x128xi32, #tpu.memory_space<vmem>>, vector<1x16xi32>,
    %broadcast_in_dim3A_125 = arith.constant 32 : i32
    %broadcast_in_dim3A_126 = vector.broadcast %broadcast_in_dim3A_125 : i32 to vector<16xi32>
    %add3A_127 = arith.addi %add3A_88, %broadcast_in_dim3A_126 : vector<16xi32>
    %swap3A_128 = arith.constant 1 : i32
    %swap3A_129 = arith.index_cast %swap3A_128 : i32 to index
    %swap3A_130 = arith.constant 16 : index
    %swap3A_131 = tpu.vector_load %arg6[%swap3A_129, %swap3A_130] {strides = array<i32>} : memref<2x128xi32, #tpu.memory_space<vmem>>, vector<1x16xi32>,
    %swap3A_132 = vector.shape_cast %swap3A_131 : vector<1x16xi32> to vector<16xi32>
    %swap3A_133 = vector.shape_cast %add3A_127 : vector<16xi32> to vector<1x16xi32>
    tpu.vector_store %arg6[%swap3A_129, %swap3A_130], %swap3A_133 {strides = array<i32>} : memref<2x128xi32, #tpu.memory_space<vmem>>, vector<1x16xi32>,
    %broadcast_in_dim3A_134 = arith.constant 40 : i32
    %broadcast_in_dim3A_135 = vector.broadcast %broadcast_in_dim3A_134 : i32 to vector<16xi32>
    %add3A_136 = arith.addi %add3A_88, %broadcast_in_dim3A_135 : vector<16xi32>
    %swap3A_137 = arith.constant 1 : i32
    %swap3A_138 = arith.index_cast %swap3A_137 : i32 to index
    %swap3A_139 = arith.constant 48 : index
    %swap3A_140 = tpu.vector_load %arg6[%swap3A_138, %swap3A_139] {strides = array<i32>} : memref<2x128xi32, #tpu.memory_space<vmem>>, vector<1x16xi32>,
    %swap3A_141 = vector.shape_cast %swap3A_140 : vector<1x16xi32> to vector<16xi32>
    %swap3A_142 = vector.shape_cast %add3A_136 : vector<16xi32> to vector<1x16xi32>
    tpu.vector_store %arg6[%swap3A_138, %swap3A_139], %swap3A_142 {strides = array<i32>} : memref<2x128xi32, #tpu.memory_space<vmem>>, vector<1x16xi32>,
    %broadcast_in_dim3A_143 = arith.constant 48 : i32
    %broadcast_in_dim3A_144 = vector.broadcast %broadcast_in_dim3A_143 : i32 to vector<16xi32>
    %add3A_145 = arith.addi %add3A_88, %broadcast_in_dim3A_144 : vector<16xi32>
    %swap3A_146 = arith.constant 1 : i32
    %swap3A_147 = arith.index_cast %swap3A_146 : i32 to index
    %swap3A_148 = arith.constant 80 : index
    %swap3A_149 = tpu.vector_load %arg6[%swap3A_147, %swap3A_148] {strides = array<i32>} : memref<2x128xi32, #tpu.memory_space<vmem>>, vector<1x16xi32>,
    %swap3A_150 = vector.shape_cast %swap3A_149 : vector<1x16xi32> to vector<16xi32>
    %swap3A_151 = vector.shape_cast %add3A_145 : vector<16xi32> to vector<1x16xi32>
    tpu.vector_store %arg6[%swap3A_147, %swap3A_148], %swap3A_151 {strides = array<i32>} : memref<2x128xi32, #tpu.memory_space<vmem>>, vector<1x16xi32>,
    %broadcast_in_dim3A_152 = arith.constant 56 : i32
    %broadcast_in_dim3A_153 = vector.broadcast %broadcast_in_dim3A_152 : i32 to vector<16xi32>
    %add3A_154 = arith.addi %add3A_88, %broadcast_in_dim3A_153 : vector<16xi32>
    %swap3A_155 = arith.constant 1 : i32
    %swap3A_156 = arith.index_cast %swap3A_155 : i32 to index
    %swap3A_157 = arith.constant 112 : index
    %swap3A_158 = tpu.vector_load %arg6[%swap3A_156, %swap3A_157] {strides = array<i32>} : memref<2x128xi32, #tpu.memory_space<vmem>>, vector<1x16xi32>,
    %swap3A_159 = vector.shape_cast %swap3A_158 : vector<1x16xi32> to vector<16xi32>
    %swap3A_160 = vector.shape_cast %add3A_154 : vector<16xi32> to vector<1x16xi32>
    tpu.vector_store %arg6[%swap3A_156, %swap3A_157], %swap3A_160 {strides = array<i32>} : memref<2x128xi32, #tpu.memory_space<vmem>>, vector<1x16xi32>,
    %dma_start3A = arith.constant 0 : i32
    %dma_start3A_161 = arith.constant 0 : i32
    %dma_start3A_162 = arith.constant 0 : i32
    %dma_start3A_163 = arith.constant 0 : i32
    %dma_start3A_164 = tpu.memref_slice %arg7[%dma_start3A_161, %dma_start3A_162, %dma_start3A_163] : memref<2x128x128xf32, #tpu.memory_space<vmem>> -> memref<1x128x128xf32, #tpu.memory_space<vmem>>
    %dma_start3A_165 = tpu.memref_squeeze %dma_start3A_164 : memref<1x128x128xf32, #tpu.memory_space<vmem>> -> memref<128x128xf32, #tpu.memory_space<vmem>>
    %dma_start3A_166 = arith.constant 0 : i32
    %dma_start3A_167 = tpu.memref_slice %arg6[%dma_start3A, %dma_start3A_166] : memref<2x128xi32, #tpu.memory_space<vmem>> -> memref<1x128xi32, #tpu.memory_space<vmem>>
    %dma_start3A_168 = tpu.memref_squeeze %dma_start3A_167 : memref<1x128xi32, #tpu.memory_space<vmem>> -> memref<128xi32, #tpu.memory_space<vmem>>
    %dma_start3A_169 = arith.constant 0 : i32
    %dma_start3A_170 = arith.constant 0 : i32
    %dma_start3A_171 = tpu.memref_slice %arg2[%dma_start3A_169, %dma_start3A_170] : memref<800000x128xf32, #tpu.memory_space<hbm>> -> memref<800000x128xf32, #tpu.memory_space<hbm>>
    tpu.enqueue_indirect_dma source(%dma_start3A_171 : memref<800000x128xf32, #tpu.memory_space<hbm>>) target(%dma_start3A_165 : memref<128x128xf32, #tpu.memory_space<vmem>>) offsets(%dma_start3A_168 : memref<128xi32, #tpu.memory_space<vmem>>) semaphore(%arg8 : memref<!tpu.dma_semaphore, #tpu.memory_space<semaphore_mem>>)
    %dma_start3A_172 = arith.constant 1 : i32
    %dma_start3A_173 = arith.constant 1 : i32
    %dma_start3A_174 = arith.constant 0 : i32
    %dma_start3A_175 = arith.constant 0 : i32
    %dma_start3A_176 = tpu.memref_slice %arg7[%dma_start3A_173, %dma_start3A_174, %dma_start3A_175] : memref<2x128x128xf32, #tpu.memory_space<vmem>> -> memref<1x128x128xf32, #tpu.memory_space<vmem>>
    %dma_start3A_177 = tpu.memref_squeeze %dma_start3A_176 : memref<1x128x128xf32, #tpu.memory_space<vmem>> -> memref<128x128xf32, #tpu.memory_space<vmem>>
    %dma_start3A_178 = arith.constant 0 : i32
    %dma_start3A_179 = tpu.memref_slice %arg6[%dma_start3A_172, %dma_start3A_178] : memref<2x128xi32, #tpu.memory_space<vmem>> -> memref<1x128xi32, #tpu.memory_space<vmem>>
    %dma_start3A_180 = tpu.memref_squeeze %dma_start3A_179 : memref<1x128xi32, #tpu.memory_space<vmem>> -> memref<128xi32, #tpu.memory_space<vmem>>
    %dma_start3A_181 = arith.constant 0 : i32
    %dma_start3A_182 = arith.constant 0 : i32
    %dma_start3A_183 = tpu.memref_slice %arg2[%dma_start3A_181, %dma_start3A_182] : memref<800000x128xf32, #tpu.memory_space<hbm>> -> memref<800000x128xf32, #tpu.memory_space<hbm>>
    tpu.enqueue_indirect_dma source(%dma_start3A_183 : memref<800000x128xf32, #tpu.memory_space<hbm>>) target(%dma_start3A_177 : memref<128x128xf32, #tpu.memory_space<vmem>>) offsets(%dma_start3A_180 : memref<128xi32, #tpu.memory_space<vmem>>) semaphore(%arg8 : memref<!tpu.dma_semaphore, #tpu.memory_space<semaphore_mem>>)
    %dma_wait3A = arith.constant 0 : i32
    %dma_wait3A_184 = arith.constant 0 : i32
    %dma_wait3A_185 = arith.constant 0 : i32
    %dma_wait3A_186 = arith.constant 0 : i32
    %dma_wait3A_187 = tpu.memref_slice %arg7[%dma_wait3A_184, %dma_wait3A_185, %dma_wait3A_186] : memref<2x128x128xf32, #tpu.memory_space<vmem>> -> memref<1x128x128xf32, #tpu.memory_space<vmem>>
    %dma_wait3A_188 = tpu.memref_squeeze %dma_wait3A_187 : memref<1x128x128xf32, #tpu.memory_space<vmem>> -> memref<128x128xf32, #tpu.memory_space<vmem>>
    %dma_wait3A_189 = arith.constant 0 : i32
    %dma_wait3A_190 = tpu.memref_slice %arg6[%dma_wait3A, %dma_wait3A_189] : memref<2x128xi32, #tpu.memory_space<vmem>> -> memref<1x128xi32, #tpu.memory_space<vmem>>
    %dma_wait3A_191 = tpu.memref_squeeze %dma_wait3A_190 : memref<1x128xi32, #tpu.memory_space<vmem>> -> memref<128xi32, #tpu.memory_space<vmem>>
    %dma_wait3A_192 = arith.constant 0 : i32
    %dma_wait3A_193 = arith.constant 0 : i32
    %dma_wait3A_194 = tpu.memref_slice %arg2[%dma_wait3A_192, %dma_wait3A_193] : memref<800000x128xf32, #tpu.memory_space<hbm>> -> memref<800000x128xf32, #tpu.memory_space<hbm>>
    tpu.wait_indirect_dma semaphore(%arg8 : memref<!tpu.dma_semaphore, #tpu.memory_space<semaphore_mem>>) src(%dma_wait3A_194 : memref<800000x128xf32, #tpu.memory_space<hbm>>) dst(%dma_wait3A_188 : memref<128x128xf32, #tpu.memory_space<vmem>>)
    %dma_wait3A_195 = arith.constant 1 : i32
    %dma_wait3A_196 = arith.constant 1 : i32
    %dma_wait3A_197 = arith.constant 0 : i32
    %dma_wait3A_198 = arith.constant 0 : i32
    %dma_wait3A_199 = tpu.memref_slice %arg7[%dma_wait3A_196, %dma_wait3A_197, %dma_wait3A_198] : memref<2x128x128xf32, #tpu.memory_space<vmem>> -> memref<1x128x128xf32, #tpu.memory_space<vmem>>
    %dma_wait3A_200 = tpu.memref_squeeze %dma_wait3A_199 : memref<1x128x128xf32, #tpu.memory_space<vmem>> -> memref<128x128xf32, #tpu.memory_space<vmem>>
    %dma_wait3A_201 = arith.constant 0 : i32
    %dma_wait3A_202 = tpu.memref_slice %arg6[%dma_wait3A_195, %dma_wait3A_201] : memref<2x128xi32, #tpu.memory_space<vmem>> -> memref<1x128xi32, #tpu.memory_space<vmem>>
    %dma_wait3A_203 = tpu.memref_squeeze %dma_wait3A_202 : memref<1x128xi32, #tpu.memory_space<vmem>> -> memref<128xi32, #tpu.memory_space<vmem>>
    %dma_wait3A_204 = arith.constant 0 : i32
    %dma_wait3A_205 = arith.constant 0 : i32
    %dma_wait3A_206 = tpu.memref_slice %arg2[%dma_wait3A_204, %dma_wait3A_205] : memref<800000x128xf32, #tpu.memory_space<hbm>> -> memref<800000x128xf32, #tpu.memory_space<hbm>>
    tpu.wait_indirect_dma semaphore(%arg8 : memref<!tpu.dma_semaphore, #tpu.memory_space<semaphore_mem>>) src(%dma_wait3A_206 : memref<800000x128xf32, #tpu.memory_space<hbm>>) dst(%dma_wait3A_200 : memref<128x128xf32, #tpu.memory_space<vmem>>)
    "tpu.region"() ({
      %run_scoped3A = tpu.sem_alloc : memref<!tpu.dma_semaphore, #tpu.memory_space<semaphore_mem>>
      %dma_start3A_207 = arith.constant 0 : i32
      %dma_start3A_208 = arith.constant 0 : i32
      %dma_start3A_209 = arith.constant 0 : i32
      %dma_start3A_210 = tpu.memref_slice %arg4[%add3A, %dma_start3A_207, %dma_start3A_208, %dma_start3A_209] : memref<32x2x128x128xf32, #tpu.memory_space<hbm>> -> memref<1x2x128x128xf32, #tpu.memory_space<hbm>>
      %dma_start3A_211 = tpu.memref_squeeze %dma_start3A_210 : memref<1x2x128x128xf32, #tpu.memory_space<hbm>> -> memref<2x128x128xf32, #tpu.memory_space<hbm>>
      %dma_start3A_212 = arith.constant 0 : i32
      %dma_start3A_213 = arith.constant 0 : i32
      %dma_start3A_214 = arith.constant 0 : i32
      %dma_start3A_215 = tpu.memref_slice %arg4[%add3A, %dma_start3A_212, %dma_start3A_213, %dma_start3A_214] : memref<32x2x128x128xf32, #tpu.memory_space<hbm>> -> memref<1x2x128x128xf32, #tpu.memory_space<hbm>>
      %dma_start3A_216 = tpu.memref_squeeze %dma_start3A_215 : memref<1x2x128x128xf32, #tpu.memory_space<hbm>> -> memref<2x128x128xf32, #tpu.memory_space<hbm>>
      tpu.enqueue_dma source(%arg7 : memref<2x128x128xf32, #tpu.memory_space<vmem>>) target(%dma_start3A_216 : memref<2x128x128xf32, #tpu.memory_space<hbm>>) target_semaphore(%run_scoped3A : memref<!tpu.dma_semaphore, #tpu.memory_space<semaphore_mem>>)
      %dma_wait3A_217 = arith.constant 0 : i32
      %dma_wait3A_218 = arith.constant 0 : i32
      %dma_wait3A_219 = arith.constant 0 : i32
      %dma_wait3A_220 = tpu.memref_slice %arg4[%add3A, %dma_wait3A_217, %dma_wait3A_218, %dma_wait3A_219] : memref<32x2x128x128xf32, #tpu.memory_space<hbm>> -> memref<1x2x128x128xf32, #tpu.memory_space<hbm>>
      %dma_wait3A_221 = tpu.memref_squeeze %dma_wait3A_220 : memref<1x2x128x128xf32, #tpu.memory_space<hbm>> -> memref<2x128x128xf32, #tpu.memory_space<hbm>>
      %dma_wait3A_222 = arith.constant 0 : i32
      %dma_wait3A_223 = arith.constant 0 : i32
      %dma_wait3A_224 = arith.constant 0 : i32
      %dma_wait3A_225 = tpu.memref_slice %arg4[%add3A, %dma_wait3A_222, %dma_wait3A_223, %dma_wait3A_224] : memref<32x2x128x128xf32, #tpu.memory_space<hbm>> -> memref<1x2x128x128xf32, #tpu.memory_space<hbm>>
      %dma_wait3A_226 = tpu.memref_squeeze %dma_wait3A_225 : memref<1x2x128x128xf32, #tpu.memory_space<hbm>> -> memref<2x128x128xf32, #tpu.memory_space<hbm>>
      tpu.wait_dma2 semaphore(%run_scoped3A : memref<!tpu.dma_semaphore, #tpu.memory_space<semaphore_mem>>) src(%arg7 : memref<2x128x128xf32, #tpu.memory_space<vmem>>) dst(%dma_wait3A_226 : memref<2x128x128xf32, #tpu.memory_space<hbm>>)
      tpu.yield
    }) : () -> ()
    return
  }
}

module attributes {stable_mosaic.version = 14 : i64} {
  func.func @_neg_select_body(%arg0: i32, %arg1: memref<128x20xi32, #tpu.memory_space<vmem>>, %arg2: memref<128x50xi32, #tpu.memory_space<vmem>>, %arg3: memref<128x256xi32, #tpu.memory_space<vmem>>, %arg4: memref<128x1xi32, #tpu.memory_space<vmem>>) attributes {dimension_semantics = [#tpu.dimension_semantics<arbitrary>], iteration_bounds = array<i64: 8>, scalar_prefetch = 0 : i64, scratch_operands = 0 : i64, tpu.core_type = #tpu.core_type<tc>, window_params = [{transform_indices = @transform_0, window_bounds = array<i64: 128, 20>}, {transform_indices = @transform_1, window_bounds = array<i64: 128, 50>}, {transform_indices = @transform_2, window_bounds = array<i64: 128, 256>}, {transform_indices = @transform_3, window_bounds = array<i64: 128, 1>}]} {
    %get3A = arith.constant 0 : index
    %get3A_0 = arith.constant 0 : index
    %get3A_1 = vector.load %arg1[%get3A, %get3A_0] : memref<128x20xi32, #tpu.memory_space<vmem>>, vector<128x20xi32>
    %get3A_2 = arith.constant 0 : index
    %get3A_3 = arith.constant 0 : index
    %get3A_4 = vector.load %arg2[%get3A_2, %get3A_3] : memref<128x50xi32, #tpu.memory_space<vmem>>, vector<128x50xi32>
    %get3A_5 = arith.constant 0 : index
    %get3A_6 = arith.constant 0 : index
    %get3A_7 = vector.load %arg3[%get3A_5, %get3A_6] : memref<128x256xi32, #tpu.memory_space<vmem>>, vector<128x256xi32>
    %broadcast_in_dim3A = arith.constant false
    %broadcast_in_dim3A_8 = vector.broadcast %broadcast_in_dim3A : i1 to vector<128x256xi1>
    %slice3A = vector.extract_strided_slice %get3A_1 {offsets = [0, 0], sizes = [128, 1], strides = [1, 1]} : vector<128x20xi32> to vector<128x1xi32>
    %squeeze3A = vector.shape_cast %slice3A : vector<128x1xi32> to vector<128xi32>
    %broadcast_in_dim3A_9 = vector.shape_cast %squeeze3A : vector<128xi32> to vector<128x1xi32>
    %eq3A = vector.broadcast %broadcast_in_dim3A_9 : vector<128x1xi32> to vector<128x256xi32>
    %eq3A_10 = arith.cmpi eq, %get3A_7, %eq3A : vector<128x256xi32>
    %or3A = arith.ori %broadcast_in_dim3A_8, %eq3A_10 : vector<128x256xi1>
    %slice3A_11 = vector.extract_strided_slice %get3A_1 {offsets = [0, 1], sizes = [128, 1], strides = [1, 1]} : vector<128x20xi32> to vector<128x1xi32>
    %squeeze3A_12 = vector.shape_cast %slice3A_11 : vector<128x1xi32> to vector<128xi32>
    %broadcast_in_dim3A_13 = vector.shape_cast %squeeze3A_12 : vector<128xi32> to vector<128x1xi32>
    %eq3A_14 = vector.broadcast %broadcast_in_dim3A_13 : vector<128x1xi32> to vector<128x256xi32>
    %eq3A_15 = arith.cmpi eq, %get3A_7, %eq3A_14 : vector<128x256xi32>
    %or3A_16 = arith.ori %or3A, %eq3A_15 : vector<128x256xi1>
    %slice3A_17 = vector.extract_strided_slice %get3A_1 {offsets = [0, 2], sizes = [128, 1], strides = [1, 1]} : vector<128x20xi32> to vector<128x1xi32>
    %squeeze3A_18 = vector.shape_cast %slice3A_17 : vector<128x1xi32> to vector<128xi32>
    %broadcast_in_dim3A_19 = vector.shape_cast %squeeze3A_18 : vector<128xi32> to vector<128x1xi32>
    %eq3A_20 = vector.broadcast %broadcast_in_dim3A_19 : vector<128x1xi32> to vector<128x256xi32>
    %eq3A_21 = arith.cmpi eq, %get3A_7, %eq3A_20 : vector<128x256xi32>
    %or3A_22 = arith.ori %or3A_16, %eq3A_21 : vector<128x256xi1>
    %slice3A_23 = vector.extract_strided_slice %get3A_1 {offsets = [0, 3], sizes = [128, 1], strides = [1, 1]} : vector<128x20xi32> to vector<128x1xi32>
    %squeeze3A_24 = vector.shape_cast %slice3A_23 : vector<128x1xi32> to vector<128xi32>
    %broadcast_in_dim3A_25 = vector.shape_cast %squeeze3A_24 : vector<128xi32> to vector<128x1xi32>
    %eq3A_26 = vector.broadcast %broadcast_in_dim3A_25 : vector<128x1xi32> to vector<128x256xi32>
    %eq3A_27 = arith.cmpi eq, %get3A_7, %eq3A_26 : vector<128x256xi32>
    %or3A_28 = arith.ori %or3A_22, %eq3A_27 : vector<128x256xi1>
    %slice3A_29 = vector.extract_strided_slice %get3A_1 {offsets = [0, 4], sizes = [128, 1], strides = [1, 1]} : vector<128x20xi32> to vector<128x1xi32>
    %squeeze3A_30 = vector.shape_cast %slice3A_29 : vector<128x1xi32> to vector<128xi32>
    %broadcast_in_dim3A_31 = vector.shape_cast %squeeze3A_30 : vector<128xi32> to vector<128x1xi32>
    %eq3A_32 = vector.broadcast %broadcast_in_dim3A_31 : vector<128x1xi32> to vector<128x256xi32>
    %eq3A_33 = arith.cmpi eq, %get3A_7, %eq3A_32 : vector<128x256xi32>
    %or3A_34 = arith.ori %or3A_28, %eq3A_33 : vector<128x256xi1>
    %slice3A_35 = vector.extract_strided_slice %get3A_1 {offsets = [0, 5], sizes = [128, 1], strides = [1, 1]} : vector<128x20xi32> to vector<128x1xi32>
    %squeeze3A_36 = vector.shape_cast %slice3A_35 : vector<128x1xi32> to vector<128xi32>
    %broadcast_in_dim3A_37 = vector.shape_cast %squeeze3A_36 : vector<128xi32> to vector<128x1xi32>
    %eq3A_38 = vector.broadcast %broadcast_in_dim3A_37 : vector<128x1xi32> to vector<128x256xi32>
    %eq3A_39 = arith.cmpi eq, %get3A_7, %eq3A_38 : vector<128x256xi32>
    %or3A_40 = arith.ori %or3A_34, %eq3A_39 : vector<128x256xi1>
    %slice3A_41 = vector.extract_strided_slice %get3A_1 {offsets = [0, 6], sizes = [128, 1], strides = [1, 1]} : vector<128x20xi32> to vector<128x1xi32>
    %squeeze3A_42 = vector.shape_cast %slice3A_41 : vector<128x1xi32> to vector<128xi32>
    %broadcast_in_dim3A_43 = vector.shape_cast %squeeze3A_42 : vector<128xi32> to vector<128x1xi32>
    %eq3A_44 = vector.broadcast %broadcast_in_dim3A_43 : vector<128x1xi32> to vector<128x256xi32>
    %eq3A_45 = arith.cmpi eq, %get3A_7, %eq3A_44 : vector<128x256xi32>
    %or3A_46 = arith.ori %or3A_40, %eq3A_45 : vector<128x256xi1>
    %slice3A_47 = vector.extract_strided_slice %get3A_1 {offsets = [0, 7], sizes = [128, 1], strides = [1, 1]} : vector<128x20xi32> to vector<128x1xi32>
    %squeeze3A_48 = vector.shape_cast %slice3A_47 : vector<128x1xi32> to vector<128xi32>
    %broadcast_in_dim3A_49 = vector.shape_cast %squeeze3A_48 : vector<128xi32> to vector<128x1xi32>
    %eq3A_50 = vector.broadcast %broadcast_in_dim3A_49 : vector<128x1xi32> to vector<128x256xi32>
    %eq3A_51 = arith.cmpi eq, %get3A_7, %eq3A_50 : vector<128x256xi32>
    %or3A_52 = arith.ori %or3A_46, %eq3A_51 : vector<128x256xi1>
    %slice3A_53 = vector.extract_strided_slice %get3A_1 {offsets = [0, 8], sizes = [128, 1], strides = [1, 1]} : vector<128x20xi32> to vector<128x1xi32>
    %squeeze3A_54 = vector.shape_cast %slice3A_53 : vector<128x1xi32> to vector<128xi32>
    %broadcast_in_dim3A_55 = vector.shape_cast %squeeze3A_54 : vector<128xi32> to vector<128x1xi32>
    %eq3A_56 = vector.broadcast %broadcast_in_dim3A_55 : vector<128x1xi32> to vector<128x256xi32>
    %eq3A_57 = arith.cmpi eq, %get3A_7, %eq3A_56 : vector<128x256xi32>
    %or3A_58 = arith.ori %or3A_52, %eq3A_57 : vector<128x256xi1>
    %slice3A_59 = vector.extract_strided_slice %get3A_1 {offsets = [0, 9], sizes = [128, 1], strides = [1, 1]} : vector<128x20xi32> to vector<128x1xi32>
    %squeeze3A_60 = vector.shape_cast %slice3A_59 : vector<128x1xi32> to vector<128xi32>
    %broadcast_in_dim3A_61 = vector.shape_cast %squeeze3A_60 : vector<128xi32> to vector<128x1xi32>
    %eq3A_62 = vector.broadcast %broadcast_in_dim3A_61 : vector<128x1xi32> to vector<128x256xi32>
    %eq3A_63 = arith.cmpi eq, %get3A_7, %eq3A_62 : vector<128x256xi32>
    %or3A_64 = arith.ori %or3A_58, %eq3A_63 : vector<128x256xi1>
    %slice3A_65 = vector.extract_strided_slice %get3A_1 {offsets = [0, 10], sizes = [128, 1], strides = [1, 1]} : vector<128x20xi32> to vector<128x1xi32>
    %squeeze3A_66 = vector.shape_cast %slice3A_65 : vector<128x1xi32> to vector<128xi32>
    %broadcast_in_dim3A_67 = vector.shape_cast %squeeze3A_66 : vector<128xi32> to vector<128x1xi32>
    %eq3A_68 = vector.broadcast %broadcast_in_dim3A_67 : vector<128x1xi32> to vector<128x256xi32>
    %eq3A_69 = arith.cmpi eq, %get3A_7, %eq3A_68 : vector<128x256xi32>
    %or3A_70 = arith.ori %or3A_64, %eq3A_69 : vector<128x256xi1>
    %slice3A_71 = vector.extract_strided_slice %get3A_1 {offsets = [0, 11], sizes = [128, 1], strides = [1, 1]} : vector<128x20xi32> to vector<128x1xi32>
    %squeeze3A_72 = vector.shape_cast %slice3A_71 : vector<128x1xi32> to vector<128xi32>
    %broadcast_in_dim3A_73 = vector.shape_cast %squeeze3A_72 : vector<128xi32> to vector<128x1xi32>
    %eq3A_74 = vector.broadcast %broadcast_in_dim3A_73 : vector<128x1xi32> to vector<128x256xi32>
    %eq3A_75 = arith.cmpi eq, %get3A_7, %eq3A_74 : vector<128x256xi32>
    %or3A_76 = arith.ori %or3A_70, %eq3A_75 : vector<128x256xi1>
    %slice3A_77 = vector.extract_strided_slice %get3A_1 {offsets = [0, 12], sizes = [128, 1], strides = [1, 1]} : vector<128x20xi32> to vector<128x1xi32>
    %squeeze3A_78 = vector.shape_cast %slice3A_77 : vector<128x1xi32> to vector<128xi32>
    %broadcast_in_dim3A_79 = vector.shape_cast %squeeze3A_78 : vector<128xi32> to vector<128x1xi32>
    %eq3A_80 = vector.broadcast %broadcast_in_dim3A_79 : vector<128x1xi32> to vector<128x256xi32>
    %eq3A_81 = arith.cmpi eq, %get3A_7, %eq3A_80 : vector<128x256xi32>
    %or3A_82 = arith.ori %or3A_76, %eq3A_81 : vector<128x256xi1>
    %slice3A_83 = vector.extract_strided_slice %get3A_1 {offsets = [0, 13], sizes = [128, 1], strides = [1, 1]} : vector<128x20xi32> to vector<128x1xi32>
    %squeeze3A_84 = vector.shape_cast %slice3A_83 : vector<128x1xi32> to vector<128xi32>
    %broadcast_in_dim3A_85 = vector.shape_cast %squeeze3A_84 : vector<128xi32> to vector<128x1xi32>
    %eq3A_86 = vector.broadcast %broadcast_in_dim3A_85 : vector<128x1xi32> to vector<128x256xi32>
    %eq3A_87 = arith.cmpi eq, %get3A_7, %eq3A_86 : vector<128x256xi32>
    %or3A_88 = arith.ori %or3A_82, %eq3A_87 : vector<128x256xi1>
    %slice3A_89 = vector.extract_strided_slice %get3A_1 {offsets = [0, 14], sizes = [128, 1], strides = [1, 1]} : vector<128x20xi32> to vector<128x1xi32>
    %squeeze3A_90 = vector.shape_cast %slice3A_89 : vector<128x1xi32> to vector<128xi32>
    %broadcast_in_dim3A_91 = vector.shape_cast %squeeze3A_90 : vector<128xi32> to vector<128x1xi32>
    %eq3A_92 = vector.broadcast %broadcast_in_dim3A_91 : vector<128x1xi32> to vector<128x256xi32>
    %eq3A_93 = arith.cmpi eq, %get3A_7, %eq3A_92 : vector<128x256xi32>
    %or3A_94 = arith.ori %or3A_88, %eq3A_93 : vector<128x256xi1>
    %slice3A_95 = vector.extract_strided_slice %get3A_1 {offsets = [0, 15], sizes = [128, 1], strides = [1, 1]} : vector<128x20xi32> to vector<128x1xi32>
    %squeeze3A_96 = vector.shape_cast %slice3A_95 : vector<128x1xi32> to vector<128xi32>
    %broadcast_in_dim3A_97 = vector.shape_cast %squeeze3A_96 : vector<128xi32> to vector<128x1xi32>
    %eq3A_98 = vector.broadcast %broadcast_in_dim3A_97 : vector<128x1xi32> to vector<128x256xi32>
    %eq3A_99 = arith.cmpi eq, %get3A_7, %eq3A_98 : vector<128x256xi32>
    %or3A_100 = arith.ori %or3A_94, %eq3A_99 : vector<128x256xi1>
    %slice3A_101 = vector.extract_strided_slice %get3A_1 {offsets = [0, 16], sizes = [128, 1], strides = [1, 1]} : vector<128x20xi32> to vector<128x1xi32>
    %squeeze3A_102 = vector.shape_cast %slice3A_101 : vector<128x1xi32> to vector<128xi32>
    %broadcast_in_dim3A_103 = vector.shape_cast %squeeze3A_102 : vector<128xi32> to vector<128x1xi32>
    %eq3A_104 = vector.broadcast %broadcast_in_dim3A_103 : vector<128x1xi32> to vector<128x256xi32>
    %eq3A_105 = arith.cmpi eq, %get3A_7, %eq3A_104 : vector<128x256xi32>
    %or3A_106 = arith.ori %or3A_100, %eq3A_105 : vector<128x256xi1>
    %slice3A_107 = vector.extract_strided_slice %get3A_1 {offsets = [0, 17], sizes = [128, 1], strides = [1, 1]} : vector<128x20xi32> to vector<128x1xi32>
    %squeeze3A_108 = vector.shape_cast %slice3A_107 : vector<128x1xi32> to vector<128xi32>
    %broadcast_in_dim3A_109 = vector.shape_cast %squeeze3A_108 : vector<128xi32> to vector<128x1xi32>
    %eq3A_110 = vector.broadcast %broadcast_in_dim3A_109 : vector<128x1xi32> to vector<128x256xi32>
    %eq3A_111 = arith.cmpi eq, %get3A_7, %eq3A_110 : vector<128x256xi32>
    %or3A_112 = arith.ori %or3A_106, %eq3A_111 : vector<128x256xi1>
    %slice3A_113 = vector.extract_strided_slice %get3A_1 {offsets = [0, 18], sizes = [128, 1], strides = [1, 1]} : vector<128x20xi32> to vector<128x1xi32>
    %squeeze3A_114 = vector.shape_cast %slice3A_113 : vector<128x1xi32> to vector<128xi32>
    %broadcast_in_dim3A_115 = vector.shape_cast %squeeze3A_114 : vector<128xi32> to vector<128x1xi32>
    %eq3A_116 = vector.broadcast %broadcast_in_dim3A_115 : vector<128x1xi32> to vector<128x256xi32>
    %eq3A_117 = arith.cmpi eq, %get3A_7, %eq3A_116 : vector<128x256xi32>
    %or3A_118 = arith.ori %or3A_112, %eq3A_117 : vector<128x256xi1>
    %slice3A_119 = vector.extract_strided_slice %get3A_1 {offsets = [0, 19], sizes = [128, 1], strides = [1, 1]} : vector<128x20xi32> to vector<128x1xi32>
    %squeeze3A_120 = vector.shape_cast %slice3A_119 : vector<128x1xi32> to vector<128xi32>
    %broadcast_in_dim3A_121 = vector.shape_cast %squeeze3A_120 : vector<128xi32> to vector<128x1xi32>
    %eq3A_122 = vector.broadcast %broadcast_in_dim3A_121 : vector<128x1xi32> to vector<128x256xi32>
    %eq3A_123 = arith.cmpi eq, %get3A_7, %eq3A_122 : vector<128x256xi32>
    %or3A_124 = arith.ori %or3A_118, %eq3A_123 : vector<128x256xi1>
    %slice3A_125 = vector.extract_strided_slice %get3A_4 {offsets = [0, 0], sizes = [128, 1], strides = [1, 1]} : vector<128x50xi32> to vector<128x1xi32>
    %squeeze3A_126 = vector.shape_cast %slice3A_125 : vector<128x1xi32> to vector<128xi32>
    %broadcast_in_dim3A_127 = vector.shape_cast %squeeze3A_126 : vector<128xi32> to vector<128x1xi32>
    %eq3A_128 = vector.broadcast %broadcast_in_dim3A_127 : vector<128x1xi32> to vector<128x256xi32>
    %eq3A_129 = arith.cmpi eq, %get3A_7, %eq3A_128 : vector<128x256xi32>
    %or3A_130 = arith.ori %or3A_124, %eq3A_129 : vector<128x256xi1>
    %slice3A_131 = vector.extract_strided_slice %get3A_4 {offsets = [0, 1], sizes = [128, 1], strides = [1, 1]} : vector<128x50xi32> to vector<128x1xi32>
    %squeeze3A_132 = vector.shape_cast %slice3A_131 : vector<128x1xi32> to vector<128xi32>
    %broadcast_in_dim3A_133 = vector.shape_cast %squeeze3A_132 : vector<128xi32> to vector<128x1xi32>
    %eq3A_134 = vector.broadcast %broadcast_in_dim3A_133 : vector<128x1xi32> to vector<128x256xi32>
    %eq3A_135 = arith.cmpi eq, %get3A_7, %eq3A_134 : vector<128x256xi32>
    %or3A_136 = arith.ori %or3A_130, %eq3A_135 : vector<128x256xi1>
    %slice3A_137 = vector.extract_strided_slice %get3A_4 {offsets = [0, 2], sizes = [128, 1], strides = [1, 1]} : vector<128x50xi32> to vector<128x1xi32>
    %squeeze3A_138 = vector.shape_cast %slice3A_137 : vector<128x1xi32> to vector<128xi32>
    %broadcast_in_dim3A_139 = vector.shape_cast %squeeze3A_138 : vector<128xi32> to vector<128x1xi32>
    %eq3A_140 = vector.broadcast %broadcast_in_dim3A_139 : vector<128x1xi32> to vector<128x256xi32>
    %eq3A_141 = arith.cmpi eq, %get3A_7, %eq3A_140 : vector<128x256xi32>
    %or3A_142 = arith.ori %or3A_136, %eq3A_141 : vector<128x256xi1>
    %slice3A_143 = vector.extract_strided_slice %get3A_4 {offsets = [0, 3], sizes = [128, 1], strides = [1, 1]} : vector<128x50xi32> to vector<128x1xi32>
    %squeeze3A_144 = vector.shape_cast %slice3A_143 : vector<128x1xi32> to vector<128xi32>
    %broadcast_in_dim3A_145 = vector.shape_cast %squeeze3A_144 : vector<128xi32> to vector<128x1xi32>
    %eq3A_146 = vector.broadcast %broadcast_in_dim3A_145 : vector<128x1xi32> to vector<128x256xi32>
    %eq3A_147 = arith.cmpi eq, %get3A_7, %eq3A_146 : vector<128x256xi32>
    %or3A_148 = arith.ori %or3A_142, %eq3A_147 : vector<128x256xi1>
    %slice3A_149 = vector.extract_strided_slice %get3A_4 {offsets = [0, 4], sizes = [128, 1], strides = [1, 1]} : vector<128x50xi32> to vector<128x1xi32>
    %squeeze3A_150 = vector.shape_cast %slice3A_149 : vector<128x1xi32> to vector<128xi32>
    %broadcast_in_dim3A_151 = vector.shape_cast %squeeze3A_150 : vector<128xi32> to vector<128x1xi32>
    %eq3A_152 = vector.broadcast %broadcast_in_dim3A_151 : vector<128x1xi32> to vector<128x256xi32>
    %eq3A_153 = arith.cmpi eq, %get3A_7, %eq3A_152 : vector<128x256xi32>
    %or3A_154 = arith.ori %or3A_148, %eq3A_153 : vector<128x256xi1>
    %slice3A_155 = vector.extract_strided_slice %get3A_4 {offsets = [0, 5], sizes = [128, 1], strides = [1, 1]} : vector<128x50xi32> to vector<128x1xi32>
    %squeeze3A_156 = vector.shape_cast %slice3A_155 : vector<128x1xi32> to vector<128xi32>
    %broadcast_in_dim3A_157 = vector.shape_cast %squeeze3A_156 : vector<128xi32> to vector<128x1xi32>
    %eq3A_158 = vector.broadcast %broadcast_in_dim3A_157 : vector<128x1xi32> to vector<128x256xi32>
    %eq3A_159 = arith.cmpi eq, %get3A_7, %eq3A_158 : vector<128x256xi32>
    %or3A_160 = arith.ori %or3A_154, %eq3A_159 : vector<128x256xi1>
    %slice3A_161 = vector.extract_strided_slice %get3A_4 {offsets = [0, 6], sizes = [128, 1], strides = [1, 1]} : vector<128x50xi32> to vector<128x1xi32>
    %squeeze3A_162 = vector.shape_cast %slice3A_161 : vector<128x1xi32> to vector<128xi32>
    %broadcast_in_dim3A_163 = vector.shape_cast %squeeze3A_162 : vector<128xi32> to vector<128x1xi32>
    %eq3A_164 = vector.broadcast %broadcast_in_dim3A_163 : vector<128x1xi32> to vector<128x256xi32>
    %eq3A_165 = arith.cmpi eq, %get3A_7, %eq3A_164 : vector<128x256xi32>
    %or3A_166 = arith.ori %or3A_160, %eq3A_165 : vector<128x256xi1>
    %slice3A_167 = vector.extract_strided_slice %get3A_4 {offsets = [0, 7], sizes = [128, 1], strides = [1, 1]} : vector<128x50xi32> to vector<128x1xi32>
    %squeeze3A_168 = vector.shape_cast %slice3A_167 : vector<128x1xi32> to vector<128xi32>
    %broadcast_in_dim3A_169 = vector.shape_cast %squeeze3A_168 : vector<128xi32> to vector<128x1xi32>
    %eq3A_170 = vector.broadcast %broadcast_in_dim3A_169 : vector<128x1xi32> to vector<128x256xi32>
    %eq3A_171 = arith.cmpi eq, %get3A_7, %eq3A_170 : vector<128x256xi32>
    %or3A_172 = arith.ori %or3A_166, %eq3A_171 : vector<128x256xi1>
    %slice3A_173 = vector.extract_strided_slice %get3A_4 {offsets = [0, 8], sizes = [128, 1], strides = [1, 1]} : vector<128x50xi32> to vector<128x1xi32>
    %squeeze3A_174 = vector.shape_cast %slice3A_173 : vector<128x1xi32> to vector<128xi32>
    %broadcast_in_dim3A_175 = vector.shape_cast %squeeze3A_174 : vector<128xi32> to vector<128x1xi32>
    %eq3A_176 = vector.broadcast %broadcast_in_dim3A_175 : vector<128x1xi32> to vector<128x256xi32>
    %eq3A_177 = arith.cmpi eq, %get3A_7, %eq3A_176 : vector<128x256xi32>
    %or3A_178 = arith.ori %or3A_172, %eq3A_177 : vector<128x256xi1>
    %slice3A_179 = vector.extract_strided_slice %get3A_4 {offsets = [0, 9], sizes = [128, 1], strides = [1, 1]} : vector<128x50xi32> to vector<128x1xi32>
    %squeeze3A_180 = vector.shape_cast %slice3A_179 : vector<128x1xi32> to vector<128xi32>
    %broadcast_in_dim3A_181 = vector.shape_cast %squeeze3A_180 : vector<128xi32> to vector<128x1xi32>
    %eq3A_182 = vector.broadcast %broadcast_in_dim3A_181 : vector<128x1xi32> to vector<128x256xi32>
    %eq3A_183 = arith.cmpi eq, %get3A_7, %eq3A_182 : vector<128x256xi32>
    %or3A_184 = arith.ori %or3A_178, %eq3A_183 : vector<128x256xi1>
    %slice3A_185 = vector.extract_strided_slice %get3A_4 {offsets = [0, 10], sizes = [128, 1], strides = [1, 1]} : vector<128x50xi32> to vector<128x1xi32>
    %squeeze3A_186 = vector.shape_cast %slice3A_185 : vector<128x1xi32> to vector<128xi32>
    %broadcast_in_dim3A_187 = vector.shape_cast %squeeze3A_186 : vector<128xi32> to vector<128x1xi32>
    %eq3A_188 = vector.broadcast %broadcast_in_dim3A_187 : vector<128x1xi32> to vector<128x256xi32>
    %eq3A_189 = arith.cmpi eq, %get3A_7, %eq3A_188 : vector<128x256xi32>
    %or3A_190 = arith.ori %or3A_184, %eq3A_189 : vector<128x256xi1>
    %slice3A_191 = vector.extract_strided_slice %get3A_4 {offsets = [0, 11], sizes = [128, 1], strides = [1, 1]} : vector<128x50xi32> to vector<128x1xi32>
    %squeeze3A_192 = vector.shape_cast %slice3A_191 : vector<128x1xi32> to vector<128xi32>
    %broadcast_in_dim3A_193 = vector.shape_cast %squeeze3A_192 : vector<128xi32> to vector<128x1xi32>
    %eq3A_194 = vector.broadcast %broadcast_in_dim3A_193 : vector<128x1xi32> to vector<128x256xi32>
    %eq3A_195 = arith.cmpi eq, %get3A_7, %eq3A_194 : vector<128x256xi32>
    %or3A_196 = arith.ori %or3A_190, %eq3A_195 : vector<128x256xi1>
    %slice3A_197 = vector.extract_strided_slice %get3A_4 {offsets = [0, 12], sizes = [128, 1], strides = [1, 1]} : vector<128x50xi32> to vector<128x1xi32>
    %squeeze3A_198 = vector.shape_cast %slice3A_197 : vector<128x1xi32> to vector<128xi32>
    %broadcast_in_dim3A_199 = vector.shape_cast %squeeze3A_198 : vector<128xi32> to vector<128x1xi32>
    %eq3A_200 = vector.broadcast %broadcast_in_dim3A_199 : vector<128x1xi32> to vector<128x256xi32>
    %eq3A_201 = arith.cmpi eq, %get3A_7, %eq3A_200 : vector<128x256xi32>
    %or3A_202 = arith.ori %or3A_196, %eq3A_201 : vector<128x256xi1>
    %slice3A_203 = vector.extract_strided_slice %get3A_4 {offsets = [0, 13], sizes = [128, 1], strides = [1, 1]} : vector<128x50xi32> to vector<128x1xi32>
    %squeeze3A_204 = vector.shape_cast %slice3A_203 : vector<128x1xi32> to vector<128xi32>
    %broadcast_in_dim3A_205 = vector.shape_cast %squeeze3A_204 : vector<128xi32> to vector<128x1xi32>
    %eq3A_206 = vector.broadcast %broadcast_in_dim3A_205 : vector<128x1xi32> to vector<128x256xi32>
    %eq3A_207 = arith.cmpi eq, %get3A_7, %eq3A_206 : vector<128x256xi32>
    %or3A_208 = arith.ori %or3A_202, %eq3A_207 : vector<128x256xi1>
    %slice3A_209 = vector.extract_strided_slice %get3A_4 {offsets = [0, 14], sizes = [128, 1], strides = [1, 1]} : vector<128x50xi32> to vector<128x1xi32>
    %squeeze3A_210 = vector.shape_cast %slice3A_209 : vector<128x1xi32> to vector<128xi32>
    %broadcast_in_dim3A_211 = vector.shape_cast %squeeze3A_210 : vector<128xi32> to vector<128x1xi32>
    %eq3A_212 = vector.broadcast %broadcast_in_dim3A_211 : vector<128x1xi32> to vector<128x256xi32>
    %eq3A_213 = arith.cmpi eq, %get3A_7, %eq3A_212 : vector<128x256xi32>
    %or3A_214 = arith.ori %or3A_208, %eq3A_213 : vector<128x256xi1>
    %slice3A_215 = vector.extract_strided_slice %get3A_4 {offsets = [0, 15], sizes = [128, 1], strides = [1, 1]} : vector<128x50xi32> to vector<128x1xi32>
    %squeeze3A_216 = vector.shape_cast %slice3A_215 : vector<128x1xi32> to vector<128xi32>
    %broadcast_in_dim3A_217 = vector.shape_cast %squeeze3A_216 : vector<128xi32> to vector<128x1xi32>
    %eq3A_218 = vector.broadcast %broadcast_in_dim3A_217 : vector<128x1xi32> to vector<128x256xi32>
    %eq3A_219 = arith.cmpi eq, %get3A_7, %eq3A_218 : vector<128x256xi32>
    %or3A_220 = arith.ori %or3A_214, %eq3A_219 : vector<128x256xi1>
    %slice3A_221 = vector.extract_strided_slice %get3A_4 {offsets = [0, 16], sizes = [128, 1], strides = [1, 1]} : vector<128x50xi32> to vector<128x1xi32>
    %squeeze3A_222 = vector.shape_cast %slice3A_221 : vector<128x1xi32> to vector<128xi32>
    %broadcast_in_dim3A_223 = vector.shape_cast %squeeze3A_222 : vector<128xi32> to vector<128x1xi32>
    %eq3A_224 = vector.broadcast %broadcast_in_dim3A_223 : vector<128x1xi32> to vector<128x256xi32>
    %eq3A_225 = arith.cmpi eq, %get3A_7, %eq3A_224 : vector<128x256xi32>
    %or3A_226 = arith.ori %or3A_220, %eq3A_225 : vector<128x256xi1>
    %slice3A_227 = vector.extract_strided_slice %get3A_4 {offsets = [0, 17], sizes = [128, 1], strides = [1, 1]} : vector<128x50xi32> to vector<128x1xi32>
    %squeeze3A_228 = vector.shape_cast %slice3A_227 : vector<128x1xi32> to vector<128xi32>
    %broadcast_in_dim3A_229 = vector.shape_cast %squeeze3A_228 : vector<128xi32> to vector<128x1xi32>
    %eq3A_230 = vector.broadcast %broadcast_in_dim3A_229 : vector<128x1xi32> to vector<128x256xi32>
    %eq3A_231 = arith.cmpi eq, %get3A_7, %eq3A_230 : vector<128x256xi32>
    %or3A_232 = arith.ori %or3A_226, %eq3A_231 : vector<128x256xi1>
    %slice3A_233 = vector.extract_strided_slice %get3A_4 {offsets = [0, 18], sizes = [128, 1], strides = [1, 1]} : vector<128x50xi32> to vector<128x1xi32>
    %squeeze3A_234 = vector.shape_cast %slice3A_233 : vector<128x1xi32> to vector<128xi32>
    %broadcast_in_dim3A_235 = vector.shape_cast %squeeze3A_234 : vector<128xi32> to vector<128x1xi32>
    %eq3A_236 = vector.broadcast %broadcast_in_dim3A_235 : vector<128x1xi32> to vector<128x256xi32>
    %eq3A_237 = arith.cmpi eq, %get3A_7, %eq3A_236 : vector<128x256xi32>
    %or3A_238 = arith.ori %or3A_232, %eq3A_237 : vector<128x256xi1>
    %slice3A_239 = vector.extract_strided_slice %get3A_4 {offsets = [0, 19], sizes = [128, 1], strides = [1, 1]} : vector<128x50xi32> to vector<128x1xi32>
    %squeeze3A_240 = vector.shape_cast %slice3A_239 : vector<128x1xi32> to vector<128xi32>
    %broadcast_in_dim3A_241 = vector.shape_cast %squeeze3A_240 : vector<128xi32> to vector<128x1xi32>
    %eq3A_242 = vector.broadcast %broadcast_in_dim3A_241 : vector<128x1xi32> to vector<128x256xi32>
    %eq3A_243 = arith.cmpi eq, %get3A_7, %eq3A_242 : vector<128x256xi32>
    %or3A_244 = arith.ori %or3A_238, %eq3A_243 : vector<128x256xi1>
    %slice3A_245 = vector.extract_strided_slice %get3A_4 {offsets = [0, 20], sizes = [128, 1], strides = [1, 1]} : vector<128x50xi32> to vector<128x1xi32>
    %squeeze3A_246 = vector.shape_cast %slice3A_245 : vector<128x1xi32> to vector<128xi32>
    %broadcast_in_dim3A_247 = vector.shape_cast %squeeze3A_246 : vector<128xi32> to vector<128x1xi32>
    %eq3A_248 = vector.broadcast %broadcast_in_dim3A_247 : vector<128x1xi32> to vector<128x256xi32>
    %eq3A_249 = arith.cmpi eq, %get3A_7, %eq3A_248 : vector<128x256xi32>
    %or3A_250 = arith.ori %or3A_244, %eq3A_249 : vector<128x256xi1>
    %slice3A_251 = vector.extract_strided_slice %get3A_4 {offsets = [0, 21], sizes = [128, 1], strides = [1, 1]} : vector<128x50xi32> to vector<128x1xi32>
    %squeeze3A_252 = vector.shape_cast %slice3A_251 : vector<128x1xi32> to vector<128xi32>
    %broadcast_in_dim3A_253 = vector.shape_cast %squeeze3A_252 : vector<128xi32> to vector<128x1xi32>
    %eq3A_254 = vector.broadcast %broadcast_in_dim3A_253 : vector<128x1xi32> to vector<128x256xi32>
    %eq3A_255 = arith.cmpi eq, %get3A_7, %eq3A_254 : vector<128x256xi32>
    %or3A_256 = arith.ori %or3A_250, %eq3A_255 : vector<128x256xi1>
    %slice3A_257 = vector.extract_strided_slice %get3A_4 {offsets = [0, 22], sizes = [128, 1], strides = [1, 1]} : vector<128x50xi32> to vector<128x1xi32>
    %squeeze3A_258 = vector.shape_cast %slice3A_257 : vector<128x1xi32> to vector<128xi32>
    %broadcast_in_dim3A_259 = vector.shape_cast %squeeze3A_258 : vector<128xi32> to vector<128x1xi32>
    %eq3A_260 = vector.broadcast %broadcast_in_dim3A_259 : vector<128x1xi32> to vector<128x256xi32>
    %eq3A_261 = arith.cmpi eq, %get3A_7, %eq3A_260 : vector<128x256xi32>
    %or3A_262 = arith.ori %or3A_256, %eq3A_261 : vector<128x256xi1>
    %slice3A_263 = vector.extract_strided_slice %get3A_4 {offsets = [0, 23], sizes = [128, 1], strides = [1, 1]} : vector<128x50xi32> to vector<128x1xi32>
    %squeeze3A_264 = vector.shape_cast %slice3A_263 : vector<128x1xi32> to vector<128xi32>
    %broadcast_in_dim3A_265 = vector.shape_cast %squeeze3A_264 : vector<128xi32> to vector<128x1xi32>
    %eq3A_266 = vector.broadcast %broadcast_in_dim3A_265 : vector<128x1xi32> to vector<128x256xi32>
    %eq3A_267 = arith.cmpi eq, %get3A_7, %eq3A_266 : vector<128x256xi32>
    %or3A_268 = arith.ori %or3A_262, %eq3A_267 : vector<128x256xi1>
    %slice3A_269 = vector.extract_strided_slice %get3A_4 {offsets = [0, 24], sizes = [128, 1], strides = [1, 1]} : vector<128x50xi32> to vector<128x1xi32>
    %squeeze3A_270 = vector.shape_cast %slice3A_269 : vector<128x1xi32> to vector<128xi32>
    %broadcast_in_dim3A_271 = vector.shape_cast %squeeze3A_270 : vector<128xi32> to vector<128x1xi32>
    %eq3A_272 = vector.broadcast %broadcast_in_dim3A_271 : vector<128x1xi32> to vector<128x256xi32>
    %eq3A_273 = arith.cmpi eq, %get3A_7, %eq3A_272 : vector<128x256xi32>
    %or3A_274 = arith.ori %or3A_268, %eq3A_273 : vector<128x256xi1>
    %slice3A_275 = vector.extract_strided_slice %get3A_4 {offsets = [0, 25], sizes = [128, 1], strides = [1, 1]} : vector<128x50xi32> to vector<128x1xi32>
    %squeeze3A_276 = vector.shape_cast %slice3A_275 : vector<128x1xi32> to vector<128xi32>
    %broadcast_in_dim3A_277 = vector.shape_cast %squeeze3A_276 : vector<128xi32> to vector<128x1xi32>
    %eq3A_278 = vector.broadcast %broadcast_in_dim3A_277 : vector<128x1xi32> to vector<128x256xi32>
    %eq3A_279 = arith.cmpi eq, %get3A_7, %eq3A_278 : vector<128x256xi32>
    %or3A_280 = arith.ori %or3A_274, %eq3A_279 : vector<128x256xi1>
    %slice3A_281 = vector.extract_strided_slice %get3A_4 {offsets = [0, 26], sizes = [128, 1], strides = [1, 1]} : vector<128x50xi32> to vector<128x1xi32>
    %squeeze3A_282 = vector.shape_cast %slice3A_281 : vector<128x1xi32> to vector<128xi32>
    %broadcast_in_dim3A_283 = vector.shape_cast %squeeze3A_282 : vector<128xi32> to vector<128x1xi32>
    %eq3A_284 = vector.broadcast %broadcast_in_dim3A_283 : vector<128x1xi32> to vector<128x256xi32>
    %eq3A_285 = arith.cmpi eq, %get3A_7, %eq3A_284 : vector<128x256xi32>
    %or3A_286 = arith.ori %or3A_280, %eq3A_285 : vector<128x256xi1>
    %slice3A_287 = vector.extract_strided_slice %get3A_4 {offsets = [0, 27], sizes = [128, 1], strides = [1, 1]} : vector<128x50xi32> to vector<128x1xi32>
    %squeeze3A_288 = vector.shape_cast %slice3A_287 : vector<128x1xi32> to vector<128xi32>
    %broadcast_in_dim3A_289 = vector.shape_cast %squeeze3A_288 : vector<128xi32> to vector<128x1xi32>
    %eq3A_290 = vector.broadcast %broadcast_in_dim3A_289 : vector<128x1xi32> to vector<128x256xi32>
    %eq3A_291 = arith.cmpi eq, %get3A_7, %eq3A_290 : vector<128x256xi32>
    %or3A_292 = arith.ori %or3A_286, %eq3A_291 : vector<128x256xi1>
    %slice3A_293 = vector.extract_strided_slice %get3A_4 {offsets = [0, 28], sizes = [128, 1], strides = [1, 1]} : vector<128x50xi32> to vector<128x1xi32>
    %squeeze3A_294 = vector.shape_cast %slice3A_293 : vector<128x1xi32> to vector<128xi32>
    %broadcast_in_dim3A_295 = vector.shape_cast %squeeze3A_294 : vector<128xi32> to vector<128x1xi32>
    %eq3A_296 = vector.broadcast %broadcast_in_dim3A_295 : vector<128x1xi32> to vector<128x256xi32>
    %eq3A_297 = arith.cmpi eq, %get3A_7, %eq3A_296 : vector<128x256xi32>
    %or3A_298 = arith.ori %or3A_292, %eq3A_297 : vector<128x256xi1>
    %slice3A_299 = vector.extract_strided_slice %get3A_4 {offsets = [0, 29], sizes = [128, 1], strides = [1, 1]} : vector<128x50xi32> to vector<128x1xi32>
    %squeeze3A_300 = vector.shape_cast %slice3A_299 : vector<128x1xi32> to vector<128xi32>
    %broadcast_in_dim3A_301 = vector.shape_cast %squeeze3A_300 : vector<128xi32> to vector<128x1xi32>
    %eq3A_302 = vector.broadcast %broadcast_in_dim3A_301 : vector<128x1xi32> to vector<128x256xi32>
    %eq3A_303 = arith.cmpi eq, %get3A_7, %eq3A_302 : vector<128x256xi32>
    %or3A_304 = arith.ori %or3A_298, %eq3A_303 : vector<128x256xi1>
    %slice3A_305 = vector.extract_strided_slice %get3A_4 {offsets = [0, 30], sizes = [128, 1], strides = [1, 1]} : vector<128x50xi32> to vector<128x1xi32>
    %squeeze3A_306 = vector.shape_cast %slice3A_305 : vector<128x1xi32> to vector<128xi32>
    %broadcast_in_dim3A_307 = vector.shape_cast %squeeze3A_306 : vector<128xi32> to vector<128x1xi32>
    %eq3A_308 = vector.broadcast %broadcast_in_dim3A_307 : vector<128x1xi32> to vector<128x256xi32>
    %eq3A_309 = arith.cmpi eq, %get3A_7, %eq3A_308 : vector<128x256xi32>
    %or3A_310 = arith.ori %or3A_304, %eq3A_309 : vector<128x256xi1>
    %slice3A_311 = vector.extract_strided_slice %get3A_4 {offsets = [0, 31], sizes = [128, 1], strides = [1, 1]} : vector<128x50xi32> to vector<128x1xi32>
    %squeeze3A_312 = vector.shape_cast %slice3A_311 : vector<128x1xi32> to vector<128xi32>
    %broadcast_in_dim3A_313 = vector.shape_cast %squeeze3A_312 : vector<128xi32> to vector<128x1xi32>
    %eq3A_314 = vector.broadcast %broadcast_in_dim3A_313 : vector<128x1xi32> to vector<128x256xi32>
    %eq3A_315 = arith.cmpi eq, %get3A_7, %eq3A_314 : vector<128x256xi32>
    %or3A_316 = arith.ori %or3A_310, %eq3A_315 : vector<128x256xi1>
    %slice3A_317 = vector.extract_strided_slice %get3A_4 {offsets = [0, 32], sizes = [128, 1], strides = [1, 1]} : vector<128x50xi32> to vector<128x1xi32>
    %squeeze3A_318 = vector.shape_cast %slice3A_317 : vector<128x1xi32> to vector<128xi32>
    %broadcast_in_dim3A_319 = vector.shape_cast %squeeze3A_318 : vector<128xi32> to vector<128x1xi32>
    %eq3A_320 = vector.broadcast %broadcast_in_dim3A_319 : vector<128x1xi32> to vector<128x256xi32>
    %eq3A_321 = arith.cmpi eq, %get3A_7, %eq3A_320 : vector<128x256xi32>
    %or3A_322 = arith.ori %or3A_316, %eq3A_321 : vector<128x256xi1>
    %slice3A_323 = vector.extract_strided_slice %get3A_4 {offsets = [0, 33], sizes = [128, 1], strides = [1, 1]} : vector<128x50xi32> to vector<128x1xi32>
    %squeeze3A_324 = vector.shape_cast %slice3A_323 : vector<128x1xi32> to vector<128xi32>
    %broadcast_in_dim3A_325 = vector.shape_cast %squeeze3A_324 : vector<128xi32> to vector<128x1xi32>
    %eq3A_326 = vector.broadcast %broadcast_in_dim3A_325 : vector<128x1xi32> to vector<128x256xi32>
    %eq3A_327 = arith.cmpi eq, %get3A_7, %eq3A_326 : vector<128x256xi32>
    %or3A_328 = arith.ori %or3A_322, %eq3A_327 : vector<128x256xi1>
    %slice3A_329 = vector.extract_strided_slice %get3A_4 {offsets = [0, 34], sizes = [128, 1], strides = [1, 1]} : vector<128x50xi32> to vector<128x1xi32>
    %squeeze3A_330 = vector.shape_cast %slice3A_329 : vector<128x1xi32> to vector<128xi32>
    %broadcast_in_dim3A_331 = vector.shape_cast %squeeze3A_330 : vector<128xi32> to vector<128x1xi32>
    %eq3A_332 = vector.broadcast %broadcast_in_dim3A_331 : vector<128x1xi32> to vector<128x256xi32>
    %eq3A_333 = arith.cmpi eq, %get3A_7, %eq3A_332 : vector<128x256xi32>
    %or3A_334 = arith.ori %or3A_328, %eq3A_333 : vector<128x256xi1>
    %slice3A_335 = vector.extract_strided_slice %get3A_4 {offsets = [0, 35], sizes = [128, 1], strides = [1, 1]} : vector<128x50xi32> to vector<128x1xi32>
    %squeeze3A_336 = vector.shape_cast %slice3A_335 : vector<128x1xi32> to vector<128xi32>
    %broadcast_in_dim3A_337 = vector.shape_cast %squeeze3A_336 : vector<128xi32> to vector<128x1xi32>
    %eq3A_338 = vector.broadcast %broadcast_in_dim3A_337 : vector<128x1xi32> to vector<128x256xi32>
    %eq3A_339 = arith.cmpi eq, %get3A_7, %eq3A_338 : vector<128x256xi32>
    %or3A_340 = arith.ori %or3A_334, %eq3A_339 : vector<128x256xi1>
    %slice3A_341 = vector.extract_strided_slice %get3A_4 {offsets = [0, 36], sizes = [128, 1], strides = [1, 1]} : vector<128x50xi32> to vector<128x1xi32>
    %squeeze3A_342 = vector.shape_cast %slice3A_341 : vector<128x1xi32> to vector<128xi32>
    %broadcast_in_dim3A_343 = vector.shape_cast %squeeze3A_342 : vector<128xi32> to vector<128x1xi32>
    %eq3A_344 = vector.broadcast %broadcast_in_dim3A_343 : vector<128x1xi32> to vector<128x256xi32>
    %eq3A_345 = arith.cmpi eq, %get3A_7, %eq3A_344 : vector<128x256xi32>
    %or3A_346 = arith.ori %or3A_340, %eq3A_345 : vector<128x256xi1>
    %slice3A_347 = vector.extract_strided_slice %get3A_4 {offsets = [0, 37], sizes = [128, 1], strides = [1, 1]} : vector<128x50xi32> to vector<128x1xi32>
    %squeeze3A_348 = vector.shape_cast %slice3A_347 : vector<128x1xi32> to vector<128xi32>
    %broadcast_in_dim3A_349 = vector.shape_cast %squeeze3A_348 : vector<128xi32> to vector<128x1xi32>
    %eq3A_350 = vector.broadcast %broadcast_in_dim3A_349 : vector<128x1xi32> to vector<128x256xi32>
    %eq3A_351 = arith.cmpi eq, %get3A_7, %eq3A_350 : vector<128x256xi32>
    %or3A_352 = arith.ori %or3A_346, %eq3A_351 : vector<128x256xi1>
    %slice3A_353 = vector.extract_strided_slice %get3A_4 {offsets = [0, 38], sizes = [128, 1], strides = [1, 1]} : vector<128x50xi32> to vector<128x1xi32>
    %squeeze3A_354 = vector.shape_cast %slice3A_353 : vector<128x1xi32> to vector<128xi32>
    %broadcast_in_dim3A_355 = vector.shape_cast %squeeze3A_354 : vector<128xi32> to vector<128x1xi32>
    %eq3A_356 = vector.broadcast %broadcast_in_dim3A_355 : vector<128x1xi32> to vector<128x256xi32>
    %eq3A_357 = arith.cmpi eq, %get3A_7, %eq3A_356 : vector<128x256xi32>
    %or3A_358 = arith.ori %or3A_352, %eq3A_357 : vector<128x256xi1>
    %slice3A_359 = vector.extract_strided_slice %get3A_4 {offsets = [0, 39], sizes = [128, 1], strides = [1, 1]} : vector<128x50xi32> to vector<128x1xi32>
    %squeeze3A_360 = vector.shape_cast %slice3A_359 : vector<128x1xi32> to vector<128xi32>
    %broadcast_in_dim3A_361 = vector.shape_cast %squeeze3A_360 : vector<128xi32> to vector<128x1xi32>
    %eq3A_362 = vector.broadcast %broadcast_in_dim3A_361 : vector<128x1xi32> to vector<128x256xi32>
    %eq3A_363 = arith.cmpi eq, %get3A_7, %eq3A_362 : vector<128x256xi32>
    %or3A_364 = arith.ori %or3A_358, %eq3A_363 : vector<128x256xi1>
    %slice3A_365 = vector.extract_strided_slice %get3A_4 {offsets = [0, 40], sizes = [128, 1], strides = [1, 1]} : vector<128x50xi32> to vector<128x1xi32>
    %squeeze3A_366 = vector.shape_cast %slice3A_365 : vector<128x1xi32> to vector<128xi32>
    %broadcast_in_dim3A_367 = vector.shape_cast %squeeze3A_366 : vector<128xi32> to vector<128x1xi32>
    %eq3A_368 = vector.broadcast %broadcast_in_dim3A_367 : vector<128x1xi32> to vector<128x256xi32>
    %eq3A_369 = arith.cmpi eq, %get3A_7, %eq3A_368 : vector<128x256xi32>
    %or3A_370 = arith.ori %or3A_364, %eq3A_369 : vector<128x256xi1>
    %slice3A_371 = vector.extract_strided_slice %get3A_4 {offsets = [0, 41], sizes = [128, 1], strides = [1, 1]} : vector<128x50xi32> to vector<128x1xi32>
    %squeeze3A_372 = vector.shape_cast %slice3A_371 : vector<128x1xi32> to vector<128xi32>
    %broadcast_in_dim3A_373 = vector.shape_cast %squeeze3A_372 : vector<128xi32> to vector<128x1xi32>
    %eq3A_374 = vector.broadcast %broadcast_in_dim3A_373 : vector<128x1xi32> to vector<128x256xi32>
    %eq3A_375 = arith.cmpi eq, %get3A_7, %eq3A_374 : vector<128x256xi32>
    %or3A_376 = arith.ori %or3A_370, %eq3A_375 : vector<128x256xi1>
    %slice3A_377 = vector.extract_strided_slice %get3A_4 {offsets = [0, 42], sizes = [128, 1], strides = [1, 1]} : vector<128x50xi32> to vector<128x1xi32>
    %squeeze3A_378 = vector.shape_cast %slice3A_377 : vector<128x1xi32> to vector<128xi32>
    %broadcast_in_dim3A_379 = vector.shape_cast %squeeze3A_378 : vector<128xi32> to vector<128x1xi32>
    %eq3A_380 = vector.broadcast %broadcast_in_dim3A_379 : vector<128x1xi32> to vector<128x256xi32>
    %eq3A_381 = arith.cmpi eq, %get3A_7, %eq3A_380 : vector<128x256xi32>
    %or3A_382 = arith.ori %or3A_376, %eq3A_381 : vector<128x256xi1>
    %slice3A_383 = vector.extract_strided_slice %get3A_4 {offsets = [0, 43], sizes = [128, 1], strides = [1, 1]} : vector<128x50xi32> to vector<128x1xi32>
    %squeeze3A_384 = vector.shape_cast %slice3A_383 : vector<128x1xi32> to vector<128xi32>
    %broadcast_in_dim3A_385 = vector.shape_cast %squeeze3A_384 : vector<128xi32> to vector<128x1xi32>
    %eq3A_386 = vector.broadcast %broadcast_in_dim3A_385 : vector<128x1xi32> to vector<128x256xi32>
    %eq3A_387 = arith.cmpi eq, %get3A_7, %eq3A_386 : vector<128x256xi32>
    %or3A_388 = arith.ori %or3A_382, %eq3A_387 : vector<128x256xi1>
    %slice3A_389 = vector.extract_strided_slice %get3A_4 {offsets = [0, 44], sizes = [128, 1], strides = [1, 1]} : vector<128x50xi32> to vector<128x1xi32>
    %squeeze3A_390 = vector.shape_cast %slice3A_389 : vector<128x1xi32> to vector<128xi32>
    %broadcast_in_dim3A_391 = vector.shape_cast %squeeze3A_390 : vector<128xi32> to vector<128x1xi32>
    %eq3A_392 = vector.broadcast %broadcast_in_dim3A_391 : vector<128x1xi32> to vector<128x256xi32>
    %eq3A_393 = arith.cmpi eq, %get3A_7, %eq3A_392 : vector<128x256xi32>
    %or3A_394 = arith.ori %or3A_388, %eq3A_393 : vector<128x256xi1>
    %slice3A_395 = vector.extract_strided_slice %get3A_4 {offsets = [0, 45], sizes = [128, 1], strides = [1, 1]} : vector<128x50xi32> to vector<128x1xi32>
    %squeeze3A_396 = vector.shape_cast %slice3A_395 : vector<128x1xi32> to vector<128xi32>
    %broadcast_in_dim3A_397 = vector.shape_cast %squeeze3A_396 : vector<128xi32> to vector<128x1xi32>
    %eq3A_398 = vector.broadcast %broadcast_in_dim3A_397 : vector<128x1xi32> to vector<128x256xi32>
    %eq3A_399 = arith.cmpi eq, %get3A_7, %eq3A_398 : vector<128x256xi32>
    %or3A_400 = arith.ori %or3A_394, %eq3A_399 : vector<128x256xi1>
    %slice3A_401 = vector.extract_strided_slice %get3A_4 {offsets = [0, 46], sizes = [128, 1], strides = [1, 1]} : vector<128x50xi32> to vector<128x1xi32>
    %squeeze3A_402 = vector.shape_cast %slice3A_401 : vector<128x1xi32> to vector<128xi32>
    %broadcast_in_dim3A_403 = vector.shape_cast %squeeze3A_402 : vector<128xi32> to vector<128x1xi32>
    %eq3A_404 = vector.broadcast %broadcast_in_dim3A_403 : vector<128x1xi32> to vector<128x256xi32>
    %eq3A_405 = arith.cmpi eq, %get3A_7, %eq3A_404 : vector<128x256xi32>
    %or3A_406 = arith.ori %or3A_400, %eq3A_405 : vector<128x256xi1>
    %slice3A_407 = vector.extract_strided_slice %get3A_4 {offsets = [0, 47], sizes = [128, 1], strides = [1, 1]} : vector<128x50xi32> to vector<128x1xi32>
    %squeeze3A_408 = vector.shape_cast %slice3A_407 : vector<128x1xi32> to vector<128xi32>
    %broadcast_in_dim3A_409 = vector.shape_cast %squeeze3A_408 : vector<128xi32> to vector<128x1xi32>
    %eq3A_410 = vector.broadcast %broadcast_in_dim3A_409 : vector<128x1xi32> to vector<128x256xi32>
    %eq3A_411 = arith.cmpi eq, %get3A_7, %eq3A_410 : vector<128x256xi32>
    %or3A_412 = arith.ori %or3A_406, %eq3A_411 : vector<128x256xi1>
    %slice3A_413 = vector.extract_strided_slice %get3A_4 {offsets = [0, 48], sizes = [128, 1], strides = [1, 1]} : vector<128x50xi32> to vector<128x1xi32>
    %squeeze3A_414 = vector.shape_cast %slice3A_413 : vector<128x1xi32> to vector<128xi32>
    %broadcast_in_dim3A_415 = vector.shape_cast %squeeze3A_414 : vector<128xi32> to vector<128x1xi32>
    %eq3A_416 = vector.broadcast %broadcast_in_dim3A_415 : vector<128x1xi32> to vector<128x256xi32>
    %eq3A_417 = arith.cmpi eq, %get3A_7, %eq3A_416 : vector<128x256xi32>
    %or3A_418 = arith.ori %or3A_412, %eq3A_417 : vector<128x256xi1>
    %slice3A_419 = vector.extract_strided_slice %get3A_4 {offsets = [0, 49], sizes = [128, 1], strides = [1, 1]} : vector<128x50xi32> to vector<128x1xi32>
    %squeeze3A_420 = vector.shape_cast %slice3A_419 : vector<128x1xi32> to vector<128xi32>
    %broadcast_in_dim3A_421 = vector.shape_cast %squeeze3A_420 : vector<128xi32> to vector<128x1xi32>
    %eq3A_422 = vector.broadcast %broadcast_in_dim3A_421 : vector<128x1xi32> to vector<128x256xi32>
    %eq3A_423 = arith.cmpi eq, %get3A_7, %eq3A_422 : vector<128x256xi32>
    %or3A_424 = arith.ori %or3A_418, %eq3A_423 : vector<128x256xi1>
    %iota3A = tpu.iota {dimensions = array<i32: 1>} : vector<128x256xi32>
    %jit3A = arith.constant 1048576 : i32
    %broadcast_in_dim3A_425 = vector.broadcast %jit3A : i32 to vector<128x256xi32>
    %select_n3A = arith.select %or3A_424, %broadcast_in_dim3A_425, %iota3A : vector<128x256xi1>, vector<128x256xi32>
    %reduce_min3A = arith.constant dense<2147483647> : vector<128xi32>
    %reduce_min3A_426 = vector.multi_reduction <minsi>, %select_n3A, %reduce_min3A [1] : vector<128x256xi32> to vector<128xi32>
    %broadcast_in_dim3A_427 = vector.shape_cast %reduce_min3A_426 : vector<128xi32> to vector<128x1xi32>
    %ge3A = arith.constant 256 : i32
    %ge3A_428 = vector.broadcast %ge3A : i32 to vector<128x1xi32>
    %ge3A_429 = arith.cmpi sge, %broadcast_in_dim3A_427, %ge3A_428 : vector<128x1xi32>
    %jit3A_430 = arith.constant 0 : i32
    %broadcast_in_dim3A_431 = vector.broadcast %jit3A_430 : i32 to vector<128x1xi32>
    %select_n3A_432 = arith.select %ge3A_429, %broadcast_in_dim3A_431, %broadcast_in_dim3A_427 : vector<128x1xi1>, vector<128x1xi32>
    %eq3A_433 = vector.broadcast %select_n3A_432 : vector<128x1xi32> to vector<128x256xi32>
    %eq3A_434 = arith.cmpi eq, %iota3A, %eq3A_433 : vector<128x256xi32>
    %jit3A_435 = arith.constant 0 : i32
    %broadcast_in_dim3A_436 = vector.broadcast %jit3A_435 : i32 to vector<128x256xi32>
    %select_n3A_437 = arith.select %eq3A_434, %get3A_7, %broadcast_in_dim3A_436 : vector<128x256xi1>, vector<128x256xi32>
    %reduce_sum3A = arith.constant dense<0> : vector<128xi32>
    %reduce_sum3A_438 = vector.multi_reduction <add>, %select_n3A_437, %reduce_sum3A [1] : vector<128x256xi32> to vector<128xi32>
    %broadcast_in_dim3A_439 = vector.shape_cast %reduce_sum3A_438 : vector<128xi32> to vector<128x1xi32>
    %swap3A = arith.constant 0 : index
    %swap3A_440 = arith.constant 0 : index
    %swap3A_441 = vector.load %arg4[%swap3A, %swap3A_440] : memref<128x1xi32, #tpu.memory_space<vmem>>, vector<128x1xi32>
    tpu.vector_store %arg4[%swap3A, %swap3A_440], %broadcast_in_dim3A_439 {strides = array<i32>} : memref<128x1xi32, #tpu.memory_space<vmem>>, vector<128x1xi32>,
    return
  }
  func.func @transform_0(%arg0: i32) -> (i32, i32) {
    %c0_i32 = arith.constant 0 : i32
    %c0_i32_0 = arith.constant 0 : i32
    return %arg0, %c0_i32 : i32, i32
  }
  func.func @transform_1(%arg0: i32) -> (i32, i32) {
    %c0_i32 = arith.constant 0 : i32
    %c0_i32_0 = arith.constant 0 : i32
    return %arg0, %c0_i32 : i32, i32
  }
  func.func @transform_2(%arg0: i32) -> (i32, i32) {
    %c0_i32 = arith.constant 0 : i32
    %c0_i32_0 = arith.constant 0 : i32
    return %arg0, %c0_i32 : i32, i32
  }
  func.func @transform_3(%arg0: i32) -> (i32, i32) {
    %c0_i32 = arith.constant 0 : i32
    %c0_i32_0 = arith.constant 0 : i32
    return %arg0, %c0_i32 : i32, i32
  }
}

module attributes {stable_mosaic.version = 14 : i64} {
  func.func @_loss_body(%arg0: i32, %arg1: memref<1024x128xf32, #tpu.memory_space<vmem>>, %arg2: memref<320x128xf32, #tpu.memory_space<vmem>>, %arg3: memref<1x1xf32, #tpu.memory_space<vmem>>, %arg4: memref<1xf32, #tpu.memory_space<smem>>) attributes {dimension_semantics = [#tpu.dimension_semantics<arbitrary>], iteration_bounds = array<i64: 8>, scalar_prefetch = 0 : i64, scratch_operands = 1 : i64, tpu.core_type = #tpu.core_type<tc>, window_params = [{transform_indices = @transform_0, window_bounds = array<i64: 1024, 128>}, {transform_indices = @transform_1, window_bounds = array<i64: 320, 128>}, {pipeline_mode = #tpu.pipeline_mode<synchronous>, transform_indices = @transform_2, window_bounds = array<i64: 1, 1>}]} {
    %get3A = arith.constant 0 : index
    %get3A_0 = arith.constant 0 : index
    %get3A_1 = vector.load %arg1[%get3A, %get3A_0] : memref<1024x128xf32, #tpu.memory_space<vmem>>, vector<1024x128xf32>
    %logistic3A = arith.negf %get3A_1 : vector<1024x128xf32>
    %logistic3A_2 = math.exp %logistic3A : vector<1024x128xf32>
    %logistic3A_3 = arith.constant 1.000000e+00 : f32
    %logistic3A_4 = vector.broadcast %logistic3A_3 : f32 to vector<1024x128xf32>
    %logistic3A_5 = arith.addf %logistic3A_4, %logistic3A_2 : vector<1024x128xf32>
    %logistic3A_6 = arith.divf %logistic3A_4, %logistic3A_5 : vector<1024x128xf32>
    %sub3A = arith.constant 1.000000e+00 : f32
    %sub3A_7 = vector.broadcast %sub3A : f32 to vector<1024x128xf32>
    %sub3A_8 = arith.subf %sub3A_7, %logistic3A_6 : vector<1024x128xf32>
    %add3A = arith.constant 1.000000e-10 : f32
    %add3A_9 = vector.broadcast %add3A : f32 to vector<1024x128xf32>
    %add3A_10 = arith.addf %sub3A_8, %add3A_9 : vector<1024x128xf32>
    %log3A = math.log %add3A_10 : vector<1024x128xf32>
    %neg3A = arith.constant 0.000000e+00 : f32
    %neg3A_11 = vector.broadcast %neg3A : f32 to vector<1024x128xf32>
    %neg3A_12 = arith.subf %neg3A_11, %log3A : vector<1024x128xf32>
    %reduce_sum3A = vector.shape_cast %neg3A_12 : vector<1024x128xf32> to vector<1x1024x128xf32>
    %reduce_sum3A_13 = arith.constant dense<0.000000e+00> : vector<1xf32>
    %reduce_sum3A_14 = vector.multi_reduction <add>, %reduce_sum3A, %reduce_sum3A_13 [1, 2] : vector<1x1024x128xf32> to vector<1xf32>
    %reduce_sum3A_15 = vector.shape_cast %reduce_sum3A_14 : vector<1xf32> to vector<1x1x1xf32>
    %reduce_sum3A_16 = vector.extract %reduce_sum3A_15[0, 0, 0] : f32 from vector<1x1x1xf32>
    %get3A_17 = arith.constant 0 : index
    %get3A_18 = arith.constant 0 : index
    %get3A_19 = vector.load %arg2[%get3A_17, %get3A_18] : memref<320x128xf32, #tpu.memory_space<vmem>>, vector<320x128xf32>
    %iota3A = tpu.iota {dimensions = array<i32: 0>} : vector<320x128xi32>
    %mul3A = arith.constant 320 : i32
    %mul3A_20 = arith.muli %arg0, %mul3A : i32
    %add3A_21 = vector.broadcast %mul3A_20 : i32 to vector<320x128xi32>
    %add3A_22 = arith.addi %iota3A, %add3A_21 : vector<320x128xi32>
    %iota3A_23 = tpu.iota {dimensions = array<i32: 1>} : vector<320x128xi32>
    %mul3A_24 = arith.constant 8 : i32
    %mul3A_25 = vector.broadcast %mul3A_24 : i32 to vector<320x128xi32>
    %mul3A_26 = arith.muli %add3A_22, %mul3A_25 : vector<320x128xi32>
    %jit3A = arith.constant 16 : i32
    %div3A = vector.broadcast %jit3A : i32 to vector<320x128xi32>
    %div3A_27 = arith.divsi %iota3A_23, %div3A : vector<320x128xi32>
    %sign3A = arith.constant 0 : i32
    %sign3A_28 = vector.broadcast %sign3A : i32 to vector<320x128xi32>
    %sign3A_29 = arith.cmpi sgt, %iota3A_23, %sign3A_28 : vector<320x128xi32>
    %sign3A_30 = arith.extui %sign3A_29 : vector<320x128xi1> to vector<320x128xi32>
    %sign3A_31 = arith.constant 0 : i32
    %sign3A_32 = vector.broadcast %sign3A_31 : i32 to vector<320x128xi32>
    %sign3A_33 = arith.cmpi slt, %iota3A_23, %sign3A_32 : vector<320x128xi32>
    %sign3A_34 = arith.extui %sign3A_33 : vector<320x128xi1> to vector<320x128xi32>
    %sign3A_35 = arith.subi %sign3A_30, %sign3A_34 : vector<320x128xi32>
    %sign3A_36 = arith.constant 0 : i32
    %sign3A_37 = arith.cmpi sgt, %jit3A, %sign3A_36 : i32
    %sign3A_38 = arith.extui %sign3A_37 : i1 to i32
    %sign3A_39 = arith.constant 0 : i32
    %sign3A_40 = arith.cmpi slt, %jit3A, %sign3A_39 : i32
    %sign3A_41 = arith.extui %sign3A_40 : i1 to i32
    %sign3A_42 = arith.subi %sign3A_38, %sign3A_41 : i32
    %ne3A = vector.broadcast %sign3A_42 : i32 to vector<320x128xi32>
    %ne3A_43 = arith.cmpi ne, %sign3A_35, %ne3A : vector<320x128xi32>
    %rem3A = vector.broadcast %jit3A : i32 to vector<320x128xi32>
    %rem3A_44 = arith.remsi %iota3A_23, %rem3A : vector<320x128xi32>
    %ne3A_45 = arith.constant 0 : i32
    %ne3A_46 = vector.broadcast %ne3A_45 : i32 to vector<320x128xi32>
    %ne3A_47 = arith.cmpi ne, %rem3A_44, %ne3A_46 : vector<320x128xi32>
    %and3A = arith.andi %ne3A_43, %ne3A_47 : vector<320x128xi1>
    %sub3A_48 = arith.constant 1 : i32
    %sub3A_49 = vector.broadcast %sub3A_48 : i32 to vector<320x128xi32>
    %sub3A_50 = arith.subi %div3A_27, %sub3A_49 : vector<320x128xi32>
    %select_n3A = arith.select %and3A, %sub3A_50, %div3A_27 : vector<320x128xi1>, vector<320x128xi32>
    %add3A_51 = arith.addi %mul3A_26, %select_n3A : vector<320x128xi32>
    %jit3A_52 = arith.constant 20 : i32
    %div3A_53 = vector.broadcast %jit3A_52 : i32 to vector<320x128xi32>
    %div3A_54 = arith.divsi %add3A_51, %div3A_53 : vector<320x128xi32>
    %sign3A_55 = arith.constant 0 : i32
    %sign3A_56 = vector.broadcast %sign3A_55 : i32 to vector<320x128xi32>
    %sign3A_57 = arith.cmpi sgt, %add3A_51, %sign3A_56 : vector<320x128xi32>
    %sign3A_58 = arith.extui %sign3A_57 : vector<320x128xi1> to vector<320x128xi32>
    %sign3A_59 = arith.constant 0 : i32
    %sign3A_60 = vector.broadcast %sign3A_59 : i32 to vector<320x128xi32>
    %sign3A_61 = arith.cmpi slt, %add3A_51, %sign3A_60 : vector<320x128xi32>
    %sign3A_62 = arith.extui %sign3A_61 : vector<320x128xi1> to vector<320x128xi32>
    %sign3A_63 = arith.subi %sign3A_58, %sign3A_62 : vector<320x128xi32>
    %sign3A_64 = arith.constant 0 : i32
    %sign3A_65 = arith.cmpi sgt, %jit3A_52, %sign3A_64 : i32
    %sign3A_66 = arith.extui %sign3A_65 : i1 to i32
    %sign3A_67 = arith.constant 0 : i32
    %sign3A_68 = arith.cmpi slt, %jit3A_52, %sign3A_67 : i32
    %sign3A_69 = arith.extui %sign3A_68 : i1 to i32
    %sign3A_70 = arith.subi %sign3A_66, %sign3A_69 : i32
    %ne3A_71 = vector.broadcast %sign3A_70 : i32 to vector<320x128xi32>
    %ne3A_72 = arith.cmpi ne, %sign3A_63, %ne3A_71 : vector<320x128xi32>
    %rem3A_73 = vector.broadcast %jit3A_52 : i32 to vector<320x128xi32>
    %rem3A_74 = arith.remsi %add3A_51, %rem3A_73 : vector<320x128xi32>
    %ne3A_75 = arith.constant 0 : i32
    %ne3A_76 = vector.broadcast %ne3A_75 : i32 to vector<320x128xi32>
    %ne3A_77 = arith.cmpi ne, %rem3A_74, %ne3A_76 : vector<320x128xi32>
    %and3A_78 = arith.andi %ne3A_72, %ne3A_77 : vector<320x128xi1>
    %sub3A_79 = arith.constant 1 : i32
    %sub3A_80 = vector.broadcast %sub3A_79 : i32 to vector<320x128xi32>
    %sub3A_81 = arith.subi %div3A_54, %sub3A_80 : vector<320x128xi32>
    %select_n3A_82 = arith.select %and3A_78, %sub3A_81, %div3A_54 : vector<320x128xi1>, vector<320x128xi32>
    %and3A_83 = arith.constant 15 : i32
    %and3A_84 = vector.broadcast %and3A_83 : i32 to vector<320x128xi32>
    %and3A_85 = arith.andi %select_n3A_82, %and3A_84 : vector<320x128xi32>
    %and3A_86 = arith.constant 15 : i32
    %and3A_87 = vector.broadcast %and3A_86 : i32 to vector<320x128xi32>
    %and3A_88 = arith.andi %iota3A_23, %and3A_87 : vector<320x128xi32>
    %eq3A = arith.cmpi eq, %and3A_88, %and3A_85 : vector<320x128xi32>
    %logistic3A_89 = arith.negf %get3A_19 : vector<320x128xf32>
    %logistic3A_90 = math.exp %logistic3A_89 : vector<320x128xf32>
    %logistic3A_91 = arith.constant 1.000000e+00 : f32
    %logistic3A_92 = vector.broadcast %logistic3A_91 : f32 to vector<320x128xf32>
    %logistic3A_93 = arith.addf %logistic3A_92, %logistic3A_90 : vector<320x128xf32>
    %logistic3A_94 = arith.divf %logistic3A_92, %logistic3A_93 : vector<320x128xf32>
    %add3A_95 = arith.constant 1.000000e-10 : f32
    %add3A_96 = vector.broadcast %add3A_95 : f32 to vector<320x128xf32>
    %add3A_97 = arith.addf %logistic3A_94, %add3A_96 : vector<320x128xf32>
    %log3A_98 = math.log %add3A_97 : vector<320x128xf32>
    %neg3A_99 = arith.constant 0.000000e+00 : f32
    %neg3A_100 = vector.broadcast %neg3A_99 : f32 to vector<320x128xf32>
    %neg3A_101 = arith.subf %neg3A_100, %log3A_98 : vector<320x128xf32>
    %jit3A_102 = arith.constant 0.000000e+00 : f32
    %broadcast_in_dim3A = vector.broadcast %jit3A_102 : f32 to vector<320x128xf32>
    %select_n3A_103 = arith.select %eq3A, %neg3A_101, %broadcast_in_dim3A : vector<320x128xi1>, vector<320x128xf32>
    %reduce_sum3A_104 = vector.shape_cast %select_n3A_103 : vector<320x128xf32> to vector<1x320x128xf32>
    %reduce_sum3A_105 = arith.constant dense<0.000000e+00> : vector<1xf32>
    %reduce_sum3A_106 = vector.multi_reduction <add>, %reduce_sum3A_104, %reduce_sum3A_105 [1, 2] : vector<1x320x128xf32> to vector<1xf32>
    %reduce_sum3A_107 = vector.shape_cast %reduce_sum3A_106 : vector<1xf32> to vector<1x1x1xf32>
    %reduce_sum3A_108 = vector.extract %reduce_sum3A_107[0, 0, 0] : f32 from vector<1x1x1xf32>
    %div3A_109 = arith.constant 1.024000e+03 : f32
    %div3A_110 = arith.divf %reduce_sum3A_16, %div3A_109 : f32
    %div3A_111 = arith.constant 2.048000e+04 : f32
    %div3A_112 = arith.divf %reduce_sum3A_108, %div3A_111 : f32
    %add3A_113 = arith.addf %div3A_110, %div3A_112 : f32
    %eq3A_114 = arith.constant 0 : i32
    %eq3A_115 = arith.cmpi eq, %arg0, %eq3A_114 : i32
    %convert_element_type3A = arith.extui %eq3A_115 : i1 to i32
    %cond3A = arith.constant 0 : i32
    %cond3A_116 = arith.cmpi ne, %convert_element_type3A, %cond3A : i32
    scf.if %cond3A_116 {
      %swap3A_126 = arith.constant 0.000000e+00 : f32
      %swap3A_127 = arith.constant 0 : index
      %swap3A_128 = memref.load %arg4[%swap3A_127] : memref<1xf32, #tpu.memory_space<smem>>
      memref.store %swap3A_126, %arg4[%swap3A_127] : memref<1xf32, #tpu.memory_space<smem>>
    } else {
    }
    %get3A_117 = arith.constant 0 : index
    %get3A_118 = memref.load %arg4[%get3A_117] : memref<1xf32, #tpu.memory_space<smem>>
    %add3A_119 = arith.addf %get3A_118, %add3A_113 : f32
    %swap3A = arith.constant 0 : index
    %swap3A_120 = memref.load %arg4[%swap3A] : memref<1xf32, #tpu.memory_space<smem>>
    memref.store %add3A_119, %arg4[%swap3A] : memref<1xf32, #tpu.memory_space<smem>>
    %eq3A_121 = arith.constant 7 : i32
    %eq3A_122 = arith.cmpi eq, %arg0, %eq3A_121 : i32
    %convert_element_type3A_123 = arith.extui %eq3A_122 : i1 to i32
    %cond3A_124 = arith.constant 0 : i32
    %cond3A_125 = arith.cmpi ne, %convert_element_type3A_123, %cond3A_124 : i32
    scf.if %cond3A_125 {
      %get3A_126 = arith.constant 0 : index
      %get3A_127 = memref.load %arg4[%get3A_126] : memref<1xf32, #tpu.memory_space<smem>>
      %reshape3A = vector.broadcast %get3A_127 : f32 to vector<1x1xf32>
      %swap3A_128 = arith.constant 0 : index
      %swap3A_129 = arith.constant 0 : index
      %swap3A_130 = vector.load %arg3[%swap3A_128, %swap3A_129] : memref<1x1xf32, #tpu.memory_space<vmem>>, vector<1x1xf32>
      tpu.vector_store %arg3[%swap3A_128, %swap3A_129], %reshape3A {strides = array<i32>} : memref<1x1xf32, #tpu.memory_space<vmem>>, vector<1x1xf32>,
    } else {
    }
    return
  }
  func.func @transform_0(%arg0: i32) -> (i32, i32) {
    %c0_i32 = arith.constant 0 : i32
    %c0_i32_0 = arith.constant 0 : i32
    return %arg0, %c0_i32 : i32, i32
  }
  func.func @transform_1(%arg0: i32) -> (i32, i32) {
    %c0_i32 = arith.constant 0 : i32
    %c0_i32_0 = arith.constant 0 : i32
    return %arg0, %c0_i32 : i32, i32
  }
  func.func @transform_2(%arg0: i32) -> (i32, i32) {
    %c0_i32 = arith.constant 0 : i32
    %c0_i32_0 = arith.constant 0 : i32
    %c0_i32_1 = arith.constant 0 : i32
    return %c0_i32, %c0_i32_0 : i32, i32
  }
}

</mosaic_0001>

<sc_bundles>
// kernel: kernel.6.cloned.1.call-start
scs
__scs_entry_jumppad:
0x0: {  	(pc) =	sbr.rel $0x88, $3  }
0x1: {  	(tag) =	ssettag $0x0;
	lr =	simm.s32 $0x1  }
0x2: {  	[smem:$0x3F9E] =	sst lr;
	_ =	strace $0xD0000000  }
0x3: {  	_ = 	snop  }
0x4: {  	_ = 	snop  }
0x5: {  	_ = 	snop  }
0x6: {  	_ = 	snop  }
0x7: {  	_ = 	snop  }
__scs_overlays_trampoline_lowered:
0x8: {  	[smem:$0x3FAD] =	sst s0  }
0x9: {  	[smem:$0x3FAE] =	sst s1  }
0xa: {  	[smem:$0x3FAF] =	sst s2  }
0xb: {  	[smem:$0x3FB0] =	sst s3  }
0xc: {  	[smem:$0x3FB1] =	sst s4  }
0xd: {  	[smem:$0x3FB2] =	sst s5  }
0xe: {  	[smem:$0x3FB3] =	sst s6  }
0xf: {  	[smem:$0x3FB4] =	sst s7  }
0x10: {  	[smem:$0x3FB5] =	sst s8  }
0x11: {  	[smem:$0x3FB6] =	sst s9;
	s0 =	simm.s32 @!p0 $0x0  }
0x12: {  	s1 =	sld [smem:$0x3F9C];
	s0 =	simm.s32 @p0 $0x1  }
0x13: {  	[smem:$0x3FB7] =	sst s0;
	s0 =	simm.s32 @!p1 $0x0  }
0x14: {  	s2 =	sld [smem:$0x3F9B];
	s0 =	simm.s32 @p1 $0x1  }
0x15: {  	[smem:$0x3FB8] =	sst s0;
	s0 =	simm.s32 @!p2 $0x0  }
0x16: {  	s3 =	sld [smem:$0x3FDB];
	s0 =	simm.s32 @p2 $0x1  }
0x17: {  	s4 =	simm.s32 $0x1BF5;
	[smem:$0x3FBA] =	sst s0  }
0x18: {  	s0 =	sld [smem:$0x3F9D];
	_ =	swait.ge [sflag:s4], $0x0  }
0x19: {  	s7 =	sld [smem:$0x3F9E]  }
0x1a: {  	s8 =	sadd.s32 $0xFFFFE003, lr  }
0x1b: {  	s9 =	sadd.s32 $0xFFFFFEF7, lr;
	s5 =	simm.s32 $0xFFFFFFFF;
	p2 =	slt.u32 s8, $0xFFFFF086  }
0x1c: {  	p1 =	slt.u32 s9, $0xF7A;
	s5 =	simm.s32 @!p2 $0x0  }
0x1d: {  	s5 =	simm.s32 @p1 $0x1;
	p0 =	seq.s32 s7, s2  }
0x1e: {  	s7 =	smul.u32 @!p0 $0xF7A, s2;
	p2 =	seq.s32 @!p0 s5, $0x0  }
0x1f: {  	s9 =	smul.u32 $0xF7A, s1;
	s8 =	simm.s32 @!p0 $0x1BF5;
	p2 =	por !p2, p0  }
0x20: {  	[sflag:s8] =	ssyncset.s32 @!p0 $0xFFFFF086;
	s6 =	sadd.s32 @!p0 s3, s7;
	s7 =	simm.s32 @!p0 $0x108  }
0x21: {  	s3 =	sadd.s32 s3, s9;
	s6 =	sadd.s32 @!p0 $0x88, s6;
	s7 =	simm.s32 @p2 $0x1082  }
0x22: {  	[simem:s7], [sflag:s8] =	dma.local @!p0 [hbm:s6], $0xF7A  }
0x23: {  	s9 =	sor.u32 $0xD0000000, s2;
	s6 =	simm.s32 $0x108;
	_ =	swait.ge @!p0 [sflag:s8], $0x0  }
0x24: {  	s3 =	sadd.s32 $0x88, s3;
	s6 =	simm.s32 @!p1 $0x1082;
	[sflag:s4] =	ssyncset.s32 $0xFFFFF086  }
0x25: {  	[simem:s6], [sflag:s4] =	dma.local [hbm:s3], $0xF7A  }
0x26: {  	[smem:$0x3F9E] =	sst s1;
	(tag) =	ssettag s2;
	_ =	strace s9  }
0x27: {  	s1 =	sld [smem:$0x3FAE]  }
0x28: {  	s2 =	sld [smem:$0x3FAF]  }
0x29: {  	s4 =	sld [smem:$0x3FB1]  }
0x2a: {  	p0 =	seq.s32 s5, $0x0;
	s5 =	sld [smem:$0x3FB2]  }
0x2b: {  	s6 =	sld [smem:$0x3FB3]  }
0x2c: {  	s7 =	sld [smem:$0x3FB4]  }
0x2d: {  	s3 =	simm.s32 $0x108;
	s8 =	sld [smem:$0x3FB5]  }
0x2e: {  	s3 =	simm.s32 @!p0 $0x1082;
	s9 =	sld [smem:$0x3FB6]  }
0x2f: {  	lr =	sadd.s32 s0, s3;
	s0 =	sld [smem:$0x3FAD]  }
0x30: {  	s3 =	sld [smem:$0x3FB0]  }
0x31: {  	[smem:$0x3FB9] =	sst s10  }
0x32: {  	s10 =	sld [smem:$0x3FB7];
	_ =	sdelay $0x3  }
0x33: {  	p0 =	seq.s32 s10, $0x1;
	s10 =	sld [smem:$0x3FB9];
	_ =	sdelay $0x3  }
0x34: {  	[smem:$0x3FB9] =	sst s10  }
0x35: {  	s10 =	sld [smem:$0x3FB8];
	_ =	sdelay $0x3  }
0x36: {  	p1 =	seq.s32 s10, $0x1;
	s10 =	sld [smem:$0x3FB9];
	_ =	sdelay $0x3  }
0x37: {  	[smem:$0x3FB9] =	sst s10  }
0x38: {  	s10 =	sld [smem:$0x3FBA]  }
0x39: {  	_ = 	snop;
	(pc) =	sbr.ind lr, $3  }
0x3a: {  	_ = 	snop  }
0x3b: {  	_ = 	snop  }
0x3c: {  	p2 =	seq.s32 s10, $0x1;
	s10 =	sld [smem:$0x3FB9]  }
0x3d: {  	_ =	shalt  }
0x3e: {  	_ =	shalt  }
0x3f: {  	_ =	shalt  }
0x40: {  	_ =	shalt  }
0x41: {  	_ =	shalt  }
0x42: {  	_ =	shalt  }
0x43: {  	_ =	shalt  }
0x44: {  	_ =	shalt  }
0x45: {  	_ =	shalt  }
0x46: {  	_ =	shalt  }
0x47: {  	_ =	shalt  }
0x48: {  	_ =	shalt  }
0x49: {  	_ =	shalt  }
0x4a: {  	_ =	shalt  }
0x4b: {  	_ =	shalt  }
0x4c: {  	_ =	shalt  }
0x4d: {  	_ =	shalt  }
0x4e: {  	_ =	shalt  }
0x4f: {  	_ =	shalt  }
0x50: {  	_ =	shalt  }
0x51: {  	_ =	shalt  }
0x52: {  	_ =	shalt  }
0x53: {  	_ =	shalt  }
0x54: {  	_ =	shalt  }
0x55: {  	_ =	shalt  }
0x56: {  	_ =	shalt  }
0x57: {  	_ =	shalt  }
0x58: {  	_ =	shalt  }
0x59: {  	_ =	shalt  }
0x5a: {  	_ =	shalt  }
0x5b: {  	_ =	shalt  }
0x5c: {  	_ =	shalt  }
0x5d: {  	_ =	shalt  }
0x5e: {  	_ =	shalt  }
0x5f: {  	_ =	shalt  }
0x60: {  	_ =	shalt  }
0x61: {  	_ =	shalt  }
0x62: {  	_ =	shalt  }
0x63: {  	_ =	shalt  }
0x64: {  	_ =	shalt  }
0x65: {  	_ =	shalt  }
0x66: {  	_ =	shalt  }
0x67: {  	_ =	shalt  }
0x68: {  	_ =	shalt  }
0x69: {  	_ =	shalt  }
0x6a: {  	_ =	shalt  }
0x6b: {  	_ =	shalt  }
0x6c: {  	_ =	shalt  }
0x6d: {  	_ =	shalt  }
0x6e: {  	_ =	shalt  }
0x6f: {  	_ =	shalt  }
0x70: {  	_ =	shalt  }
0x71: {  	_ =	shalt  }
0x72: {  	_ =	shalt  }
0x73: {  	_ =	shalt  }
0x74: {  	_ =	shalt  }
0x75: {  	_ =	shalt  }
0x76: {  	_ =	shalt  }
0x77: {  	_ =	shalt  }
0x78: {  	_ =	shalt  }
0x79: {  	_ =	shalt  }
0x7a: {  	_ =	shalt  }
0x7b: {  	_ =	shalt  }
0x7c: {  	_ =	shalt  }
0x7d: {  	_ =	shalt  }
0x7e: {  	_ =	shalt  }
0x7f: {  	_ =	shalt  }
0x80: {  	_ =	shalt  }
0x81: {  	_ =	shalt  }
0x82: {  	_ =	shalt  }
0x83: {  	_ =	shalt  }
0x84: {  	_ =	shalt  }
0x85: {  	_ =	shalt  }
0x86: {  	_ =	shalt  }
0x87: {  	_ =	shalt  }
.Lfunc_end0:
.L_simem_size_0:
called_computation_lowered:
.L_overlay_start_0:
0x88: {  	s2 =	sld [smem:$0x3FD9]  }
0x89: {  	s3 =	sld [smem:$0x3FFE];
	_ =	sdelay $0x1  }
0x8a: {  	s1 =	srdreg.scid  }
0x8b: {  	s0 =	sand.u32 $0x1, s1  }
0x8c: {  	s17 =	sshll.u32 s0, $0xA;
	s2 =	sadd.s32 s3, s2  }
0x8d: {  	s2 =	sadd.s32 s2, s17  }
0x8e: {  	[smem:$0x3FC5] =	sst s2  }
0x8f: {  	_ = 	snop  }
0x90: {  	s18 =	sld [smem:$0x3FC9];
	(tm) =	ssettm $0x1  }
0x91: {  	s19 =	sld [smem:$0x3FFB];
	_ =	sdelay $0x3  }
0x92: {  	_ =	strace s19  }
0x93: {  	s2 =	sld [smem:$0x3FFC];
	_ =	sdelay $0x3  }
0x94: {  	_ =	strace s2  }
0x95: {  	s2 =	sld [smem:$0x3FFD];
	_ =	sdelay $0x3  }
0x96: {  	_ =	strace s2  }
0x97: {  	_ =	strace $0x8FFFFFFF  }
0x98: {  	s20 =	sld [smem:$0x3FDB];
	_ =	sdelay $0x1  }
0x99: {  	s4 =	simm.s32 $_scs_section_size  }
0x9a: {  	s5 =	simm.s32 $_size__tile_overlayer_lowered;
	s6 =	simm.s32 $_tile_overlayer_lowered  }
0x9b: {  	s7 =	simm.s32 $0x1BFF;
	s21 =	sshll.u32 s6, $0x1;
	s4 =	sadd.s32 s4, s20  }
0x9c: {  	s22 =	simm.s32 $0x0;
	s5 =	sshll.u32 s5, $0x1;
	s6 =	sadd.s32 s21, s4  }
0x9d: {  	[timem:s22], [sflag:s7] =	dma.local [hbm:s6], s5  }
0x9e: {  	_ =	swait.ge [sflag:s7], s5  }
0x9f: {  	s5 =	ssub.s32 $0x0, s5;
	[sflag:s7] =	ssyncset.done $0x0  }
0xa0: {  	[sflag:s7] =	ssyncadd.s32 s5;
	_ =	sdelay $0x1  }
0xa1: {  	s23 =	simm.s32 $0x1B8B  }
0xa2: {  	_ =	swait.ge [sflag:s23], $0x1  }
0xa3: {  	[sflag:s23] =	ssyncset.done $0x0  }
0xa4: {  	[sflag:s23] =	ssyncadd.s32 $0xFFFFFFFF  }
0xa5: {  	s5 =	sld [smem:$0x0]  }
0xa6: {  	s6 =	sand.u32 $0xFFFFFFFE, s1  }
0xa7: {  	p0 =	sne.s32 s1, s6  }
0xa8: {  	s6 =	sshll.u32 @p0 s6, $0xE  }
0xa9: {  	s6 =	sadd.s32 @p0 $0x11B8D, s6;
	s7 =	sshll.u32 @p0 s5, $0x11  }
0xaa: {  	s6 =	sor.u32 @p0 s7, s6  }
0xab: {  	[sflag:s6] =	ssyncadd.remote.s32 @p0 $0x1;
	_ =	sdelay $0x1  }
0xac: {  	s6 =	simm.s32 @p0 $0x1B8D  }
0xad: {  	_ =	swait.eq @p0 [sflag:s6], $0x1  }
0xae: {  	[sflag:s6] =	ssyncadd.s32 @p0 $0xFFFFFFFF  }
0xaf: {  	s7 =	sshll.u32 @!p0 s1, $0xE  }
0xb0: {  	s7 =	sor.u32 @!p0 $0x4000, s7;
	s6 =	simm.s32 @!p0 $0x1B8D  }
0xb1: {  	s5 =	sshll.u32 @!p0 s5, $0x11;
	s7 =	sadd.s32 @!p0 $0x11B8D, s7;
	_ =	swait.eq @!p0 [sflag:s6], $0x1  }
0xb2: {  	s5 =	sor.u32 @!p0 s5, s7;
	[sflag:s6] =	ssyncadd.s32 @!p0 $0xFFFFFFFF  }
0xb3: {  	s25 =	simm.s32 $0x1B8E;
	s24 =	sld [smem:$0x3FFE];
	[sflag:s5] =	ssyncadd.remote.s32 @!p0 $0x1  }
0xb4: {  	s26 =	simm.s32 $execute0_lowered;
	[smem:$0x3FD2] =	sst s25  }
0xb5: {  	s6 =	sshll.u32 s26, $0x1;
	_ =	strace $0x80000049;
	[dreg:$0x1] =	wrdreg $0xFFFFFFFF  }
0xb6: {  	s28 =	simm.s32 $_size_execute0_lowered;
	s4 =	sadd.s32 s4, s6;
	[dreg:$0x0] =	wrdreg $0x0  }
0xb7: {  	s6 =	sshll.u32 s28, $0x1;
	[dreg:$0x2] =	wrdreg s4  }
0xb8: {  	[dreg:$0x3] =	wrdreg s6  }
0xb9: {  	[dreg:$0x4] =	wrdreg $0xC0  }
0xba: {  	_ =	task [dreg:s22], $0x5FFFF  }
0xbb: {  	[dreg:$0x1] =	wrdreg $0xFFFFFFFF  }
0xbc: {  	[dreg:$0x0] =	wrdreg $0x60  }
0xbd: {  	[dreg:$0x2] =	wrdreg s18  }
0xbe: {  	[dreg:$0x3] =	wrdreg s24  }
0xbf: {  	[dreg:$0x4] =	wrdreg $0x9  }
0xc0: {  	_ =	task.clear_ibuf [dreg:s22], $0x5FFFF;
	_ =	strace $0x90000049  }
0xc1: {  	s29 =	simm.s32 $0x9;
	_ =	strace $0x8000004B  }
0xc2: {  	_ =	swait.ge [sflag:s29], $0x1  }
0xc3: {  	[sflag:s29] =	ssyncadd.s32 $0xFFFFFFFF  }
0xc4: {  	_ =	strace $0x9000004B  }
0xc5: {  	_ =	sfence  }
0xc6: {  	s30 =	sld [smem:$0x0];
	_ =	sdelay $0x2  }
0xc7: {  	s31 =	sshll.u32 s1, $0xD;
	s1 =	sshrl.u32 s1, $0x2  }
0xc8: {  	s4 =	sand.u32 $0x4000, s31;
	s1 =	sadd.s32 s1, s30  }
0xc9: {  	s0 =	sor.u32 s4, s0;
	s1 =	sshll.u32 s1, $0x11  }
0xca: {  	s0 =	sor.u32 s1, s0  }
0xcb: {  	s0 =	sadd.s32 $0x8F2B, s0  }
0xcc: {  	[sflag:s0] =	ssyncadd.remote.s32 $0x1  }
0xcd: {  	_ =	sfence.sel $0xFFFF  }
0xce: {  	[dreg:$0x0] =	wrdreg $0xFFFFFFFF;
	(pc) =	sbr.abs _section_cstart, $3  }
0xcf: {  	[dreg:$0x1] =	wrdreg $0xFFFFFFFF  }
0xd0: {  	_ =	task.clear_ibuf [dreg:s22], $0x2FFFF;
	_ =	strace $0x9FFFFFFF  }
0xd1: {  	(tm) =	ssettm $0x7FFFFFFF  }
tec
execute0_lowered:
.L_overlay_start_1:
0x0: {  	(tag) =	ssettag $0x1  }
0x1: {  	s1 =	srdreg.scid;
	s0 =	stileid.u32  }
0x2: {  	s3 =	rddreg [dreg:$0x0];
	s6 =	sand.u32 $0x1, s1;
	s30 =	sshll.u32 s0, $0x1  }
0x3: {  	s7 =	rddreg [dreg:$0x1];
	s8 =	sor.u32 s6, s30  }
0x4: {  	s2 =	simm.s32 $0x0;
	s1 =	rddreg [dreg:$0x2];
	s4 =	sshll.u32 s8, $0x2  }
0x5: {  	[smem:$0x7FF] =	sst s2;
	s4 =	sadd.s32 s4, s7  }
0x6: {  	_ =	strace $0x8000004A;
	s5 =	sadd.s32 $0x1400, s4;
	s4 =	simm.s32 $0x2  }
0x7: {  	[tilespmem:s2], [sflag:$0x2] =	stream.linear.gather [hbm4b:s5+s2], $0x20, $0x38;
	[tilespmem:$0x8180] =	vst v63  }
0x8: {  	_ =	swait.ge [sflag:s4], $0x20  }
0x9: {  	[sflag:s4] =	ssyncset.done $0x0  }
0xa: {  	[sflag:s4] =	ssyncadd.s32 $0xFFFFFFE0  }
0xb: {  	v0 =	vld [tilespmem:$0x0];
	_ =	sdelay $0x2  }
0xc: {  	v1 =	vld [tilespmem:$0x10];
	_ =	sdelay $0x1  }
0xd: {  	v2 =	vshll.u32 v0, $0x3  }
0xe: {  	v0 =	vand.u32 $0x7, v0;
	v2 =	vand.u32 $0xFFFFFFC0, v2  }
0xf: {  	v0 =	vor.u32 v0, v2  }
0x10: {  	v2 =	vshll.u32 v1, $0x3;
	[tilespmem:$0x80] =	vst v0;
	v3 =	vor.u32 $0x8, v0  }
0x11: {  	v1 =	vand.u32 $0x7, v1;
	v2 =	vand.u32 $0xFFFFFFC0, v2;
	v4 =	vor.u32 $0x18, v0;
	[tilespmem:$0xA0] =	vst v3  }
0x12: {  	v2 =	vor.u32 v1, v2;
	[tilespmem:$0xE0] =	vst v4  }
0x13: {  	v1 =	vor.u32 $0x10, v0;
	[tilespmem:$0x90] =	vst v2  }
0x14: {  	s6 =	ssub.s32 $0x2, s6;
	v3 =	vor.u32 $0x38, v0;
	[tilespmem:$0xC0] =	vst v1  }
0x15: {  	s9 =	sshrl.u32 s6, $0x1;
	v1 =	vor.u32 $0x20, v0;
	[tilespmem:$0x160] =	vst v3  }
0x16: {  	s31 =	ssub.s32 s6, s9;
	v3 =	vor.u32 $0x38, v2;
	[tilespmem:$0x100] =	vst v1  }
0x17: {  	s12 =	smax.u32 s31, $0x1;
	v1 =	vor.u32 $0x28, v0;
	[tilespmem:$0x170] =	vst v3  }
0x18: {  	p0 =	sne.s32 s12, $0x1;
	v3 =	vor.u32 $0x8, v2;
	[tilespmem:$0x120] =	vst v1  }
.Ltmp0:
0x19: {  	v0 =	vor.u32 $0x30, v0;
	[tilespmem:$0xB0] =	vst v3;
	(pc) =	sbr.rel @!p0 .LBB2_2-.Ltmp0, $4  }
0x1a: {  	v1 =	vor.u32 $0x10, v2;
	[tilespmem:$0x140] =	vst v0  }
0x1b: {  	s10 =	simm.s32 $0x100;
	s11 =	simm.s32 $0x4180;
	s8 =	sshll.u32 s8, $0xC;
	v3 =	vor.u32 $0x28, v2;
	[tilespmem:$0xD0] =	vst v1  }
0x1c: {  	s7 =	sadd.s32 s8, s7;
	s8 =	simm.s32 $0x80;
	s9 =	simm.s32 $0x1;
	v1 =	vor.u32 $0x30, v2;
	[tilespmem:$0x130] =	vst v3  }
0x1d: {  	s6 =	sadd.s32 $0xFE00, s7;
	s7 =	simm.s32 $0x180;
	s12 =	sadd.s32 $0xFFFFFFFF, s12;
	v0 =	vor.u32 $0x20, v2;
	[tilespmem:$0x150] =	vst v1;
	v1 =	vor.u32 $0x18, v2  }
.LBB2_1:
0x1e: {  	p0 =	sne.s32 s12, $0x1;
	s12 =	sadd.s32 $0xFFFFFFFF, s12;
	[tilespmem:$0xF0] =	vst v1  }
0x1f: {  	[tilespmem:$0x110] =	vst v0  }
0x20: {  	[tilespmem:s7], [sflag:$0x1] =	stream.indirect.gather [hbm4b:s3+s8], $0x80, s8, s8, $0xb8;
	[tilespmem:$0x8180] =	vst v63  }
0x21: {  	_ = 	snop  }
0x22: {  	[tilespmem:s11], [sflag:$0x1] =	stream.indirect.gather [hbm4b:s3+s8], $0x80, s10, s8, $0xb8;
	[tilespmem:$0x8180] =	vst v63  }
0x23: {  	_ =	swait.ge [sflag:s9], $0x4000  }
0x24: {  	[sflag:s9] =	ssyncset.done $0x0  }
0x25: {  	[sflag:s9] =	ssyncadd.s32 $0xFFFFC000  }
0x26: {  	_ =	swait.ge [sflag:s9], $0x4000  }
0x27: {  	[sflag:s9] =	ssyncset.done $0x0  }
0x28: {  	[sflag:s9] =	ssyncadd.s32 $0xFFFFC000  }
0x29: {  	[hbm4b:s6+s2] =	stream.linear.scatter [tilespmem:s7], [sflag:$0x2], $0x8000, $0x38;
	[tilespmem:$0x8180] =	vst v63  }
0x2a: {  	_ =	swait.ge [sflag:s4], $0x8000  }
0x2b: {  	[sflag:s4] =	ssyncset.done $0x0  }
0x2c: {  	[sflag:s4] =	ssyncadd.s32 $0xFFFF8000  }
0x2d: {  	[tilespmem:s2], [sflag:$0x2] =	stream.linear.gather [hbm4b:s5+s2], $0x20, $0x38;
	[tilespmem:$0x8180] =	vst v63  }
0x2e: {  	_ =	swait.ge [sflag:s4], $0x20  }
0x2f: {  	[sflag:s4] =	ssyncset.done $0x0  }
0x30: {  	[sflag:s4] =	ssyncadd.s32 $0xFFFFFFE0  }
0x31: {  	v0 =	vld [tilespmem:$0x0]  }
0x32: {  	v1 =	vld [tilespmem:$0x10];
	_ =	sdelay $0x3  }
0x33: {  	v2 =	vshll.u32 v0, $0x3;
	v0 =	vand.u32 $0x7, v0  }
0x34: {  	v2 =	vand.u32 $0xFFFFFFC0, v2;
	v3 =	vshll.u32 v1, $0x3;
	v1 =	vand.u32 $0x7, v1  }
0x35: {  	v2 =	vor.u32 v0, v2;
	v0 =	vand.u32 $0xFFFFFFC0, v3  }
0x36: {  	[tilespmem:$0x80] =	vst v2;
	v3 =	vor.u32 $0x8, v2;
	v4 =	vor.u32 $0x10, v2;
	v5 =	vor.u32 $0x18, v2  }
0x37: {  	v6 =	vor.u32 $0x38, v2;
	v7 =	vor.u32 v1, v0;
	[tilespmem:$0xA0] =	vst v3;
	v3 =	vor.u32 $0x20, v2  }
0x38: {  	v8 =	vor.u32 $0x10, v7;
	v9 =	vor.u32 $0x38, v7;
	[tilespmem:$0xE0] =	vst v5;
	v5 =	vor.u32 $0x8, v7  }
0x39: {  	v1 =	vor.u32 $0x18, v7;
	v0 =	vor.u32 $0x20, v7;
	v10 =	vor.u32 $0x28, v7;
	[tilespmem:$0x90] =	vst v7  }
0x3a: {  	v7 =	vor.u32 $0x30, v7;
	[tilespmem:$0xC0] =	vst v4;
	v4 =	vor.u32 $0x28, v2;
	v2 =	vor.u32 $0x30, v2  }
0x3b: {  	[tilespmem:$0x160] =	vst v6  }
0x3c: {  	[tilespmem:$0x100] =	vst v3  }
0x3d: {  	[tilespmem:$0x170] =	vst v9  }
0x3e: {  	[tilespmem:$0x120] =	vst v4  }
.Ltmp1:
0x3f: {  	[tilespmem:$0xB0] =	vst v5;
	(pc) =	sbr.rel @p0 .LBB2_1-.Ltmp1, $4  }
0x40: {  	[tilespmem:$0xD0] =	vst v8  }
0x41: {  	[tilespmem:$0x140] =	vst v2  }
0x42: {  	[tilespmem:$0x150] =	vst v7  }
0x43: {  	[tilespmem:$0x130] =	vst v10  }
.LBB2_2:
0x44: {  	[tilespmem:$0xF0] =	vst v1  }
0x45: {  	[tilespmem:$0x110] =	vst v0  }
0x46: {  	[tilespmem:s7], [sflag:$0x1] =	stream.indirect.gather [hbm4b:s3+s8], $0x80, s8, s8, $0xb8;
	[tilespmem:$0x8180] =	vst v63  }
0x47: {  	_ = 	snop  }
0x48: {  	[tilespmem:s11], [sflag:$0x1] =	stream.indirect.gather [hbm4b:s3+s8], $0x80, s10, s8, $0xb8;
	[tilespmem:$0x8180] =	vst v63  }
0x49: {  	_ =	swait.ge [sflag:s9], $0x4000  }
0x4a: {  	[sflag:s9] =	ssyncset.done $0x0  }
0x4b: {  	[sflag:s9] =	ssyncadd.s32 $0xFFFFC000  }
0x4c: {  	_ =	swait.ge [sflag:s9], $0x4000  }
0x4d: {  	[sflag:s9] =	ssyncset.done $0x0  }
0x4e: {  	[sflag:s9] =	ssyncadd.s32 $0xFFFFC000  }
0x4f: {  	[hbm4b:s6+s2] =	stream.linear.scatter [tilespmem:s7], [sflag:$0x2], $0x8000, $0x38;
	[tilespmem:$0x8180] =	vst v63  }
0x50: {  	_ =	swait.ge [sflag:s4], $0x8000  }
0x51: {  	[sflag:s4] =	ssyncset.done $0x0  }
0x52: {  	[sflag:s4] =	ssyncadd.s32 $0xFFFF8000  }
0x53: {  	_ =	sfence.sel $0x180000  }
0x54: {  	[bflag:$0x0] =	sbarrier.arrive $0xFFFF  }
0x55: {  	p0 =	sne.s32 s0, $0x0;
	_ =	strace $0x9000004A  }
0x56: {  	s0 =	sadd.s32 @!p0 $0x100000, s1;
	[bflag:$0x2] =	sbarrier.arrive $0xFFFF  }
0x57: {  	[sflag:s0] =	ssyncadd.tile.s32 @!p0 $0x1;
	_ =	shalt  }
.Lfunc_end2:
_tile_overlayer_lowered:
.L_overlay_start_2:
0x58: {  	(tag) =	ssettag $0x2  }
0x59: {  	s0 =	rddreg [dreg:$0x0];
	s2 =	stileid.u32  }
0x5a: {  	s1 =	rddreg [dreg:$0x1];
	p0 =	sne.s32 s2, $0x0  }
0x5b: {  	s3 =	rddreg [dreg:$0x2];
	[bflag:$0x3] =	sbarrier.arrive $0xFFFF;
	s2 =	simm.s32 @!p0 $0x1C02  }
0x5c: {  	[timem:s3], [sflag:s2] =	dma.local @!p0 [hbm:s0], s1  }
0x5d: {  	s0 =	simm.s32 @!p0 $0x2  }
0x5e: {  	_ =	swait.ge @!p0 [sflag:s0], s1  }
0x5f: {  	s1 =	ssub.s32 @!p0 $0x0, s1;
	[sflag:s0] =	ssyncset.done @!p0 $0x0  }
0x60: {  	[sflag:s0] =	ssyncadd.s32 @!p0 s1  }
0x61: {  	[bflag:$0x3] =	sbarrier.arrive $0xFFFF  }
0x62: {  	_ =	shalt  }

// kernel: kernel.9.cloned.1.call-start
scs
__scs_entry_jumppad:
0x0: {  	(pc) =	sbr.rel $0x88, $3  }
0x1: {  	(tag) =	ssettag $0x0;
	lr =	simm.s32 $0x1  }
0x2: {  	[smem:$0x3F9E] =	sst lr;
	_ =	strace $0xD0000000  }
0x3: {  	_ = 	snop  }
0x4: {  	_ = 	snop  }
0x5: {  	_ = 	snop  }
0x6: {  	_ = 	snop  }
0x7: {  	_ = 	snop  }
__scs_overlays_trampoline_lowered:
0x8: {  	[smem:$0x3FAD] =	sst s0  }
0x9: {  	[smem:$0x3FAE] =	sst s1  }
0xa: {  	[smem:$0x3FAF] =	sst s2  }
0xb: {  	[smem:$0x3FB0] =	sst s3  }
0xc: {  	[smem:$0x3FB1] =	sst s4  }
0xd: {  	[smem:$0x3FB2] =	sst s5  }
0xe: {  	[smem:$0x3FB3] =	sst s6  }
0xf: {  	[smem:$0x3FB4] =	sst s7  }
0x10: {  	[smem:$0x3FB5] =	sst s8  }
0x11: {  	[smem:$0x3FB6] =	sst s9;
	s0 =	simm.s32 @!p0 $0x0  }
0x12: {  	s1 =	sld [smem:$0x3F9C];
	s0 =	simm.s32 @p0 $0x1  }
0x13: {  	[smem:$0x3FB7] =	sst s0;
	s0 =	simm.s32 @!p1 $0x0  }
0x14: {  	s2 =	sld [smem:$0x3F9B];
	s0 =	simm.s32 @p1 $0x1  }
0x15: {  	[smem:$0x3FB8] =	sst s0;
	s0 =	simm.s32 @!p2 $0x0  }
0x16: {  	s3 =	sld [smem:$0x3FDB];
	s0 =	simm.s32 @p2 $0x1  }
0x17: {  	s4 =	simm.s32 $0x1BF5;
	[smem:$0x3FBA] =	sst s0  }
0x18: {  	s0 =	sld [smem:$0x3F9D];
	_ =	swait.ge [sflag:s4], $0x0  }
0x19: {  	s7 =	sld [smem:$0x3F9E]  }
0x1a: {  	s8 =	sadd.s32 $0xFFFFE003, lr  }
0x1b: {  	s9 =	sadd.s32 $0xFFFFFEF7, lr;
	s5 =	simm.s32 $0xFFFFFFFF;
	p2 =	slt.u32 s8, $0xFFFFF086  }
0x1c: {  	p1 =	slt.u32 s9, $0xF7A;
	s5 =	simm.s32 @!p2 $0x0  }
0x1d: {  	s5 =	simm.s32 @p1 $0x1;
	p0 =	seq.s32 s7, s2  }
0x1e: {  	s7 =	smul.u32 @!p0 $0xF7A, s2;
	p2 =	seq.s32 @!p0 s5, $0x0  }
0x1f: {  	s9 =	smul.u32 $0xF7A, s1;
	s8 =	simm.s32 @!p0 $0x1BF5;
	p2 =	por !p2, p0  }
0x20: {  	[sflag:s8] =	ssyncset.s32 @!p0 $0xFFFFF086;
	s6 =	sadd.s32 @!p0 s3, s7;
	s7 =	simm.s32 @!p0 $0x108  }
0x21: {  	s3 =	sadd.s32 s3, s9;
	s6 =	sadd.s32 @!p0 $0x88, s6;
	s7 =	simm.s32 @p2 $0x1082  }
0x22: {  	[simem:s7], [sflag:s8] =	dma.local @!p0 [hbm:s6], $0xF7A  }
0x23: {  	s9 =	sor.u32 $0xD0000000, s2;
	s6 =	simm.s32 $0x108;
	_ =	swait.ge @!p0 [sflag:s8], $0x0  }
0x24: {  	s3 =	sadd.s32 $0x88, s3;
	s6 =	simm.s32 @!p1 $0x1082;
	[sflag:s4] =	ssyncset.s32 $0xFFFFF086  }
0x25: {  	[simem:s6], [sflag:s4] =	dma.local [hbm:s3], $0xF7A  }
0x26: {  	[smem:$0x3F9E] =	sst s1;
	(tag) =	ssettag s2;
	_ =	strace s9  }
0x27: {  	s1 =	sld [smem:$0x3FAE]  }
0x28: {  	s2 =	sld [smem:$0x3FAF]  }
0x29: {  	s4 =	sld [smem:$0x3FB1]  }
0x2a: {  	p0 =	seq.s32 s5, $0x0;
	s5 =	sld [smem:$0x3FB2]  }
0x2b: {  	s6 =	sld [smem:$0x3FB3]  }
0x2c: {  	s7 =	sld [smem:$0x3FB4]  }
0x2d: {  	s3 =	simm.s32 $0x108;
	s8 =	sld [smem:$0x3FB5]  }
0x2e: {  	s3 =	simm.s32 @!p0 $0x1082;
	s9 =	sld [smem:$0x3FB6]  }
0x2f: {  	lr =	sadd.s32 s0, s3;
	s0 =	sld [smem:$0x3FAD]  }
0x30: {  	s3 =	sld [smem:$0x3FB0]  }
0x31: {  	[smem:$0x3FB9] =	sst s10  }
0x32: {  	s10 =	sld [smem:$0x3FB7];
	_ =	sdelay $0x3  }
0x33: {  	p0 =	seq.s32 s10, $0x1;
	s10 =	sld [smem:$0x3FB9];
	_ =	sdelay $0x3  }
0x34: {  	[smem:$0x3FB9] =	sst s10  }
0x35: {  	s10 =	sld [smem:$0x3FB8];
	_ =	sdelay $0x3  }
0x36: {  	p1 =	seq.s32 s10, $0x1;
	s10 =	sld [smem:$0x3FB9];
	_ =	sdelay $0x3  }
0x37: {  	[smem:$0x3FB9] =	sst s10  }
0x38: {  	s10 =	sld [smem:$0x3FBA]  }
0x39: {  	_ = 	snop;
	(pc) =	sbr.ind lr, $3  }
0x3a: {  	_ = 	snop  }
0x3b: {  	_ = 	snop  }
0x3c: {  	p2 =	seq.s32 s10, $0x1;
	s10 =	sld [smem:$0x3FB9]  }
0x3d: {  	_ =	shalt  }
0x3e: {  	_ =	shalt  }
0x3f: {  	_ =	shalt  }
0x40: {  	_ =	shalt  }
0x41: {  	_ =	shalt  }
0x42: {  	_ =	shalt  }
0x43: {  	_ =	shalt  }
0x44: {  	_ =	shalt  }
0x45: {  	_ =	shalt  }
0x46: {  	_ =	shalt  }
0x47: {  	_ =	shalt  }
0x48: {  	_ =	shalt  }
0x49: {  	_ =	shalt  }
0x4a: {  	_ =	shalt  }
0x4b: {  	_ =	shalt  }
0x4c: {  	_ =	shalt  }
0x4d: {  	_ =	shalt  }
0x4e: {  	_ =	shalt  }
0x4f: {  	_ =	shalt  }
0x50: {  	_ =	shalt  }
0x51: {  	_ =	shalt  }
0x52: {  	_ =	shalt  }
0x53: {  	_ =	shalt  }
0x54: {  	_ =	shalt  }
0x55: {  	_ =	shalt  }
0x56: {  	_ =	shalt  }
0x57: {  	_ =	shalt  }
0x58: {  	_ =	shalt  }
0x59: {  	_ =	shalt  }
0x5a: {  	_ =	shalt  }
0x5b: {  	_ =	shalt  }
0x5c: {  	_ =	shalt  }
0x5d: {  	_ =	shalt  }
0x5e: {  	_ =	shalt  }
0x5f: {  	_ =	shalt  }
0x60: {  	_ =	shalt  }
0x61: {  	_ =	shalt  }
0x62: {  	_ =	shalt  }
0x63: {  	_ =	shalt  }
0x64: {  	_ =	shalt  }
0x65: {  	_ =	shalt  }
0x66: {  	_ =	shalt  }
0x67: {  	_ =	shalt  }
0x68: {  	_ =	shalt  }
0x69: {  	_ =	shalt  }
0x6a: {  	_ =	shalt  }
0x6b: {  	_ =	shalt  }
0x6c: {  	_ =	shalt  }
0x6d: {  	_ =	shalt  }
0x6e: {  	_ =	shalt  }
0x6f: {  	_ =	shalt  }
0x70: {  	_ =	shalt  }
0x71: {  	_ =	shalt  }
0x72: {  	_ =	shalt  }
0x73: {  	_ =	shalt  }
0x74: {  	_ =	shalt  }
0x75: {  	_ =	shalt  }
0x76: {  	_ =	shalt  }
0x77: {  	_ =	shalt  }
0x78: {  	_ =	shalt  }
0x79: {  	_ =	shalt  }
0x7a: {  	_ =	shalt  }
0x7b: {  	_ =	shalt  }
0x7c: {  	_ =	shalt  }
0x7d: {  	_ =	shalt  }
0x7e: {  	_ =	shalt  }
0x7f: {  	_ =	shalt  }
0x80: {  	_ =	shalt  }
0x81: {  	_ =	shalt  }
0x82: {  	_ =	shalt  }
0x83: {  	_ =	shalt  }
0x84: {  	_ =	shalt  }
0x85: {  	_ =	shalt  }
0x86: {  	_ =	shalt  }
0x87: {  	_ =	shalt  }
.Lfunc_end0:
.L_simem_size_0:
called_computation.1_lowered:
.L_overlay_start_0:
0x88: {  	s2 =	sld [smem:$0x3FD9]  }
0x89: {  	s3 =	sld [smem:$0x3FFE];
	_ =	sdelay $0x1  }
0x8a: {  	s1 =	srdreg.scid  }
0x8b: {  	s0 =	sand.u32 $0x1, s1  }
0x8c: {  	s17 =	sshll.u32 s0, $0xA;
	s2 =	sadd.s32 s3, s2  }
0x8d: {  	s2 =	sadd.s32 s2, s17  }
0x8e: {  	[smem:$0x3FC5] =	sst s2  }
0x8f: {  	_ = 	snop  }
0x90: {  	s2 =	sld [smem:$0x3FC9];
	(tm) =	ssettm $0x1  }
0x91: {  	s18 =	sld [smem:$0x3FFB];
	_ =	sdelay $0x3  }
0x92: {  	_ =	strace s18  }
0x93: {  	s3 =	sld [smem:$0x3FFC];
	_ =	sdelay $0x3  }
0x94: {  	_ =	strace s3  }
0x95: {  	s3 =	sld [smem:$0x3FFD];
	_ =	sdelay $0x3  }
0x96: {  	_ =	strace s3  }
0x97: {  	_ =	strace $0x8FFFFFFF  }
0x98: {  	s19 =	sld [smem:$0x3FDB];
	_ =	sdelay $0x1  }
0x99: {  	s4 =	simm.s32 $_scs_section_size  }
0x9a: {  	s5 =	simm.s32 $_size__tile_overlayer_lowered;
	s6 =	simm.s32 $_tile_overlayer_lowered  }
0x9b: {  	s22 =	simm.s32 $0x1BFF;
	s21 =	sshll.u32 s6, $0x1;
	s3 =	sadd.s32 s4, s19  }
0x9c: {  	s7 =	simm.s32 $0x0;
	s20 =	sshll.u32 s5, $0x1;
	s5 =	sadd.s32 s21, s3  }
0x9d: {  	[timem:s7], [sflag:s22] =	dma.local [hbm:s5], s20  }
0x9e: {  	_ =	swait.ge [sflag:s22], s20  }
0x9f: {  	s4 =	ssub.s32 $0x0, s20;
	[sflag:s22] =	ssyncset.done $0x0  }
0xa0: {  	[sflag:s22] =	ssyncadd.s32 s4;
	_ =	sdelay $0x1  }
0xa1: {  	s23 =	simm.s32 $0x1B8B  }
0xa2: {  	_ =	swait.ge [sflag:s23], $0x1  }
0xa3: {  	[sflag:s23] =	ssyncset.done $0x0  }
0xa4: {  	s25 =	simm.s32 $0x1B8E;
	s24 =	sld [smem:$0x3FFE];
	[sflag:s23] =	ssyncadd.s32 $0xFFFFFFFF  }
0xa5: {  	s26 =	simm.s32 $execute0_lowered;
	[smem:$0x3FD2] =	sst s25  }
0xa6: {  	s5 =	sshll.u32 s26, $0x1;
	_ =	strace $0x80000046;
	[dreg:$0x1] =	wrdreg $0xFFFFFFFF  }
0xa7: {  	s28 =	simm.s32 $_size_execute0_lowered;
	s3 =	sadd.s32 s3, s5;
	[dreg:$0x0] =	wrdreg $0x0  }
0xa8: {  	s5 =	sshll.u32 s28, $0x1;
	[dreg:$0x2] =	wrdreg s3  }
0xa9: {  	[dreg:$0x3] =	wrdreg s5  }
0xaa: {  	[dreg:$0x4] =	wrdreg $0xC0  }
0xab: {  	_ =	task [dreg:s7], $0x5FFFF  }
0xac: {  	[dreg:$0x1] =	wrdreg $0xFFFFFFFF  }
0xad: {  	[dreg:$0x0] =	wrdreg $0x60  }
0xae: {  	[dreg:$0x2] =	wrdreg s2  }
0xaf: {  	[dreg:$0x3] =	wrdreg s24  }
0xb0: {  	[dreg:$0x4] =	wrdreg $0xA  }
0xb1: {  	_ =	task.clear_ibuf [dreg:s7], $0x5FFFF;
	_ =	strace $0x90000046  }
0xb2: {  	s29 =	simm.s32 $0xA;
	_ =	strace $0x80000048  }
0xb3: {  	_ =	swait.ge [sflag:s29], $0x1  }
0xb4: {  	[sflag:s29] =	ssyncadd.s32 $0xFFFFFFFF  }
0xb5: {  	_ =	strace $0x90000048  }
0xb6: {  	_ =	sfence  }
0xb7: {  	s30 =	sld [smem:$0x0];
	_ =	sdelay $0x2  }
0xb8: {  	s31 =	sshll.u32 s1, $0xD;
	s1 =	sshrl.u32 s1, $0x2  }
0xb9: {  	s3 =	sand.u32 $0x4000, s31;
	s1 =	sadd.s32 s1, s30  }
0xba: {  	s0 =	sor.u32 s3, s0;
	s1 =	sshll.u32 s1, $0x11  }
0xbb: {  	s0 =	sor.u32 s1, s0  }
0xbc: {  	s0 =	sadd.s32 $0x8F2B, s0  }
0xbd: {  	[sflag:s0] =	ssyncadd.remote.s32 $0x1  }
0xbe: {  	_ =	sfence.sel $0xFFFF  }
0xbf: {  	[dreg:$0x0] =	wrdreg $0xFFFFFFFF;
	(pc) =	sbr.abs _section_cstart, $3  }
0xc0: {  	[dreg:$0x1] =	wrdreg $0xFFFFFFFF  }
0xc1: {  	_ =	task.clear_ibuf [dreg:s7], $0x2FFFF;
	_ =	strace $0x9FFFFFFF  }
0xc2: {  	(tm) =	ssettm $0x7FFFFFFF  }
0xc3: {  	_ =	shalt  }
tec
execute0_lowered:
.L_overlay_start_1:
0x0: {  	(tag) =	ssettag $0x1  }
0x1: {  	s1 =	srdreg.scid;
	s0 =	stileid.u32  }
0x2: {  	s4 =	sand.u32 $0x1, s1;
	s25 =	sshll.u32 s0, $0x1  }
0x3: {  	s5 =	sor.u32 s4, s25  }
0x4: {  	s2 =	rddreg [dreg:$0x0];
	s7 =	sshll.u32 s5, $0x5  }
0x5: {  	s6 =	rddreg [dreg:$0x1];
	s3 =	simm.s32 $0x0;
	v0 =	vmov s7;
	s8 =	sor.u32 $0x10, s7  }
0x6: {  	s12 =	simm.s32 $0xD00;
	s13 =	simm.s32 $0x380;
	s14 =	simm.s32 $0x1500;
	v0 =	vshrl.u32 v0, $0x4;
	v1 =	vmov s8  }
0x7: {  	s15 =	simm.s32 $0x400;
	s16 =	simm.s32 $0x1D00;
	s17 =	simm.s32 $0x480;
	v2 =	vbroadcast v0, $0x0;
	v0 =	vshrl.u32 v1, $0x4;
	v1 =	vlaneseq.u32  }
0x8: {  	s18 =	simm.s32 $0x2500;
	s19 =	simm.s32 $0x1;
	s10 =	sor.u32 $0x11, s7;
	v7 =	vshrl.u32 v1, $0x3  }
0x9: {  	s1 =	rddreg [dreg:$0x2];
	s30 =	sor.u32 $0x15, s7;
	s31 =	sor.u32 $0x19, s7;
	v3 =	vbroadcast v0, $0x0;
	v0 =	vand.u32 $0x7FFFFF8, v2;
	v4 =	vadd.s32 s10, v7  }
0xa: {  	s4 =	ssub.s32 $0x2, s4;
	s9 =	smul.u32 $0x50, s5;
	s11 =	sor.u32 $0x1D, s7;
	v1 =	vand.u32 $0x6, v2;
	v6 =	vadd.s32 s30, v7;
	v9 =	vadd.s32 s31, v7  }
0xb: {  	[smem:$0x7FF] =	sst s3;
	s5 =	smul.u32 $0x500, s5;
	s28 =	sshrl.u32 s4, $0x1;
	v10 =	vadd.s32 s11, v7;
	v2 =	vand.u32 $0x7FFFFF8, v3;
	v5 =	vshrl.u32 v4, $0x4  }
0xc: {  	_ =	strace $0x80000047;
	s29 =	ssub.s32 s4, s28;
	s7 =	simm.s32 $0x2;
	v3 =	vand.u32 $0x7, v3;
	v8 =	vshrl.u32 v6, $0x4;
	v9 =	vshrl.u32 v9, $0x4  }
0xd: {  	s26 =	sadd.s32 s9, s6;
	s5 =	sadd.s32 s5, s6;
	s6 =	smax.u32 s29, $0x1;
	v11 =	vshrl.u32 v10, $0x4;
	v4 =	vand.u32 $0x7FFFFF8, v5;
	v5 =	vand.u32 $0x7, v5  }
0xe: {  	s8 =	simm.s32 $0x80;
	s9 =	simm.s32 $0x280;
	s4 =	sadd.s32 $0x5400, s26;
	v6 =	vand.u32 $0x7FFFFF8, v8;
	v7 =	vand.u32 $0x7, v8;
	v8 =	vand.u32 $0x7FFFFF8, v9  }
0xf: {  	s5 =	sadd.s32 $0x5E00, s5;
	s10 =	simm.s32 $0x500;
	s11 =	simm.s32 $0x300;
	v9 =	vand.u32 $0x7, v9;
	v10 =	vand.u32 $0x7FFFFF8, v11;
	v11 =	vand.u32 $0x7, v11  }
.LBB2_1:
0x10: {  	[tilespmem:s3], [sflag:$0x2] =	stream.linear.gather [hbm4b:s4+s3], $0x280, $0x38;
	[tilespmem:$0x2D00] =	vst v63  }
0x11: {  	_ =	swait.ge [sflag:s7], $0x280  }
0x12: {  	[sflag:s7] =	ssyncset.done $0x0  }
0x13: {  	[sflag:s7] =	ssyncadd.s32 $0xFFFFFD80  }
0x14: {  	v12 =	vld [tilespmem:$0x0]  }
0x15: {  	v13 =	vld [tilespmem:$0x10]  }
0x16: {  	v15 =	vld [tilespmem:$0x20]  }
0x17: {  	v45 =	vld [tilespmem:$0x30]  }
0x18: {  	v18 =	vld [tilespmem:$0x40]  }
0x19: {  	v48 =	vld [tilespmem:$0x50]  }
0x1a: {  	v19 =	vld [tilespmem:$0x60]  }
0x1b: {  	v52 =	vld [tilespmem:$0x70]  }
0x1c: {  	v22 =	vld [tilespmem:$0x80]  }
0x1d: {  	v55 =	vld [tilespmem:$0x90]  }
0x1e: {  	v24 =	vld [tilespmem:$0xA0]  }
0x1f: {  	v60 =	vld [tilespmem:$0xB0]  }
0x20: {  	v25 =	vld [tilespmem:$0xC0]  }
0x21: {  	v63 =	vld [tilespmem:$0xD0];
	v14 =	vshll.u32 v12, $0x3  }
0x22: {  	v28 =	vld [tilespmem:$0xE0];
	v12 =	vand.u32 $0x7, v12;
	v16 =	vshll.u32 v13, $0x3;
	v17 =	vshll.u32 v15, $0x3  }
0x23: {  	v34 =	vld [tilespmem:$0xF0];
	v13 =	vand.u32 $0x7, v13;
	v15 =	vand.u32 $0x7, v15;
	v47 =	vshll.u32 v45, $0x3  }
0x24: {  	v30 =	vld [tilespmem:$0x100];
	v20 =	vand.u32 $0x7, v45;
	v21 =	vshll.u32 v18, $0x3;
	v18 =	vand.u32 $0x7, v18  }
0x25: {  	v39 =	vld [tilespmem:$0x110];
	v51 =	vshll.u32 v48, $0x3;
	v53 =	vshll.u32 v19, $0x3;
	v19 =	vand.u32 $0x7, v19  }
0x26: {  	v42 =	vld [tilespmem:$0x130];
	v57 =	vshll.u32 v52, $0x3;
	v23 =	vshll.u32 v22, $0x3;
	v22 =	vand.u32 $0x7, v22  }
0x27: {  	v59 =	vshll.u32 v55, $0x3;
	v26 =	vshll.u32 v24, $0x3;
	v24 =	vand.u32 $0x7, v24  }
0x28: {  	v62 =	vshll.u32 v60, $0x3;
	v27 =	vshll.u32 v25, $0x3;
	v25 =	vand.u32 $0x7, v25  }
0x29: {  	v36 =	vshll.u32 v63, $0x3;
	v29 =	vshll.u32 v28, $0x3;
	v28 =	vand.u32 $0x7, v28  }
0x2a: {  	v38 =	vshll.u32 v34, $0x3;
	v32 =	vshll.u32 v30, $0x3;
	v30 =	vand.u32 $0x7, v30  }
0x2b: {  	v41 =	vshll.u32 v39, $0x3;
	v45 =	vshll.u32 v42, $0x3;
	v14 =	vand.u32 $0x1FFFFFC0, v14  }
0x2c: {  	v16 =	vand.u32 $0x1FFFFFC0, v16;
	v17 =	vand.u32 $0x1FFFFFC0, v17;
	v50 =	vand.u32 $0x1FFFFFC0, v21  }
0x2d: {  	v21 =	vand.u32 $0x1FFFFFC0, v53;
	v23 =	vand.u32 $0x1FFFFFC0, v23;
	v61 =	vand.u32 $0x1FFFFFC0, v26  }
0x2e: {  	v44 =	vld [tilespmem:$0x150];
	v27 =	vand.u32 $0x1FFFFFC0, v27;
	v26 =	vand.u32 $0x7, v63;
	v29 =	vand.u32 $0x1FFFFFC0, v29  }
0x2f: {  	v40 =	vand.u32 $0x1FFFFFC0, v32;
	v32 =	vand.u32 $0x7, v42;
	v14 =	vadd.s32 v0, v14  }
0x30: {  	v16 =	vadd.s32 v0, v16;
	v46 =	vadd.s32 v0, v17;
	v17 =	vand.u32 $0x7, v48  }
0x31: {  	v21 =	vadd.s32 v0, v21;
	v58 =	vadd.s32 v0, v23;
	v23 =	vand.u32 $0x7, v60  }
0x32: {  	v27 =	vadd.s32 v0, v27;
	v37 =	vadd.s32 v0, v29;
	v29 =	vand.u32 $0x7, v39  }
0x33: {  	v48 =	vshll.u32 v44, $0x3;
	v12 =	vor.u32 v12, v14;
	v13 =	vor.u32 v13, v16  }
0x34: {  	v15 =	vor.u32 v15, v46;
	v16 =	vand.u32 $0x1FFFFFC0, v47;
	v19 =	vor.u32 v19, v21  }
0x35: {  	v21 =	vand.u32 $0x7, v55;
	v25 =	vor.u32 v25, v27;
	v27 =	vand.u32 $0x7, v34  }
0x36: {  	v12 =	vshll.u32 v12, $0x3;
	v13 =	vshll.u32 v13, $0x3;
	v15 =	vshll.u32 v15, $0x3  }
0x37: {  	v16 =	vadd.s32 v0, v16;
	v56 =	vshll.u32 v19, $0x3;
	v19 =	vand.u32 $0x1FFFFFC0, v57  }
0x38: {  	v35 =	vshll.u32 v25, $0x3;
	v25 =	vand.u32 $0x1FFFFFC0, v36;
	v12 =	vor.u32 v1, v12  }
0x39: {  	v13 =	vor.u32 v1, v13;
	v14 =	vor.u32 v1, v15;
	v49 =	vor.u32 v20, v16  }
0x3a: {  	v16 =	vadd.s32 v0, v50;
	v19 =	vadd.s32 v0, v19;
	v20 =	vand.u32 $0x7, v52  }
0x3b: {  	v25 =	vadd.s32 v0, v25;
	v15 =	vshll.u32 v49, $0x3;
	v16 =	vor.u32 v18, v16  }
0x3c: {  	v18 =	vand.u32 $0x1FFFFFC0, v51;
	v19 =	vor.u32 v20, v19;
	v20 =	vor.u32 v22, v58  }
0x3d: {  	v22 =	vand.u32 $0x1FFFFFC0, v59;
	v25 =	vor.u32 v26, v25;
	v26 =	vor.u32 v28, v37  }
0x3e: {  	v28 =	vand.u32 $0x1FFFFFC0, v38;
	v15 =	vor.u32 v1, v15;
	v16 =	vshll.u32 v16, $0x3  }
0x3f: {  	v18 =	vadd.s32 v0, v18;
	v19 =	vshll.u32 v19, $0x3;
	v20 =	vshll.u32 v20, $0x3  }
0x40: {  	v47 =	vld [tilespmem:$0x170];
	v22 =	vadd.s32 v0, v22;
	v25 =	vshll.u32 v25, $0x3;
	v26 =	vshll.u32 v26, $0x3  }
0x41: {  	v28 =	vadd.s32 v0, v28;
	v18 =	vor.u32 v17, v18;
	v17 =	vor.u32 v1, v16  }
0x42: {  	v36 =	vld [tilespmem:$0x160];
	v16 =	vor.u32 v1, v56;
	v19 =	vor.u32 v1, v19;
	v20 =	vor.u32 v1, v20  }
0x43: {  	v57 =	vld [tilespmem:$0x1B0];
	v21 =	vor.u32 v21, v22;
	v22 =	vadd.s32 v0, v61;
	v25 =	vor.u32 v1, v25  }
0x44: {  	v26 =	vor.u32 v1, v26;
	v27 =	vor.u32 v27, v28;
	v28 =	vadd.s32 v0, v40  }
0x45: {  	v39 =	vshll.u32 v47, $0x3;
	v54 =	vshll.u32 v18, $0x3;
	v21 =	vshll.u32 v21, $0x3  }
0x46: {  	v50 =	vld [tilespmem:$0x190];
	v22 =	vor.u32 v24, v22;
	v24 =	vand.u32 $0x1FFFFFC0, v62;
	v27 =	vshll.u32 v27, $0x3  }
0x47: {  	v28 =	vor.u32 v30, v28;
	v30 =	vand.u32 $0x1FFFFFC0, v41;
	v38 =	vshll.u32 v36, $0x3  }
0x48: {  	v34 =	vld [tilespmem:$0x140];
	v36 =	vand.u32 $0x7, v36;
	v51 =	vand.u32 $0x1FFFFFC0, v39;
	v42 =	vshll.u32 v57, $0x3  }
0x49: {  	v37 =	vld [tilespmem:$0x180];
	v18 =	vor.u32 v1, v54;
	v21 =	vor.u32 v1, v21;
	v22 =	vshll.u32 v22, $0x3  }
0x4a: {  	v24 =	vadd.s32 v0, v24;
	v27 =	vor.u32 v1, v27;
	v28 =	vshll.u32 v28, $0x3  }
0x4b: {  	v30 =	vadd.s32 v0, v30;
	v49 =	vand.u32 $0x1FFFFFC0, v38;
	v56 =	vshll.u32 v50, $0x3  }
0x4c: {  	v31 =	vld [tilespmem:$0x120];
	v62 =	vand.u32 $0x7, v50;
	v24 =	vor.u32 v23, v24;
	v23 =	vor.u32 v1, v22  }
0x4d: {  	v22 =	vor.u32 v1, v35;
	v29 =	vor.u32 v29, v30;
	v28 =	vor.u32 v1, v28  }
0x4e: {  	v35 =	vshll.u32 v34, $0x3;
	v34 =	vand.u32 $0x7, v34;
	v52 =	vshll.u32 v37, $0x3  }
0x4f: {  	v40 =	vld [tilespmem:$0x1A0];
	v55 =	vand.u32 $0x7, v37;
	v59 =	vand.u32 $0x1FFFFFC0, v56;
	v33 =	vshll.u32 v24, $0x3  }
0x50: {  	v29 =	vshll.u32 v29, $0x3;
	v35 =	vand.u32 $0x1FFFFFC0, v35;
	v53 =	vand.u32 $0x1FFFFFC0, v52  }
0x51: {  	v61 =	vadd.s32 v2, v59;
	v24 =	vor.u32 v1, v33;
	v33 =	vshll.u32 v31, $0x3  }
0x52: {  	v60 =	vld [tilespmem:$0x1C0];
	v31 =	vand.u32 $0x7, v31;
	v29 =	vor.u32 v1, v29;
	v46 =	vadd.s32 v2, v35  }
0x53: {  	[tilespmem:$0x2A0] =	vst v14;
	v50 =	vld [tilespmem:$0x1F0];
	v35 =	vand.u32 $0x7, v47;
	v54 =	vadd.s32 v2, v53;
	v14 =	vor.u32 v62, v61  }
0x54: {  	v37 =	vshll.u32 v40, $0x3;
	v41 =	vand.u32 $0x7, v40;
	v47 =	vand.u32 $0x7, v57  }
0x55: {  	[tilespmem:$0x280] =	vst v12;
	v33 =	vand.u32 $0x1FFFFFC0, v33;
	v12 =	vor.u32 v55, v54;
	v38 =	vand.u32 $0x1FFFFFC0, v37  }
0x56: {  	v14 =	vshll.u32 v14, $0x3;
	v43 =	vadd.s32 v0, v33;
	v33 =	vand.u32 $0x1FFFFFC0, v45  }
0x57: {  	[tilespmem:$0x2C0] =	vst v17;
	v12 =	vshll.u32 v12, $0x3;
	v17 =	vadd.s32 v2, v38;
	v45 =	vshll.u32 v60, $0x3  }
0x58: {  	[tilespmem:$0x2F0] =	vst v19;
	v14 =	vor.u32 v3, v14;
	v56 =	vshll.u32 v50, $0x3;
	v19 =	vand.u32 $0x7, v50  }
0x59: {  	v52 =	vld [tilespmem:$0x200];
	v30 =	vor.u32 v31, v43;
	v33 =	vadd.s32 v0, v33;
	v31 =	vand.u32 $0x7, v44  }
0x5a: {  	[tilespmem:$0x2D0] =	vst v18;
	v43 =	vor.u32 v41, v17;
	v44 =	vand.u32 $0x1FFFFFC0, v42;
	v18 =	vand.u32 $0x1FFFFFC0, v45  }
0x5b: {  	[tilespmem:$0x330] =	vst v24;
	v12 =	vor.u32 v3, v12;
	v24 =	vand.u32 $0x1FFFFFC0, v56;
	v30 =	vshll.u32 v30, $0x3  }
0x5c: {  	v32 =	vor.u32 v32, v33;
	v33 =	vor.u32 v34, v46;
	v34 =	vand.u32 $0x1FFFFFC0, v48  }
0x5d: {  	v57 =	vld [tilespmem:$0x210];
	v17 =	vadd.s32 v6, v44;
	v18 =	vadd.s32 v2, v18;
	v48 =	vand.u32 $0x7, v60  }
0x5e: {  	[tilespmem:$0x2E0] =	vst v16;
	v16 =	vshll.u32 v43, $0x3;
	v24 =	vadd.s32 v2, v24;
	v59 =	vshll.u32 v52, $0x3  }
0x5f: {  	[tilespmem:$0x340] =	vst v22;
	v22 =	vand.u32 $0x7, v52;
	v30 =	vor.u32 v1, v30;
	v32 =	vshll.u32 v32, $0x3  }
0x60: {  	v33 =	vshll.u32 v33, $0x3;
	v34 =	vadd.s32 v2, v34;
	v17 =	vor.u32 v47, v17  }
0x61: {  	[tilespmem:$0x290] =	vst v13;
	v18 =	vor.u32 v48, v18;
	v16 =	vor.u32 v3, v16;
	v19 =	vor.u32 v19, v24  }
0x62: {  	[tilespmem:$0x350] =	vst v25;
	v61 =	vshll.u32 v57, $0x3;
	v25 =	vand.u32 $0x7, v57;
	v32 =	vor.u32 v1, v32  }
0x63: {  	[tilespmem:$0x2B0] =	vst v15;
	v46 =	vld [tilespmem:$0x1D0];
	v33 =	vor.u32 v3, v33;
	v31 =	vor.u32 v31, v34;
	v34 =	vadd.s32 v4, v49  }
0x64: {  	[tilespmem:$0x300] =	vst v20;
	v60 =	vld [tilespmem:$0x230];
	v17 =	vshll.u32 v17, $0x3;
	v18 =	vshll.u32 v18, $0x3;
	v62 =	vand.u32 $0x1FFFFFC0, v61  }
0x65: {  	[tilespmem:$0x360] =	vst v26;
	v43 =	vld [tilespmem:$0x260];
	v37 =	vshll.u32 v19, $0x3;
	v31 =	vshll.u32 v31, $0x3;
	v34 =	vor.u32 v36, v34  }
0x66: {  	[tilespmem:$0x310] =	vst v21;
	v49 =	vld [tilespmem:$0x1E0];
	v36 =	vadd.s32 v2, v51;
	v17 =	vor.u32 v7, v17;
	v18 =	vor.u32 v3, v18  }
0x67: {  	[tilespmem:$0x370] =	vst v27;
	v31 =	vor.u32 v3, v31;
	v35 =	vor.u32 v35, v36;
	v58 =	vshll.u32 v34, $0x3  }
0x68: {  	[tilespmem:$0x320] =	vst v23;
	v13 =	vor.u32 v5, v58;
	v63 =	vshll.u32 v35, $0x3;
	v51 =	vshll.u32 v46, $0x3  }
0x69: {  	[tilespmem:$0x380] =	vst v28;
	v53 =	vand.u32 $0x7, v46;
	v35 =	vshll.u32 v60, $0x3;
	v24 =	vand.u32 $0x7, v60  }
0x6a: {  	[tilespmem:$0x390] =	vst v29;
	v36 =	vld [tilespmem:$0x250];
	v15 =	vor.u32 v3, v63;
	v21 =	vand.u32 $0x1FFFFFC0, v51;
	v39 =	vand.u32 $0x1FFFFFC0, v35  }
0x6b: {  	[tilespmem:$0x410] =	vst v14;
	v51 =	vshll.u32 v43, $0x3;
	v21 =	vadd.s32 v2, v21;
	v54 =	vshll.u32 v49, $0x3  }
0x6c: {  	v58 =	vld [tilespmem:$0x220];
	v20 =	vand.u32 $0x7, v49;
	[tilespmem:$0x3F0] =	vst v15;
	v15 =	vor.u32 v3, v37;
	v52 =	vand.u32 $0x1FFFFFC0, v51  }
0x6d: {  	v21 =	vor.u32 v53, v21;
	v55 =	vand.u32 $0x1FFFFFC0, v54;
	[tilespmem:$0x470] =	vst v15;
	v15 =	vadd.s32 v2, v52  }
0x6e: {  	[tilespmem:$0x400] =	vst v12;
	v63 =	vld [tilespmem:$0x240];
	v53 =	vand.u32 $0x7, v43;
	v21 =	vshll.u32 v21, $0x3;
	v23 =	vadd.s32 v2, v55  }
0x6f: {  	[tilespmem:$0x3A0] =	vst v30;
	v47 =	vshll.u32 v36, $0x3;
	v50 =	vand.u32 $0x7, v36;
	v15 =	vor.u32 v53, v15  }
0x70: {  	[tilespmem:$0x420] =	vst v16;
	v20 =	vor.u32 v20, v23;
	v21 =	vor.u32 v3, v21;
	v23 =	vand.u32 $0x1FFFFFC0, v59  }
0x71: {  	[tilespmem:$0x3B0] =	vst v32;
	v49 =	vld [tilespmem:$0x270];
	v32 =	vshll.u32 v58, $0x3;
	v40 =	vand.u32 $0x7, v58;
	v48 =	vand.u32 $0x1FFFFFC0, v47  }
0x72: {  	[tilespmem:$0x3C0] =	vst v33;
	v61 =	vshll.u32 v15, $0x3;
	v20 =	vshll.u32 v20, $0x3;
	v23 =	vadd.s32 v8, v23  }
0x73: {  	[tilespmem:$0x430] =	vst v17;
	v34 =	vand.u32 $0x1FFFFFC0, v32;
	v42 =	vshll.u32 v63, $0x3;
	v46 =	vand.u32 $0x7, v63  }
0x74: {  	[tilespmem:$0x440] =	vst v18;
	v18 =	vadd.s32 v10, v48;
	v20 =	vor.u32 v3, v20;
	v22 =	vor.u32 v22, v23  }
0x75: {  	[tilespmem:$0x3D0] =	vst v31;
	v23 =	vadd.s32 v2, v62;
	v38 =	vadd.s32 v2, v34;
	v19 =	vand.u32 $0x1FFFFFC0, v42  }
0x76: {  	[tilespmem:$0x3E0] =	vst v13;
	v18 =	vor.u32 v50, v18;
	v55 =	vshll.u32 v49, $0x3;
	v59 =	vand.u32 $0x7, v49  }
0x77: {  	[tilespmem:$0x450] =	vst v21;
	v62 =	vor.u32 v3, v61;
	v33 =	vor.u32 v25, v23;
	v23 =	vadd.s32 v2, v39  }
0x78: {  	v12 =	vor.u32 v40, v38;
	v44 =	vshll.u32 v22, $0x3;
	v45 =	vadd.s32 v2, v19;
	[tilespmem:$0x460] =	vst v20  }
0x79: {  	v57 =	vand.u32 $0x1FFFFFC0, v55;
	[tilespmem:$0x4E0] =	vst v62;
	v16 =	vor.u32 v9, v44;
	v13 =	vshll.u32 v33, $0x3  }
0x7a: {  	v41 =	vor.u32 v24, v23;
	v12 =	vshll.u32 v12, $0x3;
	v13 =	vor.u32 v3, v13;
	[tilespmem:$0x480] =	vst v16  }
0x7b: {  	v17 =	vor.u32 v46, v45;
	v12 =	vor.u32 v3, v12;
	v14 =	vshll.u32 v41, $0x3;
	[tilespmem:$0x490] =	vst v13  }
0x7c: {  	v54 =	vshll.u32 v17, $0x3;
	[tilespmem:$0x4A0] =	vst v12;
	v56 =	vor.u32 v3, v14;
	v14 =	vadd.s32 v2, v57  }
0x7d: {  	v58 =	vshll.u32 v18, $0x3;
	v13 =	vor.u32 v3, v54;
	[tilespmem:$0x4B0] =	vst v56;
	v60 =	vor.u32 v59, v14  }
0x7e: {  	v12 =	vor.u32 v11, v58;
	[tilespmem:$0x4C0] =	vst v13;
	v13 =	vshll.u32 v60, $0x3  }
0x7f: {  	[tilespmem:$0x4D0] =	vst v12;
	v63 =	vor.u32 v3, v13  }
0x80: {  	[tilespmem:$0x4F0] =	vst v63  }
0x81: {  	[tilespmem:s10], [sflag:$0x1] =	stream.indirect.gather [hbm4b:s2+s8], $0x10, s9, s8, $0xb8;
	[tilespmem:$0x2D00] =	vst v63  }
0x82: {  	_ = 	snop  }
0x83: {  	[tilespmem:s12], [sflag:$0x1] =	stream.indirect.gather [hbm4b:s2+s8], $0x10, s11, s8, $0xb8;
	[tilespmem:$0x2D00] =	vst v63  }
0x84: {  	_ = 	snop  }
0x85: {  	[tilespmem:s14], [sflag:$0x1] =	stream.indirect.gather [hbm4b:s2+s8], $0x10, s13, s8, $0xb8;
	[tilespmem:$0x2D00] =	vst v63  }
0x86: {  	_ = 	snop  }
0x87: {  	[tilespmem:s16], [sflag:$0x1] =	stream.indirect.gather [hbm4b:s2+s8], $0x10, s15, s8, $0xb8;
	[tilespmem:$0x2D00] =	vst v63  }
0x88: {  	_ = 	snop  }
0x89: {  	[tilespmem:s18], [sflag:$0x1] =	stream.indirect.gather [hbm4b:s2+s8], $0x10, s17, s8, $0xb8;
	[tilespmem:$0x2D00] =	vst v63  }
0x8a: {  	_ =	swait.ge [sflag:s19], $0x800  }
0x8b: {  	[sflag:s19] =	ssyncset.done $0x0  }
0x8c: {  	[sflag:s19] =	ssyncadd.s32 $0xFFFFF800  }
0x8d: {  	_ =	swait.ge [sflag:s19], $0x800  }
0x8e: {  	[sflag:s19] =	ssyncset.done $0x0  }
0x8f: {  	[sflag:s19] =	ssyncadd.s32 $0xFFFFF800  }
0x90: {  	_ =	swait.ge [sflag:s19], $0x800  }
0x91: {  	[sflag:s19] =	ssyncset.done $0x0  }
0x92: {  	[sflag:s19] =	ssyncadd.s32 $0xFFFFF800  }
0x93: {  	_ =	swait.ge [sflag:s19], $0x800  }
0x94: {  	[sflag:s19] =	ssyncset.done $0x0  }
0x95: {  	[sflag:s19] =	ssyncadd.s32 $0xFFFFF800  }
0x96: {  	_ =	swait.ge [sflag:s19], $0x800  }
0x97: {  	p0 =	sne.s32 s6, $0x1;
	[sflag:s19] =	ssyncset.done $0x0  }
.Ltmp0:
0x98: {  	[sflag:s19] =	ssyncadd.s32 $0xFFFFF800;
	(pc) =	sbr.rel @p0 .LBB2_1-.Ltmp0, $4  }
0x99: {  	[hbm4b:s5+s3] =	stream.linear.scatter [tilespmem:s10], [sflag:$0x2], $0x2800, $0x38;
	[tilespmem:$0x2D00] =	vst v63  }
0x9a: {  	_ =	swait.ge [sflag:s7], $0x2800  }
0x9b: {  	[sflag:s7] =	ssyncset.done $0x0  }
0x9c: {  	s6 =	sadd.s32 $0xFFFFFFFF, s6;
	[sflag:s7] =	ssyncadd.s32 $0xFFFFD800  }
0x9d: {  	_ =	sfence.sel $0x180000  }
0x9e: {  	[bflag:$0x0] =	sbarrier.arrive $0xFFFF  }
0x9f: {  	p0 =	sne.s32 s0, $0x0;
	_ =	strace $0x90000047  }
0xa0: {  	s0 =	sadd.s32 @!p0 $0x100000, s1;
	[bflag:$0x2] =	sbarrier.arrive $0xFFFF  }
0xa1: {  	[sflag:s0] =	ssyncadd.tile.s32 @!p0 $0x1;
	_ =	shalt  }
.Lfunc_end2:
_tile_overlayer_lowered:
.L_overlay_start_2:
0xa2: {  	(tag) =	ssettag $0x2  }
0xa3: {  	s0 =	rddreg [dreg:$0x0];
	s2 =	stileid.u32  }
0xa4: {  	s1 =	rddreg [dreg:$0x1];
	p0 =	sne.s32 s2, $0x0  }
0xa5: {  	s3 =	rddreg [dreg:$0x2];
	[bflag:$0x3] =	sbarrier.arrive $0xFFFF;
	s2 =	simm.s32 @!p0 $0x1C02  }
0xa6: {  	[timem:s3], [sflag:s2] =	dma.local @!p0 [hbm:s0], s1  }
0xa7: {  	s0 =	simm.s32 @!p0 $0x2  }
0xa8: {  	_ =	swait.ge @!p0 [sflag:s0], s1  }
0xa9: {  	s1 =	ssub.s32 @!p0 $0x0, s1;
	[sflag:s0] =	ssyncset.done @!p0 $0x0  }
0xaa: {  	[sflag:s0] =	ssyncadd.s32 @!p0 s1  }
0xab: {  	[bflag:$0x3] =	sbarrier.arrive $0xFFFF  }
0xac: {  	_ =	shalt  }

</sc_bundles>
